<compile_context>
chip_gen: v7x
topology: tpu7x:2x2x1
jax: 0.10.2.dev20260603
libtpu: 0.0.44.dev20260713+nightly
codegen_flags: <defaults>
</compile_context>

<pallas_src>
import dataclasses
import functools

import jax
import jax.numpy as jnp
from jax import lax
from jax.experimental import pallas as pl
from jax.experimental.pallas import tpu as pltpu
from jax.experimental.pallas import tpu_sc as plsc

_NC = 2
_NS = 16
_L = 16
_NW = _NC * _NS
_B, _H, _W = 8, 512, 512
_NPIX = _B * _H * _W
_PLANE = _H * _W
_PW = _NPIX // _NW
_WPB = _PLANE // _PW
_C = 8192
_NCHUNK = _PW // _C
_U = 4

_TPAD = 160
_MPAD = 768


def _sc_lookup(mask_flat, mesh_flat, im_pad):
    mesh = plsc.VectorSubcoreMesh(core_axis_name="c", subcore_axis_name="s")
    cp = pltpu.CompilerParams()
    if "needs_layout_passes" in pltpu.CompilerParams.__dataclass_fields__:
        cp = dataclasses.replace(cp, needs_layout_passes=False)

    @functools.partial(
        pl.kernel,
        compiler_params=cp,
        out_type=jax.ShapeDtypeStruct((_NPIX * 3,), jnp.float32),
        mesh=mesh,
        scratch_types=[
            pltpu.VMEM((648,), jnp.float32),
            pltpu.VMEM((_TPAD,), jnp.int32),
            pltpu.VMEM((3 * _TPAD,), jnp.float32),
            pltpu.VMEM((_C,), jnp.int32),
            pltpu.VMEM((_C,), jnp.int32),
            pltpu.VMEM((3 * _C,), jnp.float32),
            pltpu.VMEM((3 * _C,), jnp.float32),
            pltpu.SemaphoreType.DMA,
            pltpu.SemaphoreType.DMA,
            pltpu.SemaphoreType.DMA,
            pltpu.SemaphoreType.DMA,
        ],
    )
    def k(mask_hbm, mesh_hbm, im_hbm, out_hbm, mesh_v, im_v, tab_v,
          mbuf0, mbuf1, obuf0, obuf1, sin0, sin1, sout0, sout1):
        wid = lax.axis_index("s") * _NC + lax.axis_index("c")
        base0 = wid * _PW
        b_img = wid // _WPB
        po = (wid % _WPB) * _PW
        mbuf = (mbuf0, mbuf1)
        obuf = (obuf0, obuf1)
        sin = (sin0, sin1)
        sout = (sout0, sout1)

        in_cp = [None] * _NCHUNK
        out_cp = [None] * _NCHUNK
        for c in range(2):
            in_cp[c] = pltpu.async_copy(
                mask_hbm.at[pl.ds(base0 + c * _C, _C)], mbuf[c], sin[c])

        im_v[pl.ds(_TPAD - _L, _L)] = lax.iota(jnp.int32, _L) * 0
        mcp = pltpu.async_copy(mesh_hbm, mesh_v, sout[0])
        icp = pltpu.async_copy(im_hbm, im_v.at[pl.ds(0, 150)], sout[1])
        mcp.wait()
        icp.wait()

        for g in range(_TPAD // _L):
            imv = im_v[pl.ds(g * _L, _L)]
            j3 = imv * 3
            for d in range(3):
                v = plsc.load_gather(mesh_v, [j3 + d])
                tab_v[pl.ds(_TPAD * d + g * _L, _L)] = v

        def _do_chunk(c, b):
            mb = mbuf[b]
            ob = obuf[b]

            @pl.when(c >= 2)
            def _drain_out():
                for d in range(3):
                    pltpu.make_async_copy(
                        ob.at[pl.ds(d * _C, _C)],
                        out_hbm.at[pl.ds(0, _C)], sout[b]).wait()

            pltpu.make_async_copy(
                mask_hbm.at[pl.ds(base0, _C)], mb, sin[b]).wait()

            @plsc.parallel_loop(0, _C // 128, unroll=1)
            def _run(t, mb=mb, ob=ob):
                in_off = t * 128
                out_off = ((t // 32) * 4096 + (t % 8) * 512
                           + ((t // 8) % 4) * 128)
                for u in range(8):
                    j = mb[pl.ds(in_off + u * _L, _L)]
                    for d in range(3):
                        v = plsc.load_gather(tab_v, [j + _TPAD * d])
                        ob[pl.ds(d * _C + out_off + u * _L, _L)] = v

            for d in range(3):
                pltpu.async_copy(
                    ob.at[pl.ds(d * _C, _C)],
                    out_hbm.at[pl.ds((b_img * 3 + d) * _PLANE + po + c * _C,
                                     _C)],
                    sout[b])

            @pl.when(c + 2 < _NCHUNK)
            def _prefetch():
                pltpu.async_copy(
                    mask_hbm.at[pl.ds(base0 + (c + 2) * _C, _C)], mb, sin[b])

        @pl.loop(0, _NCHUNK, step=2)
        def _pair(c0):
            _do_chunk(c0, 0)
            _do_chunk(c0 + 1, 1)

        for b in range(2):
            for d in range(3):
                pltpu.make_async_copy(
                    obuf[b].at[pl.ds(d * _C, _C)],
                    out_hbm.at[pl.ds(0, _C)], sout[b]).wait()

    return k(mask_flat, mesh_flat, im_pad)


def kernel(mask, mesh_weight, index_map):
    m5 = mask.reshape(_B, _H // 8, 8, _W // 128, 128)
    mask_flat = m5.transpose(0, 1, 3, 2, 4).reshape(-1)
    oflat = _sc_lookup(mask_flat, mesh_weight.reshape(-1), index_map)
    return oflat.reshape(_B, 3, _H, _W).transpose(0, 2, 3, 1)

# --- scband reference (transcript-rebuilt; emitter-appended) ---
"""Pipeline reference for scband-mask-mesh-converter-16312285790671 (READ-ONLY COPY).

The authoritative reference and input builder live on the scoring server;
editing this copy changes nothing except your own understanding.
"""

import jax, jax.numpy as jnp
import numpy as np
import math


def _build_params():
    labels = list(range(150))
    mesh_dim = 3
    n = math.ceil(len(labels) ** (1.0 / mesh_dim))
    lin = np.linspace(0.0, 1.0, n, dtype=np.float32)
    grids = np.meshgrid(*([lin] * mesh_dim), indexing='ij')
    mesh = np.stack([g.reshape(-1) for g in grids], axis=-1)  # (n**mesh_dim, mesh_dim)
    mesh_weight = jnp.asarray(mesh, dtype=jnp.float32)
    index_map_np = np.full(max(labels) + 1, -1, dtype=np.int32)
    for i, x in enumerate(labels):
        index_map_np[x] = i
    index_map = jnp.asarray(index_map_np)
    return mesh_weight, index_map


def setup_inputs(seed: int = 0) -> dict:
    key = jax.random.key(seed)
    mesh_weight, index_map = _build_params()
    mask = jax.random.randint(key, (8, 512, 512), 0, 150, dtype=jnp.int32)
    return {"mask": mask, "mesh_weight": mesh_weight, "index_map": index_map}


def reference(mask, mesh_weight, index_map):
    # index_mask_to_nd_mesh: mesh_idx_mask = index_map[mask]; embedding lookup; detach
    mesh_idx_mask = jnp.take(index_map, mask, axis=0)
    embedding = jnp.take(mesh_weight, mesh_idx_mask, axis=0)
    return jax.lax.stop_gradient(embedding)

if __name__ == "__main__":
    import jax
    _d = setup_inputs()
    print(jax.jit(kernel)(*tuple(_d.values())))

</pallas_src>

<mosaic_0001>
#map = affine_map<(d0, d1) -> (0)>
module attributes {stable_mosaic.version = 14 : i64} {
  func.func @k(%arg0: i32, %arg1: i32, %arg2: memref<2097152xi32, #tpu.memory_space<hbm>>, %arg3: memref<648xf32, #tpu.memory_space<hbm>>, %arg4: memref<150xi32, #tpu.memory_space<hbm>>, %arg5: memref<6291456xf32, #tpu.memory_space<hbm>>, %arg6: memref<648xf32, #tpu.memory_space<vmem>>, %arg7: memref<160xi32, #tpu.memory_space<vmem>>, %arg8: memref<480xf32, #tpu.memory_space<vmem>>, %arg9: memref<8192xi32, #tpu.memory_space<vmem>>, %arg10: memref<8192xi32, #tpu.memory_space<vmem>>, %arg11: memref<24576xf32, #tpu.memory_space<vmem>>, %arg12: memref<24576xf32, #tpu.memory_space<vmem>>, %arg13: memref<!tpu.dma_semaphore, #tpu.memory_space<semaphore_mem>>, %arg14: memref<!tpu.dma_semaphore, #tpu.memory_space<semaphore_mem>>, %arg15: memref<!tpu.dma_semaphore, #tpu.memory_space<semaphore_mem>>, %arg16: memref<!tpu.dma_semaphore, #tpu.memory_space<semaphore_mem>>) attributes {dimension_semantics = [#tpu.dimension_semantics<core_parallel>, #tpu.dimension_semantics<subcore_parallel>], iteration_bounds = array<i64: 2, 16>, scalar_prefetch = 0 : i64, scratch_operands = 11 : i64, tpu.core_type = #tpu.core_type<sc_vector_subcore>, window_params = [{transform_indices = #map}, {transform_indices = #map}, {transform_indices = #map}, {transform_indices = #map}]} {
    %mul3A = arith.constant 2 : i32
    %mul3A_0 = arith.muli %arg1, %mul3A : i32
    %add3A = arith.addi %mul3A_0, %arg0 : i32
    %mul3A_1 = arith.constant 65536 : i32
    %mul3A_2 = arith.muli %add3A, %mul3A_1 : i32
    %jit3A = arith.constant 4 : i32
    %div3A = arith.divsi %add3A, %jit3A : i32
    %sign3A = arith.constant 0 : i32
    %sign3A_3 = arith.cmpi sgt, %add3A, %sign3A : i32
    %sign3A_4 = arith.extui %sign3A_3 : i1 to i32
    %sign3A_5 = arith.constant 0 : i32
    %sign3A_6 = arith.cmpi slt, %add3A, %sign3A_5 : i32
    %sign3A_7 = arith.extui %sign3A_6 : i1 to i32
    %sign3A_8 = arith.subi %sign3A_4, %sign3A_7 : i32
    %sign3A_9 = arith.constant 0 : i32
    %sign3A_10 = arith.cmpi sgt, %jit3A, %sign3A_9 : i32
    %sign3A_11 = arith.extui %sign3A_10 : i1 to i32
    %sign3A_12 = arith.constant 0 : i32
    %sign3A_13 = arith.cmpi slt, %jit3A, %sign3A_12 : i32
    %sign3A_14 = arith.extui %sign3A_13 : i1 to i32
    %sign3A_15 = arith.subi %sign3A_11, %sign3A_14 : i32
    %ne3A = arith.cmpi ne, %sign3A_8, %sign3A_15 : i32
    %rem3A = arith.remsi %add3A, %jit3A : i32
    %ne3A_16 = arith.constant 0 : i32
    %ne3A_17 = arith.cmpi ne, %rem3A, %ne3A_16 : i32
    %and3A = arith.andi %ne3A, %ne3A_17 : i1
    %sub3A = arith.constant 1 : i32
    %sub3A_18 = arith.subi %div3A, %sub3A : i32
    %select_n3A = arith.select %and3A, %sub3A_18, %div3A : i32
    %jit3A_19 = arith.constant 4 : i32
    %eq3A = arith.constant 0 : i32
    %eq3A_20 = arith.cmpi eq, %jit3A_19, %eq3A : i32
    %jit3A_21 = arith.constant 1 : i32
    %select_n3A_22 = arith.select %eq3A_20, %jit3A_21, %jit3A_19 : i32
    %rem3A_23 = arith.remsi %add3A, %select_n3A_22 : i32
    %ne3A_24 = arith.constant 0 : i32
    %ne3A_25 = arith.cmpi ne, %rem3A_23, %ne3A_24 : i32
    %lt3A = arith.constant 0 : i32
    %lt3A_26 = arith.cmpi slt, %rem3A_23, %lt3A : i32
    %lt3A_27 = arith.constant 0 : i32
    %lt3A_28 = arith.cmpi slt, %select_n3A_22, %lt3A_27 : i32
    %ne3A_29 = arith.xori %lt3A_26, %lt3A_28 : i1
    %and3A_30 = arith.andi %ne3A_29, %ne3A_25 : i1
    %add3A_31 = arith.addi %rem3A_23, %select_n3A_22 : i32
    %select_n3A_32 = arith.select %and3A_30, %add3A_31, %rem3A_23 : i32
    %mul3A_33 = arith.constant 65536 : i32
    %mul3A_34 = arith.muli %select_n3A_32, %mul3A_33 : i32
    %add3A_35 = arith.constant 0 : i32
    %add3A_36 = arith.addi %mul3A_2, %add3A_35 : i32
    %dma_start3A = tpu.memref_slice %arg2[%add3A_36] : memref<2097152xi32, #tpu.memory_space<hbm>> -> memref<8192xi32, #tpu.memory_space<hbm>>
    %dma_start3A_37 = tpu.memref_slice %arg2[%add3A_36] : memref<2097152xi32, #tpu.memory_space<hbm>> -> memref<8192xi32, #tpu.memory_space<hbm>>
    tpu.enqueue_dma source(%dma_start3A_37 : memref<8192xi32, #tpu.memory_space<hbm>>) target(%arg9 : memref<8192xi32, #tpu.memory_space<vmem>>) target_semaphore(%arg13 : memref<!tpu.dma_semaphore, #tpu.memory_space<semaphore_mem>>)
    %add3A_38 = arith.constant 8192 : i32
    %add3A_39 = arith.addi %mul3A_2, %add3A_38 : i32
    %dma_start3A_40 = tpu.memref_slice %arg2[%add3A_39] : memref<2097152xi32, #tpu.memory_space<hbm>> -> memref<8192xi32, #tpu.memory_space<hbm>>
    %dma_start3A_41 = tpu.memref_slice %arg2[%add3A_39] : memref<2097152xi32, #tpu.memory_space<hbm>> -> memref<8192xi32, #tpu.memory_space<hbm>>
    tpu.enqueue_dma source(%dma_start3A_41 : memref<8192xi32, #tpu.memory_space<hbm>>) target(%arg10 : memref<8192xi32, #tpu.memory_space<vmem>>) target_semaphore(%arg14 : memref<!tpu.dma_semaphore, #tpu.memory_space<semaphore_mem>>)
    %iota3A = tpu.iota {dimensions = array<i32: 0>} : vector<16xi32>
    %mul3A_42 = arith.constant 0 : i32
    %mul3A_43 = vector.broadcast %mul3A_42 : i32 to vector<16xi32>
    %mul3A_44 = arith.muli %iota3A, %mul3A_43 : vector<16xi32>
    %swap3A = arith.constant 144 : index
    %swap3A_45 = tpu.vector_load %arg7[%swap3A] {strides = array<i32>} : memref<160xi32, #tpu.memory_space<vmem>>, vector<16xi32>,
    tpu.vector_store %arg7[%swap3A], %mul3A_44 {strides = array<i32>} : memref<160xi32, #tpu.memory_space<vmem>>, vector<16xi32>,
    tpu.enqueue_dma source(%arg3 : memref<648xf32, #tpu.memory_space<hbm>>) target(%arg6 : memref<648xf32, #tpu.memory_space<vmem>>) target_semaphore(%arg15 : memref<!tpu.dma_semaphore, #tpu.memory_space<semaphore_mem>>)
    %dma_start3A_46 = arith.constant 0 : i32
    %dma_start3A_47 = tpu.memref_slice %arg7[%dma_start3A_46] : memref<160xi32, #tpu.memory_space<vmem>> -> memref<150xi32, #tpu.memory_space<vmem>>
    %dma_start3A_48 = arith.constant 0 : i32
    %dma_start3A_49 = tpu.memref_slice %arg7[%dma_start3A_48] : memref<160xi32, #tpu.memory_space<vmem>> -> memref<150xi32, #tpu.memory_space<vmem>>
    tpu.enqueue_dma source(%arg4 : memref<150xi32, #tpu.memory_space<hbm>>) target(%dma_start3A_49 : memref<150xi32, #tpu.memory_space<vmem>>) target_semaphore(%arg16 : memref<!tpu.dma_semaphore, #tpu.memory_space<semaphore_mem>>)
    tpu.wait_dma2 semaphore(%arg15 : memref<!tpu.dma_semaphore, #tpu.memory_space<semaphore_mem>>) src(%arg3 : memref<648xf32, #tpu.memory_space<hbm>>) dst(%arg6 : memref<648xf32, #tpu.memory_space<vmem>>)
    %dma_wait3A = arith.constant 0 : i32
    %dma_wait3A_50 = tpu.memref_slice %arg7[%dma_wait3A] : memref<160xi32, #tpu.memory_space<vmem>> -> memref<150xi32, #tpu.memory_space<vmem>>
    %dma_wait3A_51 = arith.constant 0 : i32
    %dma_wait3A_52 = tpu.memref_slice %arg7[%dma_wait3A_51] : memref<160xi32, #tpu.memory_space<vmem>> -> memref<150xi32, #tpu.memory_space<vmem>>
    tpu.wait_dma2 semaphore(%arg16 : memref<!tpu.dma_semaphore, #tpu.memory_space<semaphore_mem>>) src(%arg4 : memref<150xi32, #tpu.memory_space<hbm>>) dst(%dma_wait3A_52 : memref<150xi32, #tpu.memory_space<vmem>>)
    %get3A = arith.constant 0 : index
    %get3A_53 = tpu.vector_load %arg7[%get3A] {strides = array<i32>} : memref<160xi32, #tpu.memory_space<vmem>>, vector<16xi32>,
    %mul3A_54 = arith.constant 3 : i32
    %mul3A_55 = vector.broadcast %mul3A_54 : i32 to vector<16xi32>
    %mul3A_56 = arith.muli %get3A_53, %mul3A_55 : vector<16xi32>
    %add3A_57 = arith.constant 0 : i32
    %add3A_58 = vector.broadcast %add3A_57 : i32 to vector<16xi32>
    %add3A_59 = arith.addi %mul3A_56, %add3A_58 : vector<16xi32>
    %gather3A = tpu.vector_load_idx %arg6[%add3A_59] : memref<648xf32, #tpu.memory_space<vmem>>[vector<16xi32>], vector<16xf32>,
    %swap3A_60 = arith.constant 0 : index
    %swap3A_61 = tpu.vector_load %arg8[%swap3A_60] {strides = array<i32>} : memref<480xf32, #tpu.memory_space<vmem>>, vector<16xf32>,
    tpu.vector_store %arg8[%swap3A_60], %gather3A {strides = array<i32>} : memref<480xf32, #tpu.memory_space<vmem>>, vector<16xf32>,
    %add3A_62 = arith.constant 1 : i32
    %add3A_63 = vector.broadcast %add3A_62 : i32 to vector<16xi32>
    %add3A_64 = arith.addi %mul3A_56, %add3A_63 : vector<16xi32>
    %gather3A_65 = tpu.vector_load_idx %arg6[%add3A_64] : memref<648xf32, #tpu.memory_space<vmem>>[vector<16xi32>], vector<16xf32>,
    %swap3A_66 = arith.constant 160 : index
    %swap3A_67 = tpu.vector_load %arg8[%swap3A_66] {strides = array<i32>} : memref<480xf32, #tpu.memory_space<vmem>>, vector<16xf32>,
    tpu.vector_store %arg8[%swap3A_66], %gather3A_65 {strides = array<i32>} : memref<480xf32, #tpu.memory_space<vmem>>, vector<16xf32>,
    %add3A_68 = arith.constant 2 : i32
    %add3A_69 = vector.broadcast %add3A_68 : i32 to vector<16xi32>
    %add3A_70 = arith.addi %mul3A_56, %add3A_69 : vector<16xi32>
    %gather3A_71 = tpu.vector_load_idx %arg6[%add3A_70] : memref<648xf32, #tpu.memory_space<vmem>>[vector<16xi32>], vector<16xf32>,
    %swap3A_72 = arith.constant 320 : index
    %swap3A_73 = tpu.vector_load %arg8[%swap3A_72] {strides = array<i32>} : memref<480xf32, #tpu.memory_space<vmem>>, vector<16xf32>,
    tpu.vector_store %arg8[%swap3A_72], %gather3A_71 {strides = array<i32>} : memref<480xf32, #tpu.memory_space<vmem>>, vector<16xf32>,
    %get3A_74 = arith.constant 16 : index
    %get3A_75 = tpu.vector_load %arg7[%get3A_74] {strides = array<i32>} : memref<160xi32, #tpu.memory_space<vmem>>, vector<16xi32>,
    %mul3A_76 = arith.constant 3 : i32
    %mul3A_77 = vector.broadcast %mul3A_76 : i32 to vector<16xi32>
    %mul3A_78 = arith.muli %get3A_75, %mul3A_77 : vector<16xi32>
    %add3A_79 = arith.constant 0 : i32
    %add3A_80 = vector.broadcast %add3A_79 : i32 to vector<16xi32>
    %add3A_81 = arith.addi %mul3A_78, %add3A_80 : vector<16xi32>
    %gather3A_82 = tpu.vector_load_idx %arg6[%add3A_81] : memref<648xf32, #tpu.memory_space<vmem>>[vector<16xi32>], vector<16xf32>,
    %swap3A_83 = arith.constant 16 : index
    %swap3A_84 = tpu.vector_load %arg8[%swap3A_83] {strides = array<i32>} : memref<480xf32, #tpu.memory_space<vmem>>, vector<16xf32>,
    tpu.vector_store %arg8[%swap3A_83], %gather3A_82 {strides = array<i32>} : memref<480xf32, #tpu.memory_space<vmem>>, vector<16xf32>,
    %add3A_85 = arith.constant 1 : i32
    %add3A_86 = vector.broadcast %add3A_85 : i32 to vector<16xi32>
    %add3A_87 = arith.addi %mul3A_78, %add3A_86 : vector<16xi32>
    %gather3A_88 = tpu.vector_load_idx %arg6[%add3A_87] : memref<648xf32, #tpu.memory_space<vmem>>[vector<16xi32>], vector<16xf32>,
    %swap3A_89 = arith.constant 176 : index
    %swap3A_90 = tpu.vector_load %arg8[%swap3A_89] {strides = array<i32>} : memref<480xf32, #tpu.memory_space<vmem>>, vector<16xf32>,
    tpu.vector_store %arg8[%swap3A_89], %gather3A_88 {strides = array<i32>} : memref<480xf32, #tpu.memory_space<vmem>>, vector<16xf32>,
    %add3A_91 = arith.constant 2 : i32
    %add3A_92 = vector.broadcast %add3A_91 : i32 to vector<16xi32>
    %add3A_93 = arith.addi %mul3A_78, %add3A_92 : vector<16xi32>
    %gather3A_94 = tpu.vector_load_idx %arg6[%add3A_93] : memref<648xf32, #tpu.memory_space<vmem>>[vector<16xi32>], vector<16xf32>,
    %swap3A_95 = arith.constant 336 : index
    %swap3A_96 = tpu.vector_load %arg8[%swap3A_95] {strides = array<i32>} : memref<480xf32, #tpu.memory_space<vmem>>, vector<16xf32>,
    tpu.vector_store %arg8[%swap3A_95], %gather3A_94 {strides = array<i32>} : memref<480xf32, #tpu.memory_space<vmem>>, vector<16xf32>,
    %get3A_97 = arith.constant 32 : index
    %get3A_98 = tpu.vector_load %arg7[%get3A_97] {strides = array<i32>} : memref<160xi32, #tpu.memory_space<vmem>>, vector<16xi32>,
    %mul3A_99 = arith.constant 3 : i32
    %mul3A_100 = vector.broadcast %mul3A_99 : i32 to vector<16xi32>
    %mul3A_101 = arith.muli %get3A_98, %mul3A_100 : vector<16xi32>
    %add3A_102 = arith.constant 0 : i32
    %add3A_103 = vector.broadcast %add3A_102 : i32 to vector<16xi32>
    %add3A_104 = arith.addi %mul3A_101, %add3A_103 : vector<16xi32>
    %gather3A_105 = tpu.vector_load_idx %arg6[%add3A_104] : memref<648xf32, #tpu.memory_space<vmem>>[vector<16xi32>], vector<16xf32>,
    %swap3A_106 = arith.constant 32 : index
    %swap3A_107 = tpu.vector_load %arg8[%swap3A_106] {strides = array<i32>} : memref<480xf32, #tpu.memory_space<vmem>>, vector<16xf32>,
    tpu.vector_store %arg8[%swap3A_106], %gather3A_105 {strides = array<i32>} : memref<480xf32, #tpu.memory_space<vmem>>, vector<16xf32>,
    %add3A_108 = arith.constant 1 : i32
    %add3A_109 = vector.broadcast %add3A_108 : i32 to vector<16xi32>
    %add3A_110 = arith.addi %mul3A_101, %add3A_109 : vector<16xi32>
    %gather3A_111 = tpu.vector_load_idx %arg6[%add3A_110] : memref<648xf32, #tpu.memory_space<vmem>>[vector<16xi32>], vector<16xf32>,
    %swap3A_112 = arith.constant 192 : index
    %swap3A_113 = tpu.vector_load %arg8[%swap3A_112] {strides = array<i32>} : memref<480xf32, #tpu.memory_space<vmem>>, vector<16xf32>,
    tpu.vector_store %arg8[%swap3A_112], %gather3A_111 {strides = array<i32>} : memref<480xf32, #tpu.memory_space<vmem>>, vector<16xf32>,
    %add3A_114 = arith.constant 2 : i32
    %add3A_115 = vector.broadcast %add3A_114 : i32 to vector<16xi32>
    %add3A_116 = arith.addi %mul3A_101, %add3A_115 : vector<16xi32>
    %gather3A_117 = tpu.vector_load_idx %arg6[%add3A_116] : memref<648xf32, #tpu.memory_space<vmem>>[vector<16xi32>], vector<16xf32>,
    %swap3A_118 = arith.constant 352 : index
    %swap3A_119 = tpu.vector_load %arg8[%swap3A_118] {strides = array<i32>} : memref<480xf32, #tpu.memory_space<vmem>>, vector<16xf32>,
    tpu.vector_store %arg8[%swap3A_118], %gather3A_117 {strides = array<i32>} : memref<480xf32, #tpu.memory_space<vmem>>, vector<16xf32>,
    %get3A_120 = arith.constant 48 : index
    %get3A_121 = tpu.vector_load %arg7[%get3A_120] {strides = array<i32>} : memref<160xi32, #tpu.memory_space<vmem>>, vector<16xi32>,
    %mul3A_122 = arith.constant 3 : i32
    %mul3A_123 = vector.broadcast %mul3A_122 : i32 to vector<16xi32>
    %mul3A_124 = arith.muli %get3A_121, %mul3A_123 : vector<16xi32>
    %add3A_125 = arith.constant 0 : i32
    %add3A_126 = vector.broadcast %add3A_125 : i32 to vector<16xi32>
    %add3A_127 = arith.addi %mul3A_124, %add3A_126 : vector<16xi32>
    %gather3A_128 = tpu.vector_load_idx %arg6[%add3A_127] : memref<648xf32, #tpu.memory_space<vmem>>[vector<16xi32>], vector<16xf32>,
    %swap3A_129 = arith.constant 48 : index
    %swap3A_130 = tpu.vector_load %arg8[%swap3A_129] {strides = array<i32>} : memref<480xf32, #tpu.memory_space<vmem>>, vector<16xf32>,
    tpu.vector_store %arg8[%swap3A_129], %gather3A_128 {strides = array<i32>} : memref<480xf32, #tpu.memory_space<vmem>>, vector<16xf32>,
    %add3A_131 = arith.constant 1 : i32
    %add3A_132 = vector.broadcast %add3A_131 : i32 to vector<16xi32>
    %add3A_133 = arith.addi %mul3A_124, %add3A_132 : vector<16xi32>
    %gather3A_134 = tpu.vector_load_idx %arg6[%add3A_133] : memref<648xf32, #tpu.memory_space<vmem>>[vector<16xi32>], vector<16xf32>,
    %swap3A_135 = arith.constant 208 : index
    %swap3A_136 = tpu.vector_load %arg8[%swap3A_135] {strides = array<i32>} : memref<480xf32, #tpu.memory_space<vmem>>, vector<16xf32>,
    tpu.vector_store %arg8[%swap3A_135], %gather3A_134 {strides = array<i32>} : memref<480xf32, #tpu.memory_space<vmem>>, vector<16xf32>,
    %add3A_137 = arith.constant 2 : i32
    %add3A_138 = vector.broadcast %add3A_137 : i32 to vector<16xi32>
    %add3A_139 = arith.addi %mul3A_124, %add3A_138 : vector<16xi32>
    %gather3A_140 = tpu.vector_load_idx %arg6[%add3A_139] : memref<648xf32, #tpu.memory_space<vmem>>[vector<16xi32>], vector<16xf32>,
    %swap3A_141 = arith.constant 368 : index
    %swap3A_142 = tpu.vector_load %arg8[%swap3A_141] {strides = array<i32>} : memref<480xf32, #tpu.memory_space<vmem>>, vector<16xf32>,
    tpu.vector_store %arg8[%swap3A_141], %gather3A_140 {strides = array<i32>} : memref<480xf32, #tpu.memory_space<vmem>>, vector<16xf32>,
    %get3A_143 = arith.constant 64 : index
    %get3A_144 = tpu.vector_load %arg7[%get3A_143] {strides = array<i32>} : memref<160xi32, #tpu.memory_space<vmem>>, vector<16xi32>,
    %mul3A_145 = arith.constant 3 : i32
    %mul3A_146 = vector.broadcast %mul3A_145 : i32 to vector<16xi32>
    %mul3A_147 = arith.muli %get3A_144, %mul3A_146 : vector<16xi32>
    %add3A_148 = arith.constant 0 : i32
    %add3A_149 = vector.broadcast %add3A_148 : i32 to vector<16xi32>
    %add3A_150 = arith.addi %mul3A_147, %add3A_149 : vector<16xi32>
    %gather3A_151 = tpu.vector_load_idx %arg6[%add3A_150] : memref<648xf32, #tpu.memory_space<vmem>>[vector<16xi32>], vector<16xf32>,
    %swap3A_152 = arith.constant 64 : index
    %swap3A_153 = tpu.vector_load %arg8[%swap3A_152] {strides = array<i32>} : memref<480xf32, #tpu.memory_space<vmem>>, vector<16xf32>,
    tpu.vector_store %arg8[%swap3A_152], %gather3A_151 {strides = array<i32>} : memref<480xf32, #tpu.memory_space<vmem>>, vector<16xf32>,
    %add3A_154 = arith.constant 1 : i32
    %add3A_155 = vector.broadcast %add3A_154 : i32 to vector<16xi32>
    %add3A_156 = arith.addi %mul3A_147, %add3A_155 : vector<16xi32>
    %gather3A_157 = tpu.vector_load_idx %arg6[%add3A_156] : memref<648xf32, #tpu.memory_space<vmem>>[vector<16xi32>], vector<16xf32>,
    %swap3A_158 = arith.constant 224 : index
    %swap3A_159 = tpu.vector_load %arg8[%swap3A_158] {strides = array<i32>} : memref<480xf32, #tpu.memory_space<vmem>>, vector<16xf32>,
    tpu.vector_store %arg8[%swap3A_158], %gather3A_157 {strides = array<i32>} : memref<480xf32, #tpu.memory_space<vmem>>, vector<16xf32>,
    %add3A_160 = arith.constant 2 : i32
    %add3A_161 = vector.broadcast %add3A_160 : i32 to vector<16xi32>
    %add3A_162 = arith.addi %mul3A_147, %add3A_161 : vector<16xi32>
    %gather3A_163 = tpu.vector_load_idx %arg6[%add3A_162] : memref<648xf32, #tpu.memory_space<vmem>>[vector<16xi32>], vector<16xf32>,
    %swap3A_164 = arith.constant 384 : index
    %swap3A_165 = tpu.vector_load %arg8[%swap3A_164] {strides = array<i32>} : memref<480xf32, #tpu.memory_space<vmem>>, vector<16xf32>,
    tpu.vector_store %arg8[%swap3A_164], %gather3A_163 {strides = array<i32>} : memref<480xf32, #tpu.memory_space<vmem>>, vector<16xf32>,
    %get3A_166 = arith.constant 80 : index
    %get3A_167 = tpu.vector_load %arg7[%get3A_166] {strides = array<i32>} : memref<160xi32, #tpu.memory_space<vmem>>, vector<16xi32>,
    %mul3A_168 = arith.constant 3 : i32
    %mul3A_169 = vector.broadcast %mul3A_168 : i32 to vector<16xi32>
    %mul3A_170 = arith.muli %get3A_167, %mul3A_169 : vector<16xi32>
    %add3A_171 = arith.constant 0 : i32
    %add3A_172 = vector.broadcast %add3A_171 : i32 to vector<16xi32>
    %add3A_173 = arith.addi %mul3A_170, %add3A_172 : vector<16xi32>
    %gather3A_174 = tpu.vector_load_idx %arg6[%add3A_173] : memref<648xf32, #tpu.memory_space<vmem>>[vector<16xi32>], vector<16xf32>,
    %swap3A_175 = arith.constant 80 : index
    %swap3A_176 = tpu.vector_load %arg8[%swap3A_175] {strides = array<i32>} : memref<480xf32, #tpu.memory_space<vmem>>, vector<16xf32>,
    tpu.vector_store %arg8[%swap3A_175], %gather3A_174 {strides = array<i32>} : memref<480xf32, #tpu.memory_space<vmem>>, vector<16xf32>,
    %add3A_177 = arith.constant 1 : i32
    %add3A_178 = vector.broadcast %add3A_177 : i32 to vector<16xi32>
    %add3A_179 = arith.addi %mul3A_170, %add3A_178 : vector<16xi32>
    %gather3A_180 = tpu.vector_load_idx %arg6[%add3A_179] : memref<648xf32, #tpu.memory_space<vmem>>[vector<16xi32>], vector<16xf32>,
    %swap3A_181 = arith.constant 240 : index
    %swap3A_182 = tpu.vector_load %arg8[%swap3A_181] {strides = array<i32>} : memref<480xf32, #tpu.memory_space<vmem>>, vector<16xf32>,
    tpu.vector_store %arg8[%swap3A_181], %gather3A_180 {strides = array<i32>} : memref<480xf32, #tpu.memory_space<vmem>>, vector<16xf32>,
    %add3A_183 = arith.constant 2 : i32
    %add3A_184 = vector.broadcast %add3A_183 : i32 to vector<16xi32>
    %add3A_185 = arith.addi %mul3A_170, %add3A_184 : vector<16xi32>
    %gather3A_186 = tpu.vector_load_idx %arg6[%add3A_185] : memref<648xf32, #tpu.memory_space<vmem>>[vector<16xi32>], vector<16xf32>,
    %swap3A_187 = arith.constant 400 : index
    %swap3A_188 = tpu.vector_load %arg8[%swap3A_187] {strides = array<i32>} : memref<480xf32, #tpu.memory_space<vmem>>, vector<16xf32>,
    tpu.vector_store %arg8[%swap3A_187], %gather3A_186 {strides = array<i32>} : memref<480xf32, #tpu.memory_space<vmem>>, vector<16xf32>,
    %get3A_189 = arith.constant 96 : index
    %get3A_190 = tpu.vector_load %arg7[%get3A_189] {strides = array<i32>} : memref<160xi32, #tpu.memory_space<vmem>>, vector<16xi32>,
    %mul3A_191 = arith.constant 3 : i32
    %mul3A_192 = vector.broadcast %mul3A_191 : i32 to vector<16xi32>
    %mul3A_193 = arith.muli %get3A_190, %mul3A_192 : vector<16xi32>
    %add3A_194 = arith.constant 0 : i32
    %add3A_195 = vector.broadcast %add3A_194 : i32 to vector<16xi32>
    %add3A_196 = arith.addi %mul3A_193, %add3A_195 : vector<16xi32>
    %gather3A_197 = tpu.vector_load_idx %arg6[%add3A_196] : memref<648xf32, #tpu.memory_space<vmem>>[vector<16xi32>], vector<16xf32>,
    %swap3A_198 = arith.constant 96 : index
    %swap3A_199 = tpu.vector_load %arg8[%swap3A_198] {strides = array<i32>} : memref<480xf32, #tpu.memory_space<vmem>>, vector<16xf32>,
    tpu.vector_store %arg8[%swap3A_198], %gather3A_197 {strides = array<i32>} : memref<480xf32, #tpu.memory_space<vmem>>, vector<16xf32>,
    %add3A_200 = arith.constant 1 : i32
    %add3A_201 = vector.broadcast %add3A_200 : i32 to vector<16xi32>
    %add3A_202 = arith.addi %mul3A_193, %add3A_201 : vector<16xi32>
    %gather3A_203 = tpu.vector_load_idx %arg6[%add3A_202] : memref<648xf32, #tpu.memory_space<vmem>>[vector<16xi32>], vector<16xf32>,
    %swap3A_204 = arith.constant 256 : index
    %swap3A_205 = tpu.vector_load %arg8[%swap3A_204] {strides = array<i32>} : memref<480xf32, #tpu.memory_space<vmem>>, vector<16xf32>,
    tpu.vector_store %arg8[%swap3A_204], %gather3A_203 {strides = array<i32>} : memref<480xf32, #tpu.memory_space<vmem>>, vector<16xf32>,
    %add3A_206 = arith.constant 2 : i32
    %add3A_207 = vector.broadcast %add3A_206 : i32 to vector<16xi32>
    %add3A_208 = arith.addi %mul3A_193, %add3A_207 : vector<16xi32>
    %gather3A_209 = tpu.vector_load_idx %arg6[%add3A_208] : memref<648xf32, #tpu.memory_space<vmem>>[vector<16xi32>], vector<16xf32>,
    %swap3A_210 = arith.constant 416 : index
    %swap3A_211 = tpu.vector_load %arg8[%swap3A_210] {strides = array<i32>} : memref<480xf32, #tpu.memory_space<vmem>>, vector<16xf32>,
    tpu.vector_store %arg8[%swap3A_210], %gather3A_209 {strides = array<i32>} : memref<480xf32, #tpu.memory_space<vmem>>, vector<16xf32>,
    %get3A_212 = arith.constant 112 : index
    %get3A_213 = tpu.vector_load %arg7[%get3A_212] {strides = array<i32>} : memref<160xi32, #tpu.memory_space<vmem>>, vector<16xi32>,
    %mul3A_214 = arith.constant 3 : i32
    %mul3A_215 = vector.broadcast %mul3A_214 : i32 to vector<16xi32>
    %mul3A_216 = arith.muli %get3A_213, %mul3A_215 : vector<16xi32>
    %add3A_217 = arith.constant 0 : i32
    %add3A_218 = vector.broadcast %add3A_217 : i32 to vector<16xi32>
    %add3A_219 = arith.addi %mul3A_216, %add3A_218 : vector<16xi32>
    %gather3A_220 = tpu.vector_load_idx %arg6[%add3A_219] : memref<648xf32, #tpu.memory_space<vmem>>[vector<16xi32>], vector<16xf32>,
    %swap3A_221 = arith.constant 112 : index
    %swap3A_222 = tpu.vector_load %arg8[%swap3A_221] {strides = array<i32>} : memref<480xf32, #tpu.memory_space<vmem>>, vector<16xf32>,
    tpu.vector_store %arg8[%swap3A_221], %gather3A_220 {strides = array<i32>} : memref<480xf32, #tpu.memory_space<vmem>>, vector<16xf32>,
    %add3A_223 = arith.constant 1 : i32
    %add3A_224 = vector.broadcast %add3A_223 : i32 to vector<16xi32>
    %add3A_225 = arith.addi %mul3A_216, %add3A_224 : vector<16xi32>
    %gather3A_226 = tpu.vector_load_idx %arg6[%add3A_225] : memref<648xf32, #tpu.memory_space<vmem>>[vector<16xi32>], vector<16xf32>,
    %swap3A_227 = arith.constant 272 : index
    %swap3A_228 = tpu.vector_load %arg8[%swap3A_227] {strides = array<i32>} : memref<480xf32, #tpu.memory_space<vmem>>, vector<16xf32>,
    tpu.vector_store %arg8[%swap3A_227], %gather3A_226 {strides = array<i32>} : memref<480xf32, #tpu.memory_space<vmem>>, vector<16xf32>,
    %add3A_229 = arith.constant 2 : i32
    %add3A_230 = vector.broadcast %add3A_229 : i32 to vector<16xi32>
    %add3A_231 = arith.addi %mul3A_216, %add3A_230 : vector<16xi32>
    %gather3A_232 = tpu.vector_load_idx %arg6[%add3A_231] : memref<648xf32, #tpu.memory_space<vmem>>[vector<16xi32>], vector<16xf32>,
    %swap3A_233 = arith.constant 432 : index
    %swap3A_234 = tpu.vector_load %arg8[%swap3A_233] {strides = array<i32>} : memref<480xf32, #tpu.memory_space<vmem>>, vector<16xf32>,
    tpu.vector_store %arg8[%swap3A_233], %gather3A_232 {strides = array<i32>} : memref<480xf32, #tpu.memory_space<vmem>>, vector<16xf32>,
    %get3A_235 = arith.constant 128 : index
    %get3A_236 = tpu.vector_load %arg7[%get3A_235] {strides = array<i32>} : memref<160xi32, #tpu.memory_space<vmem>>, vector<16xi32>,
    %mul3A_237 = arith.constant 3 : i32
    %mul3A_238 = vector.broadcast %mul3A_237 : i32 to vector<16xi32>
    %mul3A_239 = arith.muli %get3A_236, %mul3A_238 : vector<16xi32>
    %add3A_240 = arith.constant 0 : i32
    %add3A_241 = vector.broadcast %add3A_240 : i32 to vector<16xi32>
    %add3A_242 = arith.addi %mul3A_239, %add3A_241 : vector<16xi32>
    %gather3A_243 = tpu.vector_load_idx %arg6[%add3A_242] : memref<648xf32, #tpu.memory_space<vmem>>[vector<16xi32>], vector<16xf32>,
    %swap3A_244 = arith.constant 128 : index
    %swap3A_245 = tpu.vector_load %arg8[%swap3A_244] {strides = array<i32>} : memref<480xf32, #tpu.memory_space<vmem>>, vector<16xf32>,
    tpu.vector_store %arg8[%swap3A_244], %gather3A_243 {strides = array<i32>} : memref<480xf32, #tpu.memory_space<vmem>>, vector<16xf32>,
    %add3A_246 = arith.constant 1 : i32
    %add3A_247 = vector.broadcast %add3A_246 : i32 to vector<16xi32>
    %add3A_248 = arith.addi %mul3A_239, %add3A_247 : vector<16xi32>
    %gather3A_249 = tpu.vector_load_idx %arg6[%add3A_248] : memref<648xf32, #tpu.memory_space<vmem>>[vector<16xi32>], vector<16xf32>,
    %swap3A_250 = arith.constant 288 : index
    %swap3A_251 = tpu.vector_load %arg8[%swap3A_250] {strides = array<i32>} : memref<480xf32, #tpu.memory_space<vmem>>, vector<16xf32>,
    tpu.vector_store %arg8[%swap3A_250], %gather3A_249 {strides = array<i32>} : memref<480xf32, #tpu.memory_space<vmem>>, vector<16xf32>,
    %add3A_252 = arith.constant 2 : i32
    %add3A_253 = vector.broadcast %add3A_252 : i32 to vector<16xi32>
    %add3A_254 = arith.addi %mul3A_239, %add3A_253 : vector<16xi32>
    %gather3A_255 = tpu.vector_load_idx %arg6[%add3A_254] : memref<648xf32, #tpu.memory_space<vmem>>[vector<16xi32>], vector<16xf32>,
    %swap3A_256 = arith.constant 448 : index
    %swap3A_257 = tpu.vector_load %arg8[%swap3A_256] {strides = array<i32>} : memref<480xf32, #tpu.memory_space<vmem>>, vector<16xf32>,
    tpu.vector_store %arg8[%swap3A_256], %gather3A_255 {strides = array<i32>} : memref<480xf32, #tpu.memory_space<vmem>>, vector<16xf32>,
    %get3A_258 = arith.constant 144 : index
    %get3A_259 = tpu.vector_load %arg7[%get3A_258] {strides = array<i32>} : memref<160xi32, #tpu.memory_space<vmem>>, vector<16xi32>,
    %mul3A_260 = arith.constant 3 : i32
    %mul3A_261 = vector.broadcast %mul3A_260 : i32 to vector<16xi32>
    %mul3A_262 = arith.muli %get3A_259, %mul3A_261 : vector<16xi32>
    %add3A_263 = arith.constant 0 : i32
    %add3A_264 = vector.broadcast %add3A_263 : i32 to vector<16xi32>
    %add3A_265 = arith.addi %mul3A_262, %add3A_264 : vector<16xi32>
    %gather3A_266 = tpu.vector_load_idx %arg6[%add3A_265] : memref<648xf32, #tpu.memory_space<vmem>>[vector<16xi32>], vector<16xf32>,
    %swap3A_267 = arith.constant 144 : index
    %swap3A_268 = tpu.vector_load %arg8[%swap3A_267] {strides = array<i32>} : memref<480xf32, #tpu.memory_space<vmem>>, vector<16xf32>,
    tpu.vector_store %arg8[%swap3A_267], %gather3A_266 {strides = array<i32>} : memref<480xf32, #tpu.memory_space<vmem>>, vector<16xf32>,
    %add3A_269 = arith.constant 1 : i32
    %add3A_270 = vector.broadcast %add3A_269 : i32 to vector<16xi32>
    %add3A_271 = arith.addi %mul3A_262, %add3A_270 : vector<16xi32>
    %gather3A_272 = tpu.vector_load_idx %arg6[%add3A_271] : memref<648xf32, #tpu.memory_space<vmem>>[vector<16xi32>], vector<16xf32>,
    %swap3A_273 = arith.constant 304 : index
    %swap3A_274 = tpu.vector_load %arg8[%swap3A_273] {strides = array<i32>} : memref<480xf32, #tpu.memory_space<vmem>>, vector<16xf32>,
    tpu.vector_store %arg8[%swap3A_273], %gather3A_272 {strides = array<i32>} : memref<480xf32, #tpu.memory_space<vmem>>, vector<16xf32>,
    %add3A_275 = arith.constant 2 : i32
    %add3A_276 = vector.broadcast %add3A_275 : i32 to vector<16xi32>
    %add3A_277 = arith.addi %mul3A_262, %add3A_276 : vector<16xi32>
    %gather3A_278 = tpu.vector_load_idx %arg6[%add3A_277] : memref<648xf32, #tpu.memory_space<vmem>>[vector<16xi32>], vector<16xf32>,
    %swap3A_279 = arith.constant 464 : index
    %swap3A_280 = tpu.vector_load %arg8[%swap3A_279] {strides = array<i32>} : memref<480xf32, #tpu.memory_space<vmem>>, vector<16xf32>,
    tpu.vector_store %arg8[%swap3A_279], %gather3A_278 {strides = array<i32>} : memref<480xf32, #tpu.memory_space<vmem>>, vector<16xf32>,
    %scan3A = arith.constant 0 : i32
    %scan3A_281 = arith.constant 4 : i32
    %scan3A_282 = arith.addi %scan3A, %scan3A_281 : i32
    %scan3A_283 = arith.constant 1 : i32
    scf.for %scan3A_333 = %scan3A to %scan3A_282 step %scan3A_283  : i32 {
      %mul3A_334 = arith.constant 2 : i32
      %mul3A_335 = arith.muli %scan3A_333, %mul3A_334 : i32
      %add3A_336 = arith.constant 0 : i32
      %add3A_337 = arith.addi %add3A_336, %mul3A_335 : i32
      %ge3A = arith.constant 2 : i32
      %ge3A_338 = arith.cmpi sge, %add3A_337, %ge3A : i32
      %convert_element_type3A = arith.extui %ge3A_338 : i1 to i32
      %cond3A = arith.constant 0 : i32
      %cond3A_339 = arith.cmpi ne, %convert_element_type3A, %cond3A : i32
      scf.if %cond3A_339 {
        %dma_wait3A_466 = arith.constant 0 : i32
        %dma_wait3A_467 = tpu.memref_slice %arg11[%dma_wait3A_466] : memref<24576xf32, #tpu.memory_space<vmem>> -> memref<8192xf32, #tpu.memory_space<vmem>>
        %dma_wait3A_468 = arith.constant 0 : i32
        %dma_wait3A_469 = tpu.memref_slice %arg5[%dma_wait3A_468] : memref<6291456xf32, #tpu.memory_space<hbm>> -> memref<8192xf32, #tpu.memory_space<hbm>>
        %dma_wait3A_470 = arith.constant 0 : i32
        %dma_wait3A_471 = tpu.memref_slice %arg5[%dma_wait3A_470] : memref<6291456xf32, #tpu.memory_space<hbm>> -> memref<8192xf32, #tpu.memory_space<hbm>>
        %dma_wait3A_472 = arith.constant 0 : i32
        %dma_wait3A_473 = tpu.memref_slice %arg11[%dma_wait3A_472] : memref<24576xf32, #tpu.memory_space<vmem>> -> memref<8192xf32, #tpu.memory_space<vmem>>
        tpu.wait_dma2 semaphore(%arg15 : memref<!tpu.dma_semaphore, #tpu.memory_space<semaphore_mem>>) src(%dma_wait3A_473 : memref<8192xf32, #tpu.memory_space<vmem>>) dst(%dma_wait3A_471 : memref<8192xf32, #tpu.memory_space<hbm>>)
        %dma_wait3A_474 = arith.constant 8192 : i32
        %dma_wait3A_475 = tpu.memref_slice %arg11[%dma_wait3A_474] : memref<24576xf32, #tpu.memory_space<vmem>> -> memref<8192xf32, #tpu.memory_space<vmem>>
        %dma_wait3A_476 = arith.constant 0 : i32
        %dma_wait3A_477 = tpu.memref_slice %arg5[%dma_wait3A_476] : memref<6291456xf32, #tpu.memory_space<hbm>> -> memref<8192xf32, #tpu.memory_space<hbm>>
        %dma_wait3A_478 = arith.constant 0 : i32
        %dma_wait3A_479 = tpu.memref_slice %arg5[%dma_wait3A_478] : memref<6291456xf32, #tpu.memory_space<hbm>> -> memref<8192xf32, #tpu.memory_space<hbm>>
        %dma_wait3A_480 = arith.constant 8192 : i32
        %dma_wait3A_481 = tpu.memref_slice %arg11[%dma_wait3A_480] : memref<24576xf32, #tpu.memory_space<vmem>> -> memref<8192xf32, #tpu.memory_space<vmem>>
        tpu.wait_dma2 semaphore(%arg15 : memref<!tpu.dma_semaphore, #tpu.memory_space<semaphore_mem>>) src(%dma_wait3A_481 : memref<8192xf32, #tpu.memory_space<vmem>>) dst(%dma_wait3A_479 : memref<8192xf32, #tpu.memory_space<hbm>>)
        %dma_wait3A_482 = arith.constant 16384 : i32
        %dma_wait3A_483 = tpu.memref_slice %arg11[%dma_wait3A_482] : memref<24576xf32, #tpu.memory_space<vmem>> -> memref<8192xf32, #tpu.memory_space<vmem>>
        %dma_wait3A_484 = arith.constant 0 : i32
        %dma_wait3A_485 = tpu.memref_slice %arg5[%dma_wait3A_484] : memref<6291456xf32, #tpu.memory_space<hbm>> -> memref<8192xf32, #tpu.memory_space<hbm>>
        %dma_wait3A_486 = arith.constant 0 : i32
        %dma_wait3A_487 = tpu.memref_slice %arg5[%dma_wait3A_486] : memref<6291456xf32, #tpu.memory_space<hbm>> -> memref<8192xf32, #tpu.memory_space<hbm>>
        %dma_wait3A_488 = arith.constant 16384 : i32
        %dma_wait3A_489 = tpu.memref_slice %arg11[%dma_wait3A_488] : memref<24576xf32, #tpu.memory_space<vmem>> -> memref<8192xf32, #tpu.memory_space<vmem>>
        tpu.wait_dma2 semaphore(%arg15 : memref<!tpu.dma_semaphore, #tpu.memory_space<semaphore_mem>>) src(%dma_wait3A_489 : memref<8192xf32, #tpu.memory_space<vmem>>) dst(%dma_wait3A_487 : memref<8192xf32, #tpu.memory_space<hbm>>)
      } else {
      }
      %dma_wait3A_340 = tpu.memref_slice %arg2[%mul3A_2] : memref<2097152xi32, #tpu.memory_space<hbm>> -> memref<8192xi32, #tpu.memory_space<hbm>>
      %dma_wait3A_341 = tpu.memref_slice %arg2[%mul3A_2] : memref<2097152xi32, #tpu.memory_space<hbm>> -> memref<8192xi32, #tpu.memory_space<hbm>>
      tpu.wait_dma2 semaphore(%arg13 : memref<!tpu.dma_semaphore, #tpu.memory_space<semaphore_mem>>) src(%dma_wait3A_341 : memref<8192xi32, #tpu.memory_space<hbm>>) dst(%arg9 : memref<8192xi32, #tpu.memory_space<vmem>>)
      %parallel_loop3A = arith.constant 0 : i32
      %parallel_loop3A_342 = arith.constant 64 : i32
      %parallel_loop3A_343 = arith.constant 1 : i32
      scf.for %parallel_loop3A_466 = %parallel_loop3A to %parallel_loop3A_342 step %parallel_loop3A_343  : i32 {
        %parallel_loop3A_467 = arith.constant 128 : i32
        %parallel_loop3A_468 = arith.muli %parallel_loop3A_466, %parallel_loop3A_467 : i32
        %parallel_loop3A_469 = arith.constant 32 : i32
        %parallel_loop3A_470 = arith.divsi %parallel_loop3A_466, %parallel_loop3A_469 : i32
        %parallel_loop3A_471 = arith.constant 0 : i32
        %parallel_loop3A_472 = arith.cmpi sgt, %parallel_loop3A_466, %parallel_loop3A_471 : i32
        %parallel_loop3A_473 = arith.extui %parallel_loop3A_472 : i1 to i32
        %parallel_loop3A_474 = arith.constant 0 : i32
        %parallel_loop3A_475 = arith.cmpi slt, %parallel_loop3A_466, %parallel_loop3A_474 : i32
        %parallel_loop3A_476 = arith.extui %parallel_loop3A_475 : i1 to i32
        %parallel_loop3A_477 = arith.subi %parallel_loop3A_473, %parallel_loop3A_476 : i32
        %parallel_loop3A_478 = arith.constant 0 : i32
        %parallel_loop3A_479 = arith.cmpi sgt, %parallel_loop3A_469, %parallel_loop3A_478 : i32
        %parallel_loop3A_480 = arith.extui %parallel_loop3A_479 : i1 to i32
        %parallel_loop3A_481 = arith.constant 0 : i32
        %parallel_loop3A_482 = arith.cmpi slt, %parallel_loop3A_469, %parallel_loop3A_481 : i32
        %parallel_loop3A_483 = arith.extui %parallel_loop3A_482 : i1 to i32
        %parallel_loop3A_484 = arith.subi %parallel_loop3A_480, %parallel_loop3A_483 : i32
        %parallel_loop3A_485 = arith.cmpi ne, %parallel_loop3A_477, %parallel_loop3A_484 : i32
        %parallel_loop3A_486 = arith.remsi %parallel_loop3A_466, %parallel_loop3A_469 : i32
        %parallel_loop3A_487 = arith.constant 0 : i32
        %parallel_loop3A_488 = arith.cmpi ne, %parallel_loop3A_486, %parallel_loop3A_487 : i32
        %parallel_loop3A_489 = arith.andi %parallel_loop3A_485, %parallel_loop3A_488 : i1
        %parallel_loop3A_490 = arith.constant 1 : i32
        %parallel_loop3A_491 = arith.subi %parallel_loop3A_470, %parallel_loop3A_490 : i32
        %parallel_loop3A_492 = arith.select %parallel_loop3A_489, %parallel_loop3A_491, %parallel_loop3A_470 : i32
        %parallel_loop3A_493 = arith.constant 4096 : i32
        %parallel_loop3A_494 = arith.muli %parallel_loop3A_492, %parallel_loop3A_493 : i32
        %parallel_loop3A_495 = arith.constant 8 : i32
        %parallel_loop3A_496 = arith.constant 0 : i32
        %parallel_loop3A_497 = arith.cmpi eq, %parallel_loop3A_495, %parallel_loop3A_496 : i32
        %parallel_loop3A_498 = arith.constant 1 : i32
        %parallel_loop3A_499 = arith.select %parallel_loop3A_497, %parallel_loop3A_498, %parallel_loop3A_495 : i32
        %parallel_loop3A_500 = arith.remsi %parallel_loop3A_466, %parallel_loop3A_499 : i32
        %parallel_loop3A_501 = arith.constant 0 : i32
        %parallel_loop3A_502 = arith.cmpi ne, %parallel_loop3A_500, %parallel_loop3A_501 : i32
        %parallel_loop3A_503 = arith.constant 0 : i32
        %parallel_loop3A_504 = arith.cmpi slt, %parallel_loop3A_500, %parallel_loop3A_503 : i32
        %parallel_loop3A_505 = arith.constant 0 : i32
        %parallel_loop3A_506 = arith.cmpi slt, %parallel_loop3A_499, %parallel_loop3A_505 : i32
        %parallel_loop3A_507 = arith.xori %parallel_loop3A_504, %parallel_loop3A_506 : i1
        %parallel_loop3A_508 = arith.andi %parallel_loop3A_507, %parallel_loop3A_502 : i1
        %parallel_loop3A_509 = arith.addi %parallel_loop3A_500, %parallel_loop3A_499 : i32
        %parallel_loop3A_510 = arith.select %parallel_loop3A_508, %parallel_loop3A_509, %parallel_loop3A_500 : i32
        %parallel_loop3A_511 = arith.constant 512 : i32
        %parallel_loop3A_512 = arith.muli %parallel_loop3A_510, %parallel_loop3A_511 : i32
        %parallel_loop3A_513 = arith.addi %parallel_loop3A_494, %parallel_loop3A_512 : i32
        %parallel_loop3A_514 = arith.constant 8 : i32
        %parallel_loop3A_515 = arith.divsi %parallel_loop3A_466, %parallel_loop3A_514 : i32
        %parallel_loop3A_516 = arith.constant 0 : i32
        %parallel_loop3A_517 = arith.cmpi sgt, %parallel_loop3A_466, %parallel_loop3A_516 : i32
        %parallel_loop3A_518 = arith.extui %parallel_loop3A_517 : i1 to i32
        %parallel_loop3A_519 = arith.constant 0 : i32
        %parallel_loop3A_520 = arith.cmpi slt, %parallel_loop3A_466, %parallel_loop3A_519 : i32
        %parallel_loop3A_521 = arith.extui %parallel_loop3A_520 : i1 to i32
        %parallel_loop3A_522 = arith.subi %parallel_loop3A_518, %parallel_loop3A_521 : i32
        %parallel_loop3A_523 = arith.constant 0 : i32
        %parallel_loop3A_524 = arith.cmpi sgt, %parallel_loop3A_514, %parallel_loop3A_523 : i32
        %parallel_loop3A_525 = arith.extui %parallel_loop3A_524 : i1 to i32
        %parallel_loop3A_526 = arith.constant 0 : i32
        %parallel_loop3A_527 = arith.cmpi slt, %parallel_loop3A_514, %parallel_loop3A_526 : i32
        %parallel_loop3A_528 = arith.extui %parallel_loop3A_527 : i1 to i32
        %parallel_loop3A_529 = arith.subi %parallel_loop3A_525, %parallel_loop3A_528 : i32
        %parallel_loop3A_530 = arith.cmpi ne, %parallel_loop3A_522, %parallel_loop3A_529 : i32
        %parallel_loop3A_531 = arith.remsi %parallel_loop3A_466, %parallel_loop3A_514 : i32
        %parallel_loop3A_532 = arith.constant 0 : i32
        %parallel_loop3A_533 = arith.cmpi ne, %parallel_loop3A_531, %parallel_loop3A_532 : i32
        %parallel_loop3A_534 = arith.andi %parallel_loop3A_530, %parallel_loop3A_533 : i1
        %parallel_loop3A_535 = arith.constant 1 : i32
        %parallel_loop3A_536 = arith.subi %parallel_loop3A_515, %parallel_loop3A_535 : i32
        %parallel_loop3A_537 = arith.select %parallel_loop3A_534, %parallel_loop3A_536, %parallel_loop3A_515 : i32
        %parallel_loop3A_538 = arith.constant 4 : i32
        %parallel_loop3A_539 = arith.constant 0 : i32
        %parallel_loop3A_540 = arith.cmpi eq, %parallel_loop3A_538, %parallel_loop3A_539 : i32
        %parallel_loop3A_541 = arith.constant 1 : i32
        %parallel_loop3A_542 = arith.select %parallel_loop3A_540, %parallel_loop3A_541, %parallel_loop3A_538 : i32
        %parallel_loop3A_543 = arith.remsi %parallel_loop3A_537, %parallel_loop3A_542 : i32
        %parallel_loop3A_544 = arith.constant 0 : i32
        %parallel_loop3A_545 = arith.cmpi ne, %parallel_loop3A_543, %parallel_loop3A_544 : i32
        %parallel_loop3A_546 = arith.constant 0 : i32
        %parallel_loop3A_547 = arith.cmpi slt, %parallel_loop3A_543, %parallel_loop3A_546 : i32
        %parallel_loop3A_548 = arith.constant 0 : i32
        %parallel_loop3A_549 = arith.cmpi slt, %parallel_loop3A_542, %parallel_loop3A_548 : i32
        %parallel_loop3A_550 = arith.xori %parallel_loop3A_547, %parallel_loop3A_549 : i1
        %parallel_loop3A_551 = arith.andi %parallel_loop3A_550, %parallel_loop3A_545 : i1
        %parallel_loop3A_552 = arith.addi %parallel_loop3A_543, %parallel_loop3A_542 : i32
        %parallel_loop3A_553 = arith.select %parallel_loop3A_551, %parallel_loop3A_552, %parallel_loop3A_543 : i32
        %parallel_loop3A_554 = arith.constant 128 : i32
        %parallel_loop3A_555 = arith.muli %parallel_loop3A_553, %parallel_loop3A_554 : i32
        %parallel_loop3A_556 = arith.addi %parallel_loop3A_513, %parallel_loop3A_555 : i32
        %parallel_loop3A_557 = arith.constant 0 : i32
        %parallel_loop3A_558 = arith.addi %parallel_loop3A_468, %parallel_loop3A_557 : i32
        %parallel_loop3A_559 = arith.index_cast %parallel_loop3A_558 : i32 to index
        %parallel_loop3A_560 = tpu.vector_load %arg9[%parallel_loop3A_559] {strides = array<i32>} : memref<8192xi32, #tpu.memory_space<vmem>>, vector<16xi32>,
        %parallel_loop3A_561 = arith.constant 0 : i32
        %parallel_loop3A_562 = vector.broadcast %parallel_loop3A_561 : i32 to vector<16xi32>
        %parallel_loop3A_563 = arith.addi %parallel_loop3A_560, %parallel_loop3A_562 : vector<16xi32>
        %parallel_loop3A_564 = tpu.vector_load_idx %arg8[%parallel_loop3A_563] : memref<480xf32, #tpu.memory_space<vmem>>[vector<16xi32>], vector<16xf32>,
        %parallel_loop3A_565 = arith.constant 0 : i32
        %parallel_loop3A_566 = arith.addi %parallel_loop3A_565, %parallel_loop3A_556 : i32
        %parallel_loop3A_567 = arith.constant 0 : i32
        %parallel_loop3A_568 = arith.addi %parallel_loop3A_566, %parallel_loop3A_567 : i32
        %parallel_loop3A_569 = arith.index_cast %parallel_loop3A_568 : i32 to index
        %parallel_loop3A_570 = tpu.vector_load %arg11[%parallel_loop3A_569] {strides = array<i32>} : memref<24576xf32, #tpu.memory_space<vmem>>, vector<16xf32>,
        tpu.vector_store %arg11[%parallel_loop3A_569], %parallel_loop3A_564 {strides = array<i32>} : memref<24576xf32, #tpu.memory_space<vmem>>, vector<16xf32>,
        %parallel_loop3A_571 = arith.constant 160 : i32
        %parallel_loop3A_572 = vector.broadcast %parallel_loop3A_571 : i32 to vector<16xi32>
        %parallel_loop3A_573 = arith.addi %parallel_loop3A_560, %parallel_loop3A_572 : vector<16xi32>
        %parallel_loop3A_574 = tpu.vector_load_idx %arg8[%parallel_loop3A_573] : memref<480xf32, #tpu.memory_space<vmem>>[vector<16xi32>], vector<16xf32>,
        %parallel_loop3A_575 = arith.constant 8192 : i32
        %parallel_loop3A_576 = arith.addi %parallel_loop3A_575, %parallel_loop3A_556 : i32
        %parallel_loop3A_577 = arith.constant 0 : i32
        %parallel_loop3A_578 = arith.addi %parallel_loop3A_576, %parallel_loop3A_577 : i32
        %parallel_loop3A_579 = arith.index_cast %parallel_loop3A_578 : i32 to index
        %parallel_loop3A_580 = tpu.vector_load %arg11[%parallel_loop3A_579] {strides = array<i32>} : memref<24576xf32, #tpu.memory_space<vmem>>, vector<16xf32>,
        tpu.vector_store %arg11[%parallel_loop3A_579], %parallel_loop3A_574 {strides = array<i32>} : memref<24576xf32, #tpu.memory_space<vmem>>, vector<16xf32>,
        %parallel_loop3A_581 = arith.constant 320 : i32
        %parallel_loop3A_582 = vector.broadcast %parallel_loop3A_581 : i32 to vector<16xi32>
        %parallel_loop3A_583 = arith.addi %parallel_loop3A_560, %parallel_loop3A_582 : vector<16xi32>
        %parallel_loop3A_584 = tpu.vector_load_idx %arg8[%parallel_loop3A_583] : memref<480xf32, #tpu.memory_space<vmem>>[vector<16xi32>], vector<16xf32>,
        %parallel_loop3A_585 = arith.constant 16384 : i32
        %parallel_loop3A_586 = arith.addi %parallel_loop3A_585, %parallel_loop3A_556 : i32
        %parallel_loop3A_587 = arith.constant 0 : i32
        %parallel_loop3A_588 = arith.addi %parallel_loop3A_586, %parallel_loop3A_587 : i32
        %parallel_loop3A_589 = arith.index_cast %parallel_loop3A_588 : i32 to index
        %parallel_loop3A_590 = tpu.vector_load %arg11[%parallel_loop3A_589] {strides = array<i32>} : memref<24576xf32, #tpu.memory_space<vmem>>, vector<16xf32>,
        tpu.vector_store %arg11[%parallel_loop3A_589], %parallel_loop3A_584 {strides = array<i32>} : memref<24576xf32, #tpu.memory_space<vmem>>, vector<16xf32>,
        %parallel_loop3A_591 = arith.constant 16 : i32
        %parallel_loop3A_592 = arith.addi %parallel_loop3A_468, %parallel_loop3A_591 : i32
        %parallel_loop3A_593 = arith.index_cast %parallel_loop3A_592 : i32 to index
        %parallel_loop3A_594 = tpu.vector_load %arg9[%parallel_loop3A_593] {strides = array<i32>} : memref<8192xi32, #tpu.memory_space<vmem>>, vector<16xi32>,
        %parallel_loop3A_595 = arith.constant 0 : i32
        %parallel_loop3A_596 = vector.broadcast %parallel_loop3A_595 : i32 to vector<16xi32>
        %parallel_loop3A_597 = arith.addi %parallel_loop3A_594, %parallel_loop3A_596 : vector<16xi32>
        %parallel_loop3A_598 = tpu.vector_load_idx %arg8[%parallel_loop3A_597] : memref<480xf32, #tpu.memory_space<vmem>>[vector<16xi32>], vector<16xf32>,
        %parallel_loop3A_599 = arith.constant 0 : i32
        %parallel_loop3A_600 = arith.addi %parallel_loop3A_599, %parallel_loop3A_556 : i32
        %parallel_loop3A_601 = arith.constant 16 : i32
        %parallel_loop3A_602 = arith.addi %parallel_loop3A_600, %parallel_loop3A_601 : i32
        %parallel_loop3A_603 = arith.index_cast %parallel_loop3A_602 : i32 to index
        %parallel_loop3A_604 = tpu.vector_load %arg11[%parallel_loop3A_603] {strides = array<i32>} : memref<24576xf32, #tpu.memory_space<vmem>>, vector<16xf32>,
        tpu.vector_store %arg11[%parallel_loop3A_603], %parallel_loop3A_598 {strides = array<i32>} : memref<24576xf32, #tpu.memory_space<vmem>>, vector<16xf32>,
        %parallel_loop3A_605 = arith.constant 160 : i32
        %parallel_loop3A_606 = vector.broadcast %parallel_loop3A_605 : i32 to vector<16xi32>
        %parallel_loop3A_607 = arith.addi %parallel_loop3A_594, %parallel_loop3A_606 : vector<16xi32>
        %parallel_loop3A_608 = tpu.vector_load_idx %arg8[%parallel_loop3A_607] : memref<480xf32, #tpu.memory_space<vmem>>[vector<16xi32>], vector<16xf32>,
        %parallel_loop3A_609 = arith.constant 8192 : i32
        %parallel_loop3A_610 = arith.addi %parallel_loop3A_609, %parallel_loop3A_556 : i32
        %parallel_loop3A_611 = arith.constant 16 : i32
        %parallel_loop3A_612 = arith.addi %parallel_loop3A_610, %parallel_loop3A_611 : i32
        %parallel_loop3A_613 = arith.index_cast %parallel_loop3A_612 : i32 to index
        %parallel_loop3A_614 = tpu.vector_load %arg11[%parallel_loop3A_613] {strides = array<i32>} : memref<24576xf32, #tpu.memory_space<vmem>>, vector<16xf32>,
        tpu.vector_store %arg11[%parallel_loop3A_613], %parallel_loop3A_608 {strides = array<i32>} : memref<24576xf32, #tpu.memory_space<vmem>>, vector<16xf32>,
        %parallel_loop3A_615 = arith.constant 320 : i32
        %parallel_loop3A_616 = vector.broadcast %parallel_loop3A_615 : i32 to vector<16xi32>
        %parallel_loop3A_617 = arith.addi %parallel_loop3A_594, %parallel_loop3A_616 : vector<16xi32>
        %parallel_loop3A_618 = tpu.vector_load_idx %arg8[%parallel_loop3A_617] : memref<480xf32, #tpu.memory_space<vmem>>[vector<16xi32>], vector<16xf32>,
        %parallel_loop3A_619 = arith.constant 16384 : i32
        %parallel_loop3A_620 = arith.addi %parallel_loop3A_619, %parallel_loop3A_556 : i32
        %parallel_loop3A_621 = arith.constant 16 : i32
        %parallel_loop3A_622 = arith.addi %parallel_loop3A_620, %parallel_loop3A_621 : i32
        %parallel_loop3A_623 = arith.index_cast %parallel_loop3A_622 : i32 to index
        %parallel_loop3A_624 = tpu.vector_load %arg11[%parallel_loop3A_623] {strides = array<i32>} : memref<24576xf32, #tpu.memory_space<vmem>>, vector<16xf32>,
        tpu.vector_store %arg11[%parallel_loop3A_623], %parallel_loop3A_618 {strides = array<i32>} : memref<24576xf32, #tpu.memory_space<vmem>>, vector<16xf32>,
        %parallel_loop3A_625 = arith.constant 32 : i32
        %parallel_loop3A_626 = arith.addi %parallel_loop3A_468, %parallel_loop3A_625 : i32
        %parallel_loop3A_627 = arith.index_cast %parallel_loop3A_626 : i32 to index
        %parallel_loop3A_628 = tpu.vector_load %arg9[%parallel_loop3A_627] {strides = array<i32>} : memref<8192xi32, #tpu.memory_space<vmem>>, vector<16xi32>,
        %parallel_loop3A_629 = arith.constant 0 : i32
        %parallel_loop3A_630 = vector.broadcast %parallel_loop3A_629 : i32 to vector<16xi32>
        %parallel_loop3A_631 = arith.addi %parallel_loop3A_628, %parallel_loop3A_630 : vector<16xi32>
        %parallel_loop3A_632 = tpu.vector_load_idx %arg8[%parallel_loop3A_631] : memref<480xf32, #tpu.memory_space<vmem>>[vector<16xi32>], vector<16xf32>,
        %parallel_loop3A_633 = arith.constant 0 : i32
        %parallel_loop3A_634 = arith.addi %parallel_loop3A_633, %parallel_loop3A_556 : i32
        %parallel_loop3A_635 = arith.constant 32 : i32
        %parallel_loop3A_636 = arith.addi %parallel_loop3A_634, %parallel_loop3A_635 : i32
        %parallel_loop3A_637 = arith.index_cast %parallel_loop3A_636 : i32 to index
        %parallel_loop3A_638 = tpu.vector_load %arg11[%parallel_loop3A_637] {strides = array<i32>} : memref<24576xf32, #tpu.memory_space<vmem>>, vector<16xf32>,
        tpu.vector_store %arg11[%parallel_loop3A_637], %parallel_loop3A_632 {strides = array<i32>} : memref<24576xf32, #tpu.memory_space<vmem>>, vector<16xf32>,
        %parallel_loop3A_639 = arith.constant 160 : i32
        %parallel_loop3A_640 = vector.broadcast %parallel_loop3A_639 : i32 to vector<16xi32>
        %parallel_loop3A_641 = arith.addi %parallel_loop3A_628, %parallel_loop3A_640 : vector<16xi32>
        %parallel_loop3A_642 = tpu.vector_load_idx %arg8[%parallel_loop3A_641] : memref<480xf32, #tpu.memory_space<vmem>>[vector<16xi32>], vector<16xf32>,
        %parallel_loop3A_643 = arith.constant 8192 : i32
        %parallel_loop3A_644 = arith.addi %parallel_loop3A_643, %parallel_loop3A_556 : i32
        %parallel_loop3A_645 = arith.constant 32 : i32
        %parallel_loop3A_646 = arith.addi %parallel_loop3A_644, %parallel_loop3A_645 : i32
        %parallel_loop3A_647 = arith.index_cast %parallel_loop3A_646 : i32 to index
        %parallel_loop3A_648 = tpu.vector_load %arg11[%parallel_loop3A_647] {strides = array<i32>} : memref<24576xf32, #tpu.memory_space<vmem>>, vector<16xf32>,
        tpu.vector_store %arg11[%parallel_loop3A_647], %parallel_loop3A_642 {strides = array<i32>} : memref<24576xf32, #tpu.memory_space<vmem>>, vector<16xf32>,
        %parallel_loop3A_649 = arith.constant 320 : i32
        %parallel_loop3A_650 = vector.broadcast %parallel_loop3A_649 : i32 to vector<16xi32>
        %parallel_loop3A_651 = arith.addi %parallel_loop3A_628, %parallel_loop3A_650 : vector<16xi32>
        %parallel_loop3A_652 = tpu.vector_load_idx %arg8[%parallel_loop3A_651] : memref<480xf32, #tpu.memory_space<vmem>>[vector<16xi32>], vector<16xf32>,
        %parallel_loop3A_653 = arith.constant 16384 : i32
        %parallel_loop3A_654 = arith.addi %parallel_loop3A_653, %parallel_loop3A_556 : i32
        %parallel_loop3A_655 = arith.constant 32 : i32
        %parallel_loop3A_656 = arith.addi %parallel_loop3A_654, %parallel_loop3A_655 : i32
        %parallel_loop3A_657 = arith.index_cast %parallel_loop3A_656 : i32 to index
        %parallel_loop3A_658 = tpu.vector_load %arg11[%parallel_loop3A_657] {strides = array<i32>} : memref<24576xf32, #tpu.memory_space<vmem>>, vector<16xf32>,
        tpu.vector_store %arg11[%parallel_loop3A_657], %parallel_loop3A_652 {strides = array<i32>} : memref<24576xf32, #tpu.memory_space<vmem>>, vector<16xf32>,
        %parallel_loop3A_659 = arith.constant 48 : i32
        %parallel_loop3A_660 = arith.addi %parallel_loop3A_468, %parallel_loop3A_659 : i32
        %parallel_loop3A_661 = arith.index_cast %parallel_loop3A_660 : i32 to index
        %parallel_loop3A_662 = tpu.vector_load %arg9[%parallel_loop3A_661] {strides = array<i32>} : memref<8192xi32, #tpu.memory_space<vmem>>, vector<16xi32>,
        %parallel_loop3A_663 = arith.constant 0 : i32
        %parallel_loop3A_664 = vector.broadcast %parallel_loop3A_663 : i32 to vector<16xi32>
        %parallel_loop3A_665 = arith.addi %parallel_loop3A_662, %parallel_loop3A_664 : vector<16xi32>
        %parallel_loop3A_666 = tpu.vector_load_idx %arg8[%parallel_loop3A_665] : memref<480xf32, #tpu.memory_space<vmem>>[vector<16xi32>], vector<16xf32>,
        %parallel_loop3A_667 = arith.constant 0 : i32
        %parallel_loop3A_668 = arith.addi %parallel_loop3A_667, %parallel_loop3A_556 : i32
        %parallel_loop3A_669 = arith.constant 48 : i32
        %parallel_loop3A_670 = arith.addi %parallel_loop3A_668, %parallel_loop3A_669 : i32
        %parallel_loop3A_671 = arith.index_cast %parallel_loop3A_670 : i32 to index
        %parallel_loop3A_672 = tpu.vector_load %arg11[%parallel_loop3A_671] {strides = array<i32>} : memref<24576xf32, #tpu.memory_space<vmem>>, vector<16xf32>,
        tpu.vector_store %arg11[%parallel_loop3A_671], %parallel_loop3A_666 {strides = array<i32>} : memref<24576xf32, #tpu.memory_space<vmem>>, vector<16xf32>,
        %parallel_loop3A_673 = arith.constant 160 : i32
        %parallel_loop3A_674 = vector.broadcast %parallel_loop3A_673 : i32 to vector<16xi32>
        %parallel_loop3A_675 = arith.addi %parallel_loop3A_662, %parallel_loop3A_674 : vector<16xi32>
        %parallel_loop3A_676 = tpu.vector_load_idx %arg8[%parallel_loop3A_675] : memref<480xf32, #tpu.memory_space<vmem>>[vector<16xi32>], vector<16xf32>,
        %parallel_loop3A_677 = arith.constant 8192 : i32
        %parallel_loop3A_678 = arith.addi %parallel_loop3A_677, %parallel_loop3A_556 : i32
        %parallel_loop3A_679 = arith.constant 48 : i32
        %parallel_loop3A_680 = arith.addi %parallel_loop3A_678, %parallel_loop3A_679 : i32
        %parallel_loop3A_681 = arith.index_cast %parallel_loop3A_680 : i32 to index
        %parallel_loop3A_682 = tpu.vector_load %arg11[%parallel_loop3A_681] {strides = array<i32>} : memref<24576xf32, #tpu.memory_space<vmem>>, vector<16xf32>,
        tpu.vector_store %arg11[%parallel_loop3A_681], %parallel_loop3A_676 {strides = array<i32>} : memref<24576xf32, #tpu.memory_space<vmem>>, vector<16xf32>,
        %parallel_loop3A_683 = arith.constant 320 : i32
        %parallel_loop3A_684 = vector.broadcast %parallel_loop3A_683 : i32 to vector<16xi32>
        %parallel_loop3A_685 = arith.addi %parallel_loop3A_662, %parallel_loop3A_684 : vector<16xi32>
        %parallel_loop3A_686 = tpu.vector_load_idx %arg8[%parallel_loop3A_685] : memref<480xf32, #tpu.memory_space<vmem>>[vector<16xi32>], vector<16xf32>,
        %parallel_loop3A_687 = arith.constant 16384 : i32
        %parallel_loop3A_688 = arith.addi %parallel_loop3A_687, %parallel_loop3A_556 : i32
        %parallel_loop3A_689 = arith.constant 48 : i32
        %parallel_loop3A_690 = arith.addi %parallel_loop3A_688, %parallel_loop3A_689 : i32
        %parallel_loop3A_691 = arith.index_cast %parallel_loop3A_690 : i32 to index
        %parallel_loop3A_692 = tpu.vector_load %arg11[%parallel_loop3A_691] {strides = array<i32>} : memref<24576xf32, #tpu.memory_space<vmem>>, vector<16xf32>,
        tpu.vector_store %arg11[%parallel_loop3A_691], %parallel_loop3A_686 {strides = array<i32>} : memref<24576xf32, #tpu.memory_space<vmem>>, vector<16xf32>,
        %parallel_loop3A_693 = arith.constant 64 : i32
        %parallel_loop3A_694 = arith.addi %parallel_loop3A_468, %parallel_loop3A_693 : i32
        %parallel_loop3A_695 = arith.index_cast %parallel_loop3A_694 : i32 to index
        %parallel_loop3A_696 = tpu.vector_load %arg9[%parallel_loop3A_695] {strides = array<i32>} : memref<8192xi32, #tpu.memory_space<vmem>>, vector<16xi32>,
        %parallel_loop3A_697 = arith.constant 0 : i32
        %parallel_loop3A_698 = vector.broadcast %parallel_loop3A_697 : i32 to vector<16xi32>
        %parallel_loop3A_699 = arith.addi %parallel_loop3A_696, %parallel_loop3A_698 : vector<16xi32>
        %parallel_loop3A_700 = tpu.vector_load_idx %arg8[%parallel_loop3A_699] : memref<480xf32, #tpu.memory_space<vmem>>[vector<16xi32>], vector<16xf32>,
        %parallel_loop3A_701 = arith.constant 0 : i32
        %parallel_loop3A_702 = arith.addi %parallel_loop3A_701, %parallel_loop3A_556 : i32
        %parallel_loop3A_703 = arith.constant 64 : i32
        %parallel_loop3A_704 = arith.addi %parallel_loop3A_702, %parallel_loop3A_703 : i32
        %parallel_loop3A_705 = arith.index_cast %parallel_loop3A_704 : i32 to index
        %parallel_loop3A_706 = tpu.vector_load %arg11[%parallel_loop3A_705] {strides = array<i32>} : memref<24576xf32, #tpu.memory_space<vmem>>, vector<16xf32>,
        tpu.vector_store %arg11[%parallel_loop3A_705], %parallel_loop3A_700 {strides = array<i32>} : memref<24576xf32, #tpu.memory_space<vmem>>, vector<16xf32>,
        %parallel_loop3A_707 = arith.constant 160 : i32
        %parallel_loop3A_708 = vector.broadcast %parallel_loop3A_707 : i32 to vector<16xi32>
        %parallel_loop3A_709 = arith.addi %parallel_loop3A_696, %parallel_loop3A_708 : vector<16xi32>
        %parallel_loop3A_710 = tpu.vector_load_idx %arg8[%parallel_loop3A_709] : memref<480xf32, #tpu.memory_space<vmem>>[vector<16xi32>], vector<16xf32>,
        %parallel_loop3A_711 = arith.constant 8192 : i32
        %parallel_loop3A_712 = arith.addi %parallel_loop3A_711, %parallel_loop3A_556 : i32
        %parallel_loop3A_713 = arith.constant 64 : i32
        %parallel_loop3A_714 = arith.addi %parallel_loop3A_712, %parallel_loop3A_713 : i32
        %parallel_loop3A_715 = arith.index_cast %parallel_loop3A_714 : i32 to index
        %parallel_loop3A_716 = tpu.vector_load %arg11[%parallel_loop3A_715] {strides = array<i32>} : memref<24576xf32, #tpu.memory_space<vmem>>, vector<16xf32>,
        tpu.vector_store %arg11[%parallel_loop3A_715], %parallel_loop3A_710 {strides = array<i32>} : memref<24576xf32, #tpu.memory_space<vmem>>, vector<16xf32>,
        %parallel_loop3A_717 = arith.constant 320 : i32
        %parallel_loop3A_718 = vector.broadcast %parallel_loop3A_717 : i32 to vector<16xi32>
        %parallel_loop3A_719 = arith.addi %parallel_loop3A_696, %parallel_loop3A_718 : vector<16xi32>
        %parallel_loop3A_720 = tpu.vector_load_idx %arg8[%parallel_loop3A_719] : memref<480xf32, #tpu.memory_space<vmem>>[vector<16xi32>], vector<16xf32>,
        %parallel_loop3A_721 = arith.constant 16384 : i32
        %parallel_loop3A_722 = arith.addi %parallel_loop3A_721, %parallel_loop3A_556 : i32
        %parallel_loop3A_723 = arith.constant 64 : i32
        %parallel_loop3A_724 = arith.addi %parallel_loop3A_722, %parallel_loop3A_723 : i32
        %parallel_loop3A_725 = arith.index_cast %parallel_loop3A_724 : i32 to index
        %parallel_loop3A_726 = tpu.vector_load %arg11[%parallel_loop3A_725] {strides = array<i32>} : memref<24576xf32, #tpu.memory_space<vmem>>, vector<16xf32>,
        tpu.vector_store %arg11[%parallel_loop3A_725], %parallel_loop3A_720 {strides = array<i32>} : memref<24576xf32, #tpu.memory_space<vmem>>, vector<16xf32>,
        %parallel_loop3A_727 = arith.constant 80 : i32
        %parallel_loop3A_728 = arith.addi %parallel_loop3A_468, %parallel_loop3A_727 : i32
        %parallel_loop3A_729 = arith.index_cast %parallel_loop3A_728 : i32 to index
        %parallel_loop3A_730 = tpu.vector_load %arg9[%parallel_loop3A_729] {strides = array<i32>} : memref<8192xi32, #tpu.memory_space<vmem>>, vector<16xi32>,
        %parallel_loop3A_731 = arith.constant 0 : i32
        %parallel_loop3A_732 = vector.broadcast %parallel_loop3A_731 : i32 to vector<16xi32>
        %parallel_loop3A_733 = arith.addi %parallel_loop3A_730, %parallel_loop3A_732 : vector<16xi32>
        %parallel_loop3A_734 = tpu.vector_load_idx %arg8[%parallel_loop3A_733] : memref<480xf32, #tpu.memory_space<vmem>>[vector<16xi32>], vector<16xf32>,
        %parallel_loop3A_735 = arith.constant 0 : i32
        %parallel_loop3A_736 = arith.addi %parallel_loop3A_735, %parallel_loop3A_556 : i32
        %parallel_loop3A_737 = arith.constant 80 : i32
        %parallel_loop3A_738 = arith.addi %parallel_loop3A_736, %parallel_loop3A_737 : i32
        %parallel_loop3A_739 = arith.index_cast %parallel_loop3A_738 : i32 to index
        %parallel_loop3A_740 = tpu.vector_load %arg11[%parallel_loop3A_739] {strides = array<i32>} : memref<24576xf32, #tpu.memory_space<vmem>>, vector<16xf32>,
        tpu.vector_store %arg11[%parallel_loop3A_739], %parallel_loop3A_734 {strides = array<i32>} : memref<24576xf32, #tpu.memory_space<vmem>>, vector<16xf32>,
        %parallel_loop3A_741 = arith.constant 160 : i32
        %parallel_loop3A_742 = vector.broadcast %parallel_loop3A_741 : i32 to vector<16xi32>
        %parallel_loop3A_743 = arith.addi %parallel_loop3A_730, %parallel_loop3A_742 : vector<16xi32>
        %parallel_loop3A_744 = tpu.vector_load_idx %arg8[%parallel_loop3A_743] : memref<480xf32, #tpu.memory_space<vmem>>[vector<16xi32>], vector<16xf32>,
        %parallel_loop3A_745 = arith.constant 8192 : i32
        %parallel_loop3A_746 = arith.addi %parallel_loop3A_745, %parallel_loop3A_556 : i32
        %parallel_loop3A_747 = arith.constant 80 : i32
        %parallel_loop3A_748 = arith.addi %parallel_loop3A_746, %parallel_loop3A_747 : i32
        %parallel_loop3A_749 = arith.index_cast %parallel_loop3A_748 : i32 to index
        %parallel_loop3A_750 = tpu.vector_load %arg11[%parallel_loop3A_749] {strides = array<i32>} : memref<24576xf32, #tpu.memory_space<vmem>>, vector<16xf32>,
        tpu.vector_store %arg11[%parallel_loop3A_749], %parallel_loop3A_744 {strides = array<i32>} : memref<24576xf32, #tpu.memory_space<vmem>>, vector<16xf32>,
        %parallel_loop3A_751 = arith.constant 320 : i32
        %parallel_loop3A_752 = vector.broadcast %parallel_loop3A_751 : i32 to vector<16xi32>
        %parallel_loop3A_753 = arith.addi %parallel_loop3A_730, %parallel_loop3A_752 : vector<16xi32>
        %parallel_loop3A_754 = tpu.vector_load_idx %arg8[%parallel_loop3A_753] : memref<480xf32, #tpu.memory_space<vmem>>[vector<16xi32>], vector<16xf32>,
        %parallel_loop3A_755 = arith.constant 16384 : i32
        %parallel_loop3A_756 = arith.addi %parallel_loop3A_755, %parallel_loop3A_556 : i32
        %parallel_loop3A_757 = arith.constant 80 : i32
        %parallel_loop3A_758 = arith.addi %parallel_loop3A_756, %parallel_loop3A_757 : i32
        %parallel_loop3A_759 = arith.index_cast %parallel_loop3A_758 : i32 to index
        %parallel_loop3A_760 = tpu.vector_load %arg11[%parallel_loop3A_759] {strides = array<i32>} : memref<24576xf32, #tpu.memory_space<vmem>>, vector<16xf32>,
        tpu.vector_store %arg11[%parallel_loop3A_759], %parallel_loop3A_754 {strides = array<i32>} : memref<24576xf32, #tpu.memory_space<vmem>>, vector<16xf32>,
        %parallel_loop3A_761 = arith.constant 96 : i32
        %parallel_loop3A_762 = arith.addi %parallel_loop3A_468, %parallel_loop3A_761 : i32
        %parallel_loop3A_763 = arith.index_cast %parallel_loop3A_762 : i32 to index
        %parallel_loop3A_764 = tpu.vector_load %arg9[%parallel_loop3A_763] {strides = array<i32>} : memref<8192xi32, #tpu.memory_space<vmem>>, vector<16xi32>,
        %parallel_loop3A_765 = arith.constant 0 : i32
        %parallel_loop3A_766 = vector.broadcast %parallel_loop3A_765 : i32 to vector<16xi32>
        %parallel_loop3A_767 = arith.addi %parallel_loop3A_764, %parallel_loop3A_766 : vector<16xi32>
        %parallel_loop3A_768 = tpu.vector_load_idx %arg8[%parallel_loop3A_767] : memref<480xf32, #tpu.memory_space<vmem>>[vector<16xi32>], vector<16xf32>,
        %parallel_loop3A_769 = arith.constant 0 : i32
        %parallel_loop3A_770 = arith.addi %parallel_loop3A_769, %parallel_loop3A_556 : i32
        %parallel_loop3A_771 = arith.constant 96 : i32
        %parallel_loop3A_772 = arith.addi %parallel_loop3A_770, %parallel_loop3A_771 : i32
        %parallel_loop3A_773 = arith.index_cast %parallel_loop3A_772 : i32 to index
        %parallel_loop3A_774 = tpu.vector_load %arg11[%parallel_loop3A_773] {strides = array<i32>} : memref<24576xf32, #tpu.memory_space<vmem>>, vector<16xf32>,
        tpu.vector_store %arg11[%parallel_loop3A_773], %parallel_loop3A_768 {strides = array<i32>} : memref<24576xf32, #tpu.memory_space<vmem>>, vector<16xf32>,
        %parallel_loop3A_775 = arith.constant 160 : i32
        %parallel_loop3A_776 = vector.broadcast %parallel_loop3A_775 : i32 to vector<16xi32>
        %parallel_loop3A_777 = arith.addi %parallel_loop3A_764, %parallel_loop3A_776 : vector<16xi32>
        %parallel_loop3A_778 = tpu.vector_load_idx %arg8[%parallel_loop3A_777] : memref<480xf32, #tpu.memory_space<vmem>>[vector<16xi32>], vector<16xf32>,
        %parallel_loop3A_779 = arith.constant 8192 : i32
        %parallel_loop3A_780 = arith.addi %parallel_loop3A_779, %parallel_loop3A_556 : i32
        %parallel_loop3A_781 = arith.constant 96 : i32
        %parallel_loop3A_782 = arith.addi %parallel_loop3A_780, %parallel_loop3A_781 : i32
        %parallel_loop3A_783 = arith.index_cast %parallel_loop3A_782 : i32 to index
        %parallel_loop3A_784 = tpu.vector_load %arg11[%parallel_loop3A_783] {strides = array<i32>} : memref<24576xf32, #tpu.memory_space<vmem>>, vector<16xf32>,
        tpu.vector_store %arg11[%parallel_loop3A_783], %parallel_loop3A_778 {strides = array<i32>} : memref<24576xf32, #tpu.memory_space<vmem>>, vector<16xf32>,
        %parallel_loop3A_785 = arith.constant 320 : i32
        %parallel_loop3A_786 = vector.broadcast %parallel_loop3A_785 : i32 to vector<16xi32>
        %parallel_loop3A_787 = arith.addi %parallel_loop3A_764, %parallel_loop3A_786 : vector<16xi32>
        %parallel_loop3A_788 = tpu.vector_load_idx %arg8[%parallel_loop3A_787] : memref<480xf32, #tpu.memory_space<vmem>>[vector<16xi32>], vector<16xf32>,
        %parallel_loop3A_789 = arith.constant 16384 : i32
        %parallel_loop3A_790 = arith.addi %parallel_loop3A_789, %parallel_loop3A_556 : i32
        %parallel_loop3A_791 = arith.constant 96 : i32
        %parallel_loop3A_792 = arith.addi %parallel_loop3A_790, %parallel_loop3A_791 : i32
        %parallel_loop3A_793 = arith.index_cast %parallel_loop3A_792 : i32 to index
        %parallel_loop3A_794 = tpu.vector_load %arg11[%parallel_loop3A_793] {strides = array<i32>} : memref<24576xf32, #tpu.memory_space<vmem>>, vector<16xf32>,
        tpu.vector_store %arg11[%parallel_loop3A_793], %parallel_loop3A_788 {strides = array<i32>} : memref<24576xf32, #tpu.memory_space<vmem>>, vector<16xf32>,
        %parallel_loop3A_795 = arith.constant 112 : i32
        %parallel_loop3A_796 = arith.addi %parallel_loop3A_468, %parallel_loop3A_795 : i32
        %parallel_loop3A_797 = arith.index_cast %parallel_loop3A_796 : i32 to index
        %parallel_loop3A_798 = tpu.vector_load %arg9[%parallel_loop3A_797] {strides = array<i32>} : memref<8192xi32, #tpu.memory_space<vmem>>, vector<16xi32>,
        %parallel_loop3A_799 = arith.constant 0 : i32
        %parallel_loop3A_800 = vector.broadcast %parallel_loop3A_799 : i32 to vector<16xi32>
        %parallel_loop3A_801 = arith.addi %parallel_loop3A_798, %parallel_loop3A_800 : vector<16xi32>
        %parallel_loop3A_802 = tpu.vector_load_idx %arg8[%parallel_loop3A_801] : memref<480xf32, #tpu.memory_space<vmem>>[vector<16xi32>], vector<16xf32>,
        %parallel_loop3A_803 = arith.constant 0 : i32
        %parallel_loop3A_804 = arith.addi %parallel_loop3A_803, %parallel_loop3A_556 : i32
        %parallel_loop3A_805 = arith.constant 112 : i32
        %parallel_loop3A_806 = arith.addi %parallel_loop3A_804, %parallel_loop3A_805 : i32
        %parallel_loop3A_807 = arith.index_cast %parallel_loop3A_806 : i32 to index
        %parallel_loop3A_808 = tpu.vector_load %arg11[%parallel_loop3A_807] {strides = array<i32>} : memref<24576xf32, #tpu.memory_space<vmem>>, vector<16xf32>,
        tpu.vector_store %arg11[%parallel_loop3A_807], %parallel_loop3A_802 {strides = array<i32>} : memref<24576xf32, #tpu.memory_space<vmem>>, vector<16xf32>,
        %parallel_loop3A_809 = arith.constant 160 : i32
        %parallel_loop3A_810 = vector.broadcast %parallel_loop3A_809 : i32 to vector<16xi32>
        %parallel_loop3A_811 = arith.addi %parallel_loop3A_798, %parallel_loop3A_810 : vector<16xi32>
        %parallel_loop3A_812 = tpu.vector_load_idx %arg8[%parallel_loop3A_811] : memref<480xf32, #tpu.memory_space<vmem>>[vector<16xi32>], vector<16xf32>,
        %parallel_loop3A_813 = arith.constant 8192 : i32
        %parallel_loop3A_814 = arith.addi %parallel_loop3A_813, %parallel_loop3A_556 : i32
        %parallel_loop3A_815 = arith.constant 112 : i32
        %parallel_loop3A_816 = arith.addi %parallel_loop3A_814, %parallel_loop3A_815 : i32
        %parallel_loop3A_817 = arith.index_cast %parallel_loop3A_816 : i32 to index
        %parallel_loop3A_818 = tpu.vector_load %arg11[%parallel_loop3A_817] {strides = array<i32>} : memref<24576xf32, #tpu.memory_space<vmem>>, vector<16xf32>,
        tpu.vector_store %arg11[%parallel_loop3A_817], %parallel_loop3A_812 {strides = array<i32>} : memref<24576xf32, #tpu.memory_space<vmem>>, vector<16xf32>,
        %parallel_loop3A_819 = arith.constant 320 : i32
        %parallel_loop3A_820 = vector.broadcast %parallel_loop3A_819 : i32 to vector<16xi32>
        %parallel_loop3A_821 = arith.addi %parallel_loop3A_798, %parallel_loop3A_820 : vector<16xi32>
        %parallel_loop3A_822 = tpu.vector_load_idx %arg8[%parallel_loop3A_821] : memref<480xf32, #tpu.memory_space<vmem>>[vector<16xi32>], vector<16xf32>,
        %parallel_loop3A_823 = arith.constant 16384 : i32
        %parallel_loop3A_824 = arith.addi %parallel_loop3A_823, %parallel_loop3A_556 : i32
        %parallel_loop3A_825 = arith.constant 112 : i32
        %parallel_loop3A_826 = arith.addi %parallel_loop3A_824, %parallel_loop3A_825 : i32
        %parallel_loop3A_827 = arith.index_cast %parallel_loop3A_826 : i32 to index
        %parallel_loop3A_828 = tpu.vector_load %arg11[%parallel_loop3A_827] {strides = array<i32>} : memref<24576xf32, #tpu.memory_space<vmem>>, vector<16xf32>,
        tpu.vector_store %arg11[%parallel_loop3A_827], %parallel_loop3A_822 {strides = array<i32>} : memref<24576xf32, #tpu.memory_space<vmem>>, vector<16xf32>,
      } {sc.loop_unroll_factor = 1 : i64, sc.parallel_access}
      %mul3A_344 = arith.constant 3 : i32
      %mul3A_345 = arith.muli %select_n3A, %mul3A_344 : i32
      %add3A_346 = arith.constant 0 : i32
      %add3A_347 = arith.addi %mul3A_345, %add3A_346 : i32
      %mul3A_348 = arith.constant 262144 : i32
      %mul3A_349 = arith.muli %add3A_347, %mul3A_348 : i32
      %add3A_350 = arith.addi %mul3A_349, %mul3A_34 : i32
      %mul3A_351 = arith.constant 8192 : i32
      %mul3A_352 = arith.muli %add3A_337, %mul3A_351 : i32
      %add3A_353 = arith.addi %add3A_350, %mul3A_352 : i32
      %dma_start3A_354 = arith.constant 0 : i32
      %dma_start3A_355 = tpu.memref_slice %arg11[%dma_start3A_354] : memref<24576xf32, #tpu.memory_space<vmem>> -> memref<8192xf32, #tpu.memory_space<vmem>>
      %dma_start3A_356 = tpu.memref_slice %arg5[%add3A_353] : memref<6291456xf32, #tpu.memory_space<hbm>> -> memref<8192xf32, #tpu.memory_space<hbm>>
      %dma_start3A_357 = tpu.memref_slice %arg5[%add3A_353] : memref<6291456xf32, #tpu.memory_space<hbm>> -> memref<8192xf32, #tpu.memory_space<hbm>>
      %dma_start3A_358 = arith.constant 0 : i32
      %dma_start3A_359 = tpu.memref_slice %arg11[%dma_start3A_358] : memref<24576xf32, #tpu.memory_space<vmem>> -> memref<8192xf32, #tpu.memory_space<vmem>>
      tpu.enqueue_dma source(%dma_start3A_359 : memref<8192xf32, #tpu.memory_space<vmem>>) target(%dma_start3A_357 : memref<8192xf32, #tpu.memory_space<hbm>>) target_semaphore(%arg15 : memref<!tpu.dma_semaphore, #tpu.memory_space<semaphore_mem>>)
      %mul3A_360 = arith.constant 3 : i32
      %mul3A_361 = arith.muli %select_n3A, %mul3A_360 : i32
      %add3A_362 = arith.constant 1 : i32
      %add3A_363 = arith.addi %mul3A_361, %add3A_362 : i32
      %mul3A_364 = arith.constant 262144 : i32
      %mul3A_365 = arith.muli %add3A_363, %mul3A_364 : i32
      %add3A_366 = arith.addi %mul3A_365, %mul3A_34 : i32
      %mul3A_367 = arith.constant 8192 : i32
      %mul3A_368 = arith.muli %add3A_337, %mul3A_367 : i32
      %add3A_369 = arith.addi %add3A_366, %mul3A_368 : i32
      %dma_start3A_370 = arith.constant 8192 : i32
      %dma_start3A_371 = tpu.memref_slice %arg11[%dma_start3A_370] : memref<24576xf32, #tpu.memory_space<vmem>> -> memref<8192xf32, #tpu.memory_space<vmem>>
      %dma_start3A_372 = tpu.memref_slice %arg5[%add3A_369] : memref<6291456xf32, #tpu.memory_space<hbm>> -> memref<8192xf32, #tpu.memory_space<hbm>>
      %dma_start3A_373 = tpu.memref_slice %arg5[%add3A_369] : memref<6291456xf32, #tpu.memory_space<hbm>> -> memref<8192xf32, #tpu.memory_space<hbm>>
      %dma_start3A_374 = arith.constant 8192 : i32
      %dma_start3A_375 = tpu.memref_slice %arg11[%dma_start3A_374] : memref<24576xf32, #tpu.memory_space<vmem>> -> memref<8192xf32, #tpu.memory_space<vmem>>
      tpu.enqueue_dma source(%dma_start3A_375 : memref<8192xf32, #tpu.memory_space<vmem>>) target(%dma_start3A_373 : memref<8192xf32, #tpu.memory_space<hbm>>) target_semaphore(%arg15 : memref<!tpu.dma_semaphore, #tpu.memory_space<semaphore_mem>>)
      %mul3A_376 = arith.constant 3 : i32
      %mul3A_377 = arith.muli %select_n3A, %mul3A_376 : i32
      %add3A_378 = arith.constant 2 : i32
      %add3A_379 = arith.addi %mul3A_377, %add3A_378 : i32
      %mul3A_380 = arith.constant 262144 : i32
      %mul3A_381 = arith.muli %add3A_379, %mul3A_380 : i32
      %add3A_382 = arith.addi %mul3A_381, %mul3A_34 : i32
      %mul3A_383 = arith.constant 8192 : i32
      %mul3A_384 = arith.muli %add3A_337, %mul3A_383 : i32
      %add3A_385 = arith.addi %add3A_382, %mul3A_384 : i32
      %dma_start3A_386 = arith.constant 16384 : i32
      %dma_start3A_387 = tpu.memref_slice %arg11[%dma_start3A_386] : memref<24576xf32, #tpu.memory_space<vmem>> -> memref<8192xf32, #tpu.memory_space<vmem>>
      %dma_start3A_388 = tpu.memref_slice %arg5[%add3A_385] : memref<6291456xf32, #tpu.memory_space<hbm>> -> memref<8192xf32, #tpu.memory_space<hbm>>
      %dma_start3A_389 = tpu.memref_slice %arg5[%add3A_385] : memref<6291456xf32, #tpu.memory_space<hbm>> -> memref<8192xf32, #tpu.memory_space<hbm>>
      %dma_start3A_390 = arith.constant 16384 : i32
      %dma_start3A_391 = tpu.memref_slice %arg11[%dma_start3A_390] : memref<24576xf32, #tpu.memory_space<vmem>> -> memref<8192xf32, #tpu.memory_space<vmem>>
      tpu.enqueue_dma source(%dma_start3A_391 : memref<8192xf32, #tpu.memory_space<vmem>>) target(%dma_start3A_389 : memref<8192xf32, #tpu.memory_space<hbm>>) target_semaphore(%arg15 : memref<!tpu.dma_semaphore, #tpu.memory_space<semaphore_mem>>)
      %add3A_392 = arith.constant 2 : i32
      %add3A_393 = arith.addi %add3A_337, %add3A_392 : i32
      %lt3A_394 = arith.constant 8 : i32
      %lt3A_395 = arith.cmpi slt, %add3A_393, %lt3A_394 : i32
      %convert_element_type3A_396 = arith.extui %lt3A_395 : i1 to i32
      %cond3A_397 = arith.constant 0 : i32
      %cond3A_398 = arith.cmpi ne, %convert_element_type3A_396, %cond3A_397 : i32
      scf.if %cond3A_398 {
        %add3A_466 = arith.constant 2 : i32
        %add3A_467 = arith.addi %add3A_337, %add3A_466 : i32
        %mul3A_468 = arith.constant 8192 : i32
        %mul3A_469 = arith.muli %add3A_467, %mul3A_468 : i32
        %add3A_470 = arith.addi %mul3A_2, %mul3A_469 : i32
        %dma_start3A_471 = tpu.memref_slice %arg2[%add3A_470] : memref<2097152xi32, #tpu.memory_space<hbm>> -> memref<8192xi32, #tpu.memory_space<hbm>>
        %dma_start3A_472 = tpu.memref_slice %arg2[%add3A_470] : memref<2097152xi32, #tpu.memory_space<hbm>> -> memref<8192xi32, #tpu.memory_space<hbm>>
        tpu.enqueue_dma source(%dma_start3A_472 : memref<8192xi32, #tpu.memory_space<hbm>>) target(%arg9 : memref<8192xi32, #tpu.memory_space<vmem>>) target_semaphore(%arg13 : memref<!tpu.dma_semaphore, #tpu.memory_space<semaphore_mem>>)
      } else {
      }
      %add3A_399 = arith.constant 1 : i32
      %add3A_400 = arith.addi %add3A_337, %add3A_399 : i32
      %ge3A_401 = arith.constant 2 : i32
      %ge3A_402 = arith.cmpi sge, %add3A_400, %ge3A_401 : i32
      %convert_element_type3A_403 = arith.extui %ge3A_402 : i1 to i32
      %cond3A_404 = arith.constant 0 : i32
      %cond3A_405 = arith.cmpi ne, %convert_element_type3A_403, %cond3A_404 : i32
      scf.if %cond3A_405 {
        %dma_wait3A_466 = arith.constant 0 : i32
        %dma_wait3A_467 = tpu.memref_slice %arg12[%dma_wait3A_466] : memref<24576xf32, #tpu.memory_space<vmem>> -> memref<8192xf32, #tpu.memory_space<vmem>>
        %dma_wait3A_468 = arith.constant 0 : i32
        %dma_wait3A_469 = tpu.memref_slice %arg5[%dma_wait3A_468] : memref<6291456xf32, #tpu.memory_space<hbm>> -> memref<8192xf32, #tpu.memory_space<hbm>>
        %dma_wait3A_470 = arith.constant 0 : i32
        %dma_wait3A_471 = tpu.memref_slice %arg5[%dma_wait3A_470] : memref<6291456xf32, #tpu.memory_space<hbm>> -> memref<8192xf32, #tpu.memory_space<hbm>>
        %dma_wait3A_472 = arith.constant 0 : i32
        %dma_wait3A_473 = tpu.memref_slice %arg12[%dma_wait3A_472] : memref<24576xf32, #tpu.memory_space<vmem>> -> memref<8192xf32, #tpu.memory_space<vmem>>
        tpu.wait_dma2 semaphore(%arg16 : memref<!tpu.dma_semaphore, #tpu.memory_space<semaphore_mem>>) src(%dma_wait3A_473 : memref<8192xf32, #tpu.memory_space<vmem>>) dst(%dma_wait3A_471 : memref<8192xf32, #tpu.memory_space<hbm>>)
        %dma_wait3A_474 = arith.constant 8192 : i32
        %dma_wait3A_475 = tpu.memref_slice %arg12[%dma_wait3A_474] : memref<24576xf32, #tpu.memory_space<vmem>> -> memref<8192xf32, #tpu.memory_space<vmem>>
        %dma_wait3A_476 = arith.constant 0 : i32
        %dma_wait3A_477 = tpu.memref_slice %arg5[%dma_wait3A_476] : memref<6291456xf32, #tpu.memory_space<hbm>> -> memref<8192xf32, #tpu.memory_space<hbm>>
        %dma_wait3A_478 = arith.constant 0 : i32
        %dma_wait3A_479 = tpu.memref_slice %arg5[%dma_wait3A_478] : memref<6291456xf32, #tpu.memory_space<hbm>> -> memref<8192xf32, #tpu.memory_space<hbm>>
        %dma_wait3A_480 = arith.constant 8192 : i32
        %dma_wait3A_481 = tpu.memref_slice %arg12[%dma_wait3A_480] : memref<24576xf32, #tpu.memory_space<vmem>> -> memref<8192xf32, #tpu.memory_space<vmem>>
        tpu.wait_dma2 semaphore(%arg16 : memref<!tpu.dma_semaphore, #tpu.memory_space<semaphore_mem>>) src(%dma_wait3A_481 : memref<8192xf32, #tpu.memory_space<vmem>>) dst(%dma_wait3A_479 : memref<8192xf32, #tpu.memory_space<hbm>>)
        %dma_wait3A_482 = arith.constant 16384 : i32
        %dma_wait3A_483 = tpu.memref_slice %arg12[%dma_wait3A_482] : memref<24576xf32, #tpu.memory_space<vmem>> -> memref<8192xf32, #tpu.memory_space<vmem>>
        %dma_wait3A_484 = arith.constant 0 : i32
        %dma_wait3A_485 = tpu.memref_slice %arg5[%dma_wait3A_484] : memref<6291456xf32, #tpu.memory_space<hbm>> -> memref<8192xf32, #tpu.memory_space<hbm>>
        %dma_wait3A_486 = arith.constant 0 : i32
        %dma_wait3A_487 = tpu.memref_slice %arg5[%dma_wait3A_486] : memref<6291456xf32, #tpu.memory_space<hbm>> -> memref<8192xf32, #tpu.memory_space<hbm>>
        %dma_wait3A_488 = arith.constant 16384 : i32
        %dma_wait3A_489 = tpu.memref_slice %arg12[%dma_wait3A_488] : memref<24576xf32, #tpu.memory_space<vmem>> -> memref<8192xf32, #tpu.memory_space<vmem>>
        tpu.wait_dma2 semaphore(%arg16 : memref<!tpu.dma_semaphore, #tpu.memory_space<semaphore_mem>>) src(%dma_wait3A_489 : memref<8192xf32, #tpu.memory_space<vmem>>) dst(%dma_wait3A_487 : memref<8192xf32, #tpu.memory_space<hbm>>)
      } else {
      }
      %dma_wait3A_406 = tpu.memref_slice %arg2[%mul3A_2] : memref<2097152xi32, #tpu.memory_space<hbm>> -> memref<8192xi32, #tpu.memory_space<hbm>>
      %dma_wait3A_407 = tpu.memref_slice %arg2[%mul3A_2] : memref<2097152xi32, #tpu.memory_space<hbm>> -> memref<8192xi32, #tpu.memory_space<hbm>>
      tpu.wait_dma2 semaphore(%arg14 : memref<!tpu.dma_semaphore, #tpu.memory_space<semaphore_mem>>) src(%dma_wait3A_407 : memref<8192xi32, #tpu.memory_space<hbm>>) dst(%arg10 : memref<8192xi32, #tpu.memory_space<vmem>>)
      %parallel_loop3A_408 = arith.constant 0 : i32
      %parallel_loop3A_409 = arith.constant 64 : i32
      %parallel_loop3A_410 = arith.constant 1 : i32
      scf.for %parallel_loop3A_466 = %parallel_loop3A_408 to %parallel_loop3A_409 step %parallel_loop3A_410  : i32 {
        %parallel_loop3A_467 = arith.constant 128 : i32
        %parallel_loop3A_468 = arith.muli %parallel_loop3A_466, %parallel_loop3A_467 : i32
        %parallel_loop3A_469 = arith.constant 32 : i32
        %parallel_loop3A_470 = arith.divsi %parallel_loop3A_466, %parallel_loop3A_469 : i32
        %parallel_loop3A_471 = arith.constant 0 : i32
        %parallel_loop3A_472 = arith.cmpi sgt, %parallel_loop3A_466, %parallel_loop3A_471 : i32
        %parallel_loop3A_473 = arith.extui %parallel_loop3A_472 : i1 to i32
        %parallel_loop3A_474 = arith.constant 0 : i32
        %parallel_loop3A_475 = arith.cmpi slt, %parallel_loop3A_466, %parallel_loop3A_474 : i32
        %parallel_loop3A_476 = arith.extui %parallel_loop3A_475 : i1 to i32
        %parallel_loop3A_477 = arith.subi %parallel_loop3A_473, %parallel_loop3A_476 : i32
        %parallel_loop3A_478 = arith.constant 0 : i32
        %parallel_loop3A_479 = arith.cmpi sgt, %parallel_loop3A_469, %parallel_loop3A_478 : i32
        %parallel_loop3A_480 = arith.extui %parallel_loop3A_479 : i1 to i32
        %parallel_loop3A_481 = arith.constant 0 : i32
        %parallel_loop3A_482 = arith.cmpi slt, %parallel_loop3A_469, %parallel_loop3A_481 : i32
        %parallel_loop3A_483 = arith.extui %parallel_loop3A_482 : i1 to i32
        %parallel_loop3A_484 = arith.subi %parallel_loop3A_480, %parallel_loop3A_483 : i32
        %parallel_loop3A_485 = arith.cmpi ne, %parallel_loop3A_477, %parallel_loop3A_484 : i32
        %parallel_loop3A_486 = arith.remsi %parallel_loop3A_466, %parallel_loop3A_469 : i32
        %parallel_loop3A_487 = arith.constant 0 : i32
        %parallel_loop3A_488 = arith.cmpi ne, %parallel_loop3A_486, %parallel_loop3A_487 : i32
        %parallel_loop3A_489 = arith.andi %parallel_loop3A_485, %parallel_loop3A_488 : i1
        %parallel_loop3A_490 = arith.constant 1 : i32
        %parallel_loop3A_491 = arith.subi %parallel_loop3A_470, %parallel_loop3A_490 : i32
        %parallel_loop3A_492 = arith.select %parallel_loop3A_489, %parallel_loop3A_491, %parallel_loop3A_470 : i32
        %parallel_loop3A_493 = arith.constant 4096 : i32
        %parallel_loop3A_494 = arith.muli %parallel_loop3A_492, %parallel_loop3A_493 : i32
        %parallel_loop3A_495 = arith.constant 8 : i32
        %parallel_loop3A_496 = arith.constant 0 : i32
        %parallel_loop3A_497 = arith.cmpi eq, %parallel_loop3A_495, %parallel_loop3A_496 : i32
        %parallel_loop3A_498 = arith.constant 1 : i32
        %parallel_loop3A_499 = arith.select %parallel_loop3A_497, %parallel_loop3A_498, %parallel_loop3A_495 : i32
        %parallel_loop3A_500 = arith.remsi %parallel_loop3A_466, %parallel_loop3A_499 : i32
        %parallel_loop3A_501 = arith.constant 0 : i32
        %parallel_loop3A_502 = arith.cmpi ne, %parallel_loop3A_500, %parallel_loop3A_501 : i32
        %parallel_loop3A_503 = arith.constant 0 : i32
        %parallel_loop3A_504 = arith.cmpi slt, %parallel_loop3A_500, %parallel_loop3A_503 : i32
        %parallel_loop3A_505 = arith.constant 0 : i32
        %parallel_loop3A_506 = arith.cmpi slt, %parallel_loop3A_499, %parallel_loop3A_505 : i32
        %parallel_loop3A_507 = arith.xori %parallel_loop3A_504, %parallel_loop3A_506 : i1
        %parallel_loop3A_508 = arith.andi %parallel_loop3A_507, %parallel_loop3A_502 : i1
        %parallel_loop3A_509 = arith.addi %parallel_loop3A_500, %parallel_loop3A_499 : i32
        %parallel_loop3A_510 = arith.select %parallel_loop3A_508, %parallel_loop3A_509, %parallel_loop3A_500 : i32
        %parallel_loop3A_511 = arith.constant 512 : i32
        %parallel_loop3A_512 = arith.muli %parallel_loop3A_510, %parallel_loop3A_511 : i32
        %parallel_loop3A_513 = arith.addi %parallel_loop3A_494, %parallel_loop3A_512 : i32
        %parallel_loop3A_514 = arith.constant 8 : i32
        %parallel_loop3A_515 = arith.divsi %parallel_loop3A_466, %parallel_loop3A_514 : i32
        %parallel_loop3A_516 = arith.constant 0 : i32
        %parallel_loop3A_517 = arith.cmpi sgt, %parallel_loop3A_466, %parallel_loop3A_516 : i32
        %parallel_loop3A_518 = arith.extui %parallel_loop3A_517 : i1 to i32
        %parallel_loop3A_519 = arith.constant 0 : i32
        %parallel_loop3A_520 = arith.cmpi slt, %parallel_loop3A_466, %parallel_loop3A_519 : i32
        %parallel_loop3A_521 = arith.extui %parallel_loop3A_520 : i1 to i32
        %parallel_loop3A_522 = arith.subi %parallel_loop3A_518, %parallel_loop3A_521 : i32
        %parallel_loop3A_523 = arith.constant 0 : i32
        %parallel_loop3A_524 = arith.cmpi sgt, %parallel_loop3A_514, %parallel_loop3A_523 : i32
        %parallel_loop3A_525 = arith.extui %parallel_loop3A_524 : i1 to i32
        %parallel_loop3A_526 = arith.constant 0 : i32
        %parallel_loop3A_527 = arith.cmpi slt, %parallel_loop3A_514, %parallel_loop3A_526 : i32
        %parallel_loop3A_528 = arith.extui %parallel_loop3A_527 : i1 to i32
        %parallel_loop3A_529 = arith.subi %parallel_loop3A_525, %parallel_loop3A_528 : i32
        %parallel_loop3A_530 = arith.cmpi ne, %parallel_loop3A_522, %parallel_loop3A_529 : i32
        %parallel_loop3A_531 = arith.remsi %parallel_loop3A_466, %parallel_loop3A_514 : i32
        %parallel_loop3A_532 = arith.constant 0 : i32
        %parallel_loop3A_533 = arith.cmpi ne, %parallel_loop3A_531, %parallel_loop3A_532 : i32
        %parallel_loop3A_534 = arith.andi %parallel_loop3A_530, %parallel_loop3A_533 : i1
        %parallel_loop3A_535 = arith.constant 1 : i32
        %parallel_loop3A_536 = arith.subi %parallel_loop3A_515, %parallel_loop3A_535 : i32
        %parallel_loop3A_537 = arith.select %parallel_loop3A_534, %parallel_loop3A_536, %parallel_loop3A_515 : i32
        %parallel_loop3A_538 = arith.constant 4 : i32
        %parallel_loop3A_539 = arith.constant 0 : i32
        %parallel_loop3A_540 = arith.cmpi eq, %parallel_loop3A_538, %parallel_loop3A_539 : i32
        %parallel_loop3A_541 = arith.constant 1 : i32
        %parallel_loop3A_542 = arith.select %parallel_loop3A_540, %parallel_loop3A_541, %parallel_loop3A_538 : i32
        %parallel_loop3A_543 = arith.remsi %parallel_loop3A_537, %parallel_loop3A_542 : i32
        %parallel_loop3A_544 = arith.constant 0 : i32
        %parallel_loop3A_545 = arith.cmpi ne, %parallel_loop3A_543, %parallel_loop3A_544 : i32
        %parallel_loop3A_546 = arith.constant 0 : i32
        %parallel_loop3A_547 = arith.cmpi slt, %parallel_loop3A_543, %parallel_loop3A_546 : i32
        %parallel_loop3A_548 = arith.constant 0 : i32
        %parallel_loop3A_549 = arith.cmpi slt, %parallel_loop3A_542, %parallel_loop3A_548 : i32
        %parallel_loop3A_550 = arith.xori %parallel_loop3A_547, %parallel_loop3A_549 : i1
        %parallel_loop3A_551 = arith.andi %parallel_loop3A_550, %parallel_loop3A_545 : i1
        %parallel_loop3A_552 = arith.addi %parallel_loop3A_543, %parallel_loop3A_542 : i32
        %parallel_loop3A_553 = arith.select %parallel_loop3A_551, %parallel_loop3A_552, %parallel_loop3A_543 : i32
        %parallel_loop3A_554 = arith.constant 128 : i32
        %parallel_loop3A_555 = arith.muli %parallel_loop3A_553, %parallel_loop3A_554 : i32
        %parallel_loop3A_556 = arith.addi %parallel_loop3A_513, %parallel_loop3A_555 : i32
        %parallel_loop3A_557 = arith.constant 0 : i32
        %parallel_loop3A_558 = arith.addi %parallel_loop3A_468, %parallel_loop3A_557 : i32
        %parallel_loop3A_559 = arith.index_cast %parallel_loop3A_558 : i32 to index
        %parallel_loop3A_560 = tpu.vector_load %arg10[%parallel_loop3A_559] {strides = array<i32>} : memref<8192xi32, #tpu.memory_space<vmem>>, vector<16xi32>,
        %parallel_loop3A_561 = arith.constant 0 : i32
        %parallel_loop3A_562 = vector.broadcast %parallel_loop3A_561 : i32 to vector<16xi32>
        %parallel_loop3A_563 = arith.addi %parallel_loop3A_560, %parallel_loop3A_562 : vector<16xi32>
        %parallel_loop3A_564 = tpu.vector_load_idx %arg8[%parallel_loop3A_563] : memref<480xf32, #tpu.memory_space<vmem>>[vector<16xi32>], vector<16xf32>,
        %parallel_loop3A_565 = arith.constant 0 : i32
        %parallel_loop3A_566 = arith.addi %parallel_loop3A_565, %parallel_loop3A_556 : i32
        %parallel_loop3A_567 = arith.constant 0 : i32
        %parallel_loop3A_568 = arith.addi %parallel_loop3A_566, %parallel_loop3A_567 : i32
        %parallel_loop3A_569 = arith.index_cast %parallel_loop3A_568 : i32 to index
        %parallel_loop3A_570 = tpu.vector_load %arg12[%parallel_loop3A_569] {strides = array<i32>} : memref<24576xf32, #tpu.memory_space<vmem>>, vector<16xf32>,
        tpu.vector_store %arg12[%parallel_loop3A_569], %parallel_loop3A_564 {strides = array<i32>} : memref<24576xf32, #tpu.memory_space<vmem>>, vector<16xf32>,
        %parallel_loop3A_571 = arith.constant 160 : i32
        %parallel_loop3A_572 = vector.broadcast %parallel_loop3A_571 : i32 to vector<16xi32>
        %parallel_loop3A_573 = arith.addi %parallel_loop3A_560, %parallel_loop3A_572 : vector<16xi32>
        %parallel_loop3A_574 = tpu.vector_load_idx %arg8[%parallel_loop3A_573] : memref<480xf32, #tpu.memory_space<vmem>>[vector<16xi32>], vector<16xf32>,
        %parallel_loop3A_575 = arith.constant 8192 : i32
        %parallel_loop3A_576 = arith.addi %parallel_loop3A_575, %parallel_loop3A_556 : i32
        %parallel_loop3A_577 = arith.constant 0 : i32
        %parallel_loop3A_578 = arith.addi %parallel_loop3A_576, %parallel_loop3A_577 : i32
        %parallel_loop3A_579 = arith.index_cast %parallel_loop3A_578 : i32 to index
        %parallel_loop3A_580 = tpu.vector_load %arg12[%parallel_loop3A_579] {strides = array<i32>} : memref<24576xf32, #tpu.memory_space<vmem>>, vector<16xf32>,
        tpu.vector_store %arg12[%parallel_loop3A_579], %parallel_loop3A_574 {strides = array<i32>} : memref<24576xf32, #tpu.memory_space<vmem>>, vector<16xf32>,
        %parallel_loop3A_581 = arith.constant 320 : i32
        %parallel_loop3A_582 = vector.broadcast %parallel_loop3A_581 : i32 to vector<16xi32>
        %parallel_loop3A_583 = arith.addi %parallel_loop3A_560, %parallel_loop3A_582 : vector<16xi32>
        %parallel_loop3A_584 = tpu.vector_load_idx %arg8[%parallel_loop3A_583] : memref<480xf32, #tpu.memory_space<vmem>>[vector<16xi32>], vector<16xf32>,
        %parallel_loop3A_585 = arith.constant 16384 : i32
        %parallel_loop3A_586 = arith.addi %parallel_loop3A_585, %parallel_loop3A_556 : i32
        %parallel_loop3A_587 = arith.constant 0 : i32
        %parallel_loop3A_588 = arith.addi %parallel_loop3A_586, %parallel_loop3A_587 : i32
        %parallel_loop3A_589 = arith.index_cast %parallel_loop3A_588 : i32 to index
        %parallel_loop3A_590 = tpu.vector_load %arg12[%parallel_loop3A_589] {strides = array<i32>} : memref<24576xf32, #tpu.memory_space<vmem>>, vector<16xf32>,
        tpu.vector_store %arg12[%parallel_loop3A_589], %parallel_loop3A_584 {strides = array<i32>} : memref<24576xf32, #tpu.memory_space<vmem>>, vector<16xf32>,
        %parallel_loop3A_591 = arith.constant 16 : i32
        %parallel_loop3A_592 = arith.addi %parallel_loop3A_468, %parallel_loop3A_591 : i32
        %parallel_loop3A_593 = arith.index_cast %parallel_loop3A_592 : i32 to index
        %parallel_loop3A_594 = tpu.vector_load %arg10[%parallel_loop3A_593] {strides = array<i32>} : memref<8192xi32, #tpu.memory_space<vmem>>, vector<16xi32>,
        %parallel_loop3A_595 = arith.constant 0 : i32
        %parallel_loop3A_596 = vector.broadcast %parallel_loop3A_595 : i32 to vector<16xi32>
        %parallel_loop3A_597 = arith.addi %parallel_loop3A_594, %parallel_loop3A_596 : vector<16xi32>
        %parallel_loop3A_598 = tpu.vector_load_idx %arg8[%parallel_loop3A_597] : memref<480xf32, #tpu.memory_space<vmem>>[vector<16xi32>], vector<16xf32>,
        %parallel_loop3A_599 = arith.constant 0 : i32
        %parallel_loop3A_600 = arith.addi %parallel_loop3A_599, %parallel_loop3A_556 : i32
        %parallel_loop3A_601 = arith.constant 16 : i32
        %parallel_loop3A_602 = arith.addi %parallel_loop3A_600, %parallel_loop3A_601 : i32
        %parallel_loop3A_603 = arith.index_cast %parallel_loop3A_602 : i32 to index
        %parallel_loop3A_604 = tpu.vector_load %arg12[%parallel_loop3A_603] {strides = array<i32>} : memref<24576xf32, #tpu.memory_space<vmem>>, vector<16xf32>,
        tpu.vector_store %arg12[%parallel_loop3A_603], %parallel_loop3A_598 {strides = array<i32>} : memref<24576xf32, #tpu.memory_space<vmem>>, vector<16xf32>,
        %parallel_loop3A_605 = arith.constant 160 : i32
        %parallel_loop3A_606 = vector.broadcast %parallel_loop3A_605 : i32 to vector<16xi32>
        %parallel_loop3A_607 = arith.addi %parallel_loop3A_594, %parallel_loop3A_606 : vector<16xi32>
        %parallel_loop3A_608 = tpu.vector_load_idx %arg8[%parallel_loop3A_607] : memref<480xf32, #tpu.memory_space<vmem>>[vector<16xi32>], vector<16xf32>,
        %parallel_loop3A_609 = arith.constant 8192 : i32
        %parallel_loop3A_610 = arith.addi %parallel_loop3A_609, %parallel_loop3A_556 : i32
        %parallel_loop3A_611 = arith.constant 16 : i32
        %parallel_loop3A_612 = arith.addi %parallel_loop3A_610, %parallel_loop3A_611 : i32
        %parallel_loop3A_613 = arith.index_cast %parallel_loop3A_612 : i32 to index
        %parallel_loop3A_614 = tpu.vector_load %arg12[%parallel_loop3A_613] {strides = array<i32>} : memref<24576xf32, #tpu.memory_space<vmem>>, vector<16xf32>,
        tpu.vector_store %arg12[%parallel_loop3A_613], %parallel_loop3A_608 {strides = array<i32>} : memref<24576xf32, #tpu.memory_space<vmem>>, vector<16xf32>,
        %parallel_loop3A_615 = arith.constant 320 : i32
        %parallel_loop3A_616 = vector.broadcast %parallel_loop3A_615 : i32 to vector<16xi32>
        %parallel_loop3A_617 = arith.addi %parallel_loop3A_594, %parallel_loop3A_616 : vector<16xi32>
        %parallel_loop3A_618 = tpu.vector_load_idx %arg8[%parallel_loop3A_617] : memref<480xf32, #tpu.memory_space<vmem>>[vector<16xi32>], vector<16xf32>,
        %parallel_loop3A_619 = arith.constant 16384 : i32
        %parallel_loop3A_620 = arith.addi %parallel_loop3A_619, %parallel_loop3A_556 : i32
        %parallel_loop3A_621 = arith.constant 16 : i32
        %parallel_loop3A_622 = arith.addi %parallel_loop3A_620, %parallel_loop3A_621 : i32
        %parallel_loop3A_623 = arith.index_cast %parallel_loop3A_622 : i32 to index
        %parallel_loop3A_624 = tpu.vector_load %arg12[%parallel_loop3A_623] {strides = array<i32>} : memref<24576xf32, #tpu.memory_space<vmem>>, vector<16xf32>,
        tpu.vector_store %arg12[%parallel_loop3A_623], %parallel_loop3A_618 {strides = array<i32>} : memref<24576xf32, #tpu.memory_space<vmem>>, vector<16xf32>,
        %parallel_loop3A_625 = arith.constant 32 : i32
        %parallel_loop3A_626 = arith.addi %parallel_loop3A_468, %parallel_loop3A_625 : i32
        %parallel_loop3A_627 = arith.index_cast %parallel_loop3A_626 : i32 to index
        %parallel_loop3A_628 = tpu.vector_load %arg10[%parallel_loop3A_627] {strides = array<i32>} : memref<8192xi32, #tpu.memory_space<vmem>>, vector<16xi32>,
        %parallel_loop3A_629 = arith.constant 0 : i32
        %parallel_loop3A_630 = vector.broadcast %parallel_loop3A_629 : i32 to vector<16xi32>
        %parallel_loop3A_631 = arith.addi %parallel_loop3A_628, %parallel_loop3A_630 : vector<16xi32>
        %parallel_loop3A_632 = tpu.vector_load_idx %arg8[%parallel_loop3A_631] : memref<480xf32, #tpu.memory_space<vmem>>[vector<16xi32>], vector<16xf32>,
        %parallel_loop3A_633 = arith.constant 0 : i32
        %parallel_loop3A_634 = arith.addi %parallel_loop3A_633, %parallel_loop3A_556 : i32
        %parallel_loop3A_635 = arith.constant 32 : i32
        %parallel_loop3A_636 = arith.addi %parallel_loop3A_634, %parallel_loop3A_635 : i32
        %parallel_loop3A_637 = arith.index_cast %parallel_loop3A_636 : i32 to index
        %parallel_loop3A_638 = tpu.vector_load %arg12[%parallel_loop3A_637] {strides = array<i32>} : memref<24576xf32, #tpu.memory_space<vmem>>, vector<16xf32>,
        tpu.vector_store %arg12[%parallel_loop3A_637], %parallel_loop3A_632 {strides = array<i32>} : memref<24576xf32, #tpu.memory_space<vmem>>, vector<16xf32>,
        %parallel_loop3A_639 = arith.constant 160 : i32
        %parallel_loop3A_640 = vector.broadcast %parallel_loop3A_639 : i32 to vector<16xi32>
        %parallel_loop3A_641 = arith.addi %parallel_loop3A_628, %parallel_loop3A_640 : vector<16xi32>
        %parallel_loop3A_642 = tpu.vector_load_idx %arg8[%parallel_loop3A_641] : memref<480xf32, #tpu.memory_space<vmem>>[vector<16xi32>], vector<16xf32>,
        %parallel_loop3A_643 = arith.constant 8192 : i32
        %parallel_loop3A_644 = arith.addi %parallel_loop3A_643, %parallel_loop3A_556 : i32
        %parallel_loop3A_645 = arith.constant 32 : i32
        %parallel_loop3A_646 = arith.addi %parallel_loop3A_644, %parallel_loop3A_645 : i32
        %parallel_loop3A_647 = arith.index_cast %parallel_loop3A_646 : i32 to index
        %parallel_loop3A_648 = tpu.vector_load %arg12[%parallel_loop3A_647] {strides = array<i32>} : memref<24576xf32, #tpu.memory_space<vmem>>, vector<16xf32>,
        tpu.vector_store %arg12[%parallel_loop3A_647], %parallel_loop3A_642 {strides = array<i32>} : memref<24576xf32, #tpu.memory_space<vmem>>, vector<16xf32>,
        %parallel_loop3A_649 = arith.constant 320 : i32
        %parallel_loop3A_650 = vector.broadcast %parallel_loop3A_649 : i32 to vector<16xi32>
        %parallel_loop3A_651 = arith.addi %parallel_loop3A_628, %parallel_loop3A_650 : vector<16xi32>
        %parallel_loop3A_652 = tpu.vector_load_idx %arg8[%parallel_loop3A_651] : memref<480xf32, #tpu.memory_space<vmem>>[vector<16xi32>], vector<16xf32>,
        %parallel_loop3A_653 = arith.constant 16384 : i32
        %parallel_loop3A_654 = arith.addi %parallel_loop3A_653, %parallel_loop3A_556 : i32
        %parallel_loop3A_655 = arith.constant 32 : i32
        %parallel_loop3A_656 = arith.addi %parallel_loop3A_654, %parallel_loop3A_655 : i32
        %parallel_loop3A_657 = arith.index_cast %parallel_loop3A_656 : i32 to index
        %parallel_loop3A_658 = tpu.vector_load %arg12[%parallel_loop3A_657] {strides = array<i32>} : memref<24576xf32, #tpu.memory_space<vmem>>, vector<16xf32>,
        tpu.vector_store %arg12[%parallel_loop3A_657], %parallel_loop3A_652 {strides = array<i32>} : memref<24576xf32, #tpu.memory_space<vmem>>, vector<16xf32>,
        %parallel_loop3A_659 = arith.constant 48 : i32
        %parallel_loop3A_660 = arith.addi %parallel_loop3A_468, %parallel_loop3A_659 : i32
        %parallel_loop3A_661 = arith.index_cast %parallel_loop3A_660 : i32 to index
        %parallel_loop3A_662 = tpu.vector_load %arg10[%parallel_loop3A_661] {strides = array<i32>} : memref<8192xi32, #tpu.memory_space<vmem>>, vector<16xi32>,
        %parallel_loop3A_663 = arith.constant 0 : i32
        %parallel_loop3A_664 = vector.broadcast %parallel_loop3A_663 : i32 to vector<16xi32>
        %parallel_loop3A_665 = arith.addi %parallel_loop3A_662, %parallel_loop3A_664 : vector<16xi32>
        %parallel_loop3A_666 = tpu.vector_load_idx %arg8[%parallel_loop3A_665] : memref<480xf32, #tpu.memory_space<vmem>>[vector<16xi32>], vector<16xf32>,
        %parallel_loop3A_667 = arith.constant 0 : i32
        %parallel_loop3A_668 = arith.addi %parallel_loop3A_667, %parallel_loop3A_556 : i32
        %parallel_loop3A_669 = arith.constant 48 : i32
        %parallel_loop3A_670 = arith.addi %parallel_loop3A_668, %parallel_loop3A_669 : i32
        %parallel_loop3A_671 = arith.index_cast %parallel_loop3A_670 : i32 to index
        %parallel_loop3A_672 = tpu.vector_load %arg12[%parallel_loop3A_671] {strides = array<i32>} : memref<24576xf32, #tpu.memory_space<vmem>>, vector<16xf32>,
        tpu.vector_store %arg12[%parallel_loop3A_671], %parallel_loop3A_666 {strides = array<i32>} : memref<24576xf32, #tpu.memory_space<vmem>>, vector<16xf32>,
        %parallel_loop3A_673 = arith.constant 160 : i32
        %parallel_loop3A_674 = vector.broadcast %parallel_loop3A_673 : i32 to vector<16xi32>
        %parallel_loop3A_675 = arith.addi %parallel_loop3A_662, %parallel_loop3A_674 : vector<16xi32>
        %parallel_loop3A_676 = tpu.vector_load_idx %arg8[%parallel_loop3A_675] : memref<480xf32, #tpu.memory_space<vmem>>[vector<16xi32>], vector<16xf32>,
        %parallel_loop3A_677 = arith.constant 8192 : i32
        %parallel_loop3A_678 = arith.addi %parallel_loop3A_677, %parallel_loop3A_556 : i32
        %parallel_loop3A_679 = arith.constant 48 : i32
        %parallel_loop3A_680 = arith.addi %parallel_loop3A_678, %parallel_loop3A_679 : i32
        %parallel_loop3A_681 = arith.index_cast %parallel_loop3A_680 : i32 to index
        %parallel_loop3A_682 = tpu.vector_load %arg12[%parallel_loop3A_681] {strides = array<i32>} : memref<24576xf32, #tpu.memory_space<vmem>>, vector<16xf32>,
        tpu.vector_store %arg12[%parallel_loop3A_681], %parallel_loop3A_676 {strides = array<i32>} : memref<24576xf32, #tpu.memory_space<vmem>>, vector<16xf32>,
        %parallel_loop3A_683 = arith.constant 320 : i32
        %parallel_loop3A_684 = vector.broadcast %parallel_loop3A_683 : i32 to vector<16xi32>
        %parallel_loop3A_685 = arith.addi %parallel_loop3A_662, %parallel_loop3A_684 : vector<16xi32>
        %parallel_loop3A_686 = tpu.vector_load_idx %arg8[%parallel_loop3A_685] : memref<480xf32, #tpu.memory_space<vmem>>[vector<16xi32>], vector<16xf32>,
        %parallel_loop3A_687 = arith.constant 16384 : i32
        %parallel_loop3A_688 = arith.addi %parallel_loop3A_687, %parallel_loop3A_556 : i32
        %parallel_loop3A_689 = arith.constant 48 : i32
        %parallel_loop3A_690 = arith.addi %parallel_loop3A_688, %parallel_loop3A_689 : i32
        %parallel_loop3A_691 = arith.index_cast %parallel_loop3A_690 : i32 to index
        %parallel_loop3A_692 = tpu.vector_load %arg12[%parallel_loop3A_691] {strides = array<i32>} : memref<24576xf32, #tpu.memory_space<vmem>>, vector<16xf32>,
        tpu.vector_store %arg12[%parallel_loop3A_691], %parallel_loop3A_686 {strides = array<i32>} : memref<24576xf32, #tpu.memory_space<vmem>>, vector<16xf32>,
        %parallel_loop3A_693 = arith.constant 64 : i32
        %parallel_loop3A_694 = arith.addi %parallel_loop3A_468, %parallel_loop3A_693 : i32
        %parallel_loop3A_695 = arith.index_cast %parallel_loop3A_694 : i32 to index
        %parallel_loop3A_696 = tpu.vector_load %arg10[%parallel_loop3A_695] {strides = array<i32>} : memref<8192xi32, #tpu.memory_space<vmem>>, vector<16xi32>,
        %parallel_loop3A_697 = arith.constant 0 : i32
        %parallel_loop3A_698 = vector.broadcast %parallel_loop3A_697 : i32 to vector<16xi32>
        %parallel_loop3A_699 = arith.addi %parallel_loop3A_696, %parallel_loop3A_698 : vector<16xi32>
        %parallel_loop3A_700 = tpu.vector_load_idx %arg8[%parallel_loop3A_699] : memref<480xf32, #tpu.memory_space<vmem>>[vector<16xi32>], vector<16xf32>,
        %parallel_loop3A_701 = arith.constant 0 : i32
        %parallel_loop3A_702 = arith.addi %parallel_loop3A_701, %parallel_loop3A_556 : i32
        %parallel_loop3A_703 = arith.constant 64 : i32
        %parallel_loop3A_704 = arith.addi %parallel_loop3A_702, %parallel_loop3A_703 : i32
        %parallel_loop3A_705 = arith.index_cast %parallel_loop3A_704 : i32 to index
        %parallel_loop3A_706 = tpu.vector_load %arg12[%parallel_loop3A_705] {strides = array<i32>} : memref<24576xf32, #tpu.memory_space<vmem>>, vector<16xf32>,
        tpu.vector_store %arg12[%parallel_loop3A_705], %parallel_loop3A_700 {strides = array<i32>} : memref<24576xf32, #tpu.memory_space<vmem>>, vector<16xf32>,
        %parallel_loop3A_707 = arith.constant 160 : i32
        %parallel_loop3A_708 = vector.broadcast %parallel_loop3A_707 : i32 to vector<16xi32>
        %parallel_loop3A_709 = arith.addi %parallel_loop3A_696, %parallel_loop3A_708 : vector<16xi32>
        %parallel_loop3A_710 = tpu.vector_load_idx %arg8[%parallel_loop3A_709] : memref<480xf32, #tpu.memory_space<vmem>>[vector<16xi32>], vector<16xf32>,
        %parallel_loop3A_711 = arith.constant 8192 : i32
        %parallel_loop3A_712 = arith.addi %parallel_loop3A_711, %parallel_loop3A_556 : i32
        %parallel_loop3A_713 = arith.constant 64 : i32
        %parallel_loop3A_714 = arith.addi %parallel_loop3A_712, %parallel_loop3A_713 : i32
        %parallel_loop3A_715 = arith.index_cast %parallel_loop3A_714 : i32 to index
        %parallel_loop3A_716 = tpu.vector_load %arg12[%parallel_loop3A_715] {strides = array<i32>} : memref<24576xf32, #tpu.memory_space<vmem>>, vector<16xf32>,
        tpu.vector_store %arg12[%parallel_loop3A_715], %parallel_loop3A_710 {strides = array<i32>} : memref<24576xf32, #tpu.memory_space<vmem>>, vector<16xf32>,
        %parallel_loop3A_717 = arith.constant 320 : i32
        %parallel_loop3A_718 = vector.broadcast %parallel_loop3A_717 : i32 to vector<16xi32>
        %parallel_loop3A_719 = arith.addi %parallel_loop3A_696, %parallel_loop3A_718 : vector<16xi32>
        %parallel_loop3A_720 = tpu.vector_load_idx %arg8[%parallel_loop3A_719] : memref<480xf32, #tpu.memory_space<vmem>>[vector<16xi32>], vector<16xf32>,
        %parallel_loop3A_721 = arith.constant 16384 : i32
        %parallel_loop3A_722 = arith.addi %parallel_loop3A_721, %parallel_loop3A_556 : i32
        %parallel_loop3A_723 = arith.constant 64 : i32
        %parallel_loop3A_724 = arith.addi %parallel_loop3A_722, %parallel_loop3A_723 : i32
        %parallel_loop3A_725 = arith.index_cast %parallel_loop3A_724 : i32 to index
        %parallel_loop3A_726 = tpu.vector_load %arg12[%parallel_loop3A_725] {strides = array<i32>} : memref<24576xf32, #tpu.memory_space<vmem>>, vector<16xf32>,
        tpu.vector_store %arg12[%parallel_loop3A_725], %parallel_loop3A_720 {strides = array<i32>} : memref<24576xf32, #tpu.memory_space<vmem>>, vector<16xf32>,
        %parallel_loop3A_727 = arith.constant 80 : i32
        %parallel_loop3A_728 = arith.addi %parallel_loop3A_468, %parallel_loop3A_727 : i32
        %parallel_loop3A_729 = arith.index_cast %parallel_loop3A_728 : i32 to index
        %parallel_loop3A_730 = tpu.vector_load %arg10[%parallel_loop3A_729] {strides = array<i32>} : memref<8192xi32, #tpu.memory_space<vmem>>, vector<16xi32>,
        %parallel_loop3A_731 = arith.constant 0 : i32
        %parallel_loop3A_732 = vector.broadcast %parallel_loop3A_731 : i32 to vector<16xi32>
        %parallel_loop3A_733 = arith.addi %parallel_loop3A_730, %parallel_loop3A_732 : vector<16xi32>
        %parallel_loop3A_734 = tpu.vector_load_idx %arg8[%parallel_loop3A_733] : memref<480xf32, #tpu.memory_space<vmem>>[vector<16xi32>], vector<16xf32>,
        %parallel_loop3A_735 = arith.constant 0 : i32
        %parallel_loop3A_736 = arith.addi %parallel_loop3A_735, %parallel_loop3A_556 : i32
        %parallel_loop3A_737 = arith.constant 80 : i32
        %parallel_loop3A_738 = arith.addi %parallel_loop3A_736, %parallel_loop3A_737 : i32
        %parallel_loop3A_739 = arith.index_cast %parallel_loop3A_738 : i32 to index
        %parallel_loop3A_740 = tpu.vector_load %arg12[%parallel_loop3A_739] {strides = array<i32>} : memref<24576xf32, #tpu.memory_space<vmem>>, vector<16xf32>,
        tpu.vector_store %arg12[%parallel_loop3A_739], %parallel_loop3A_734 {strides = array<i32>} : memref<24576xf32, #tpu.memory_space<vmem>>, vector<16xf32>,
        %parallel_loop3A_741 = arith.constant 160 : i32
        %parallel_loop3A_742 = vector.broadcast %parallel_loop3A_741 : i32 to vector<16xi32>
        %parallel_loop3A_743 = arith.addi %parallel_loop3A_730, %parallel_loop3A_742 : vector<16xi32>
        %parallel_loop3A_744 = tpu.vector_load_idx %arg8[%parallel_loop3A_743] : memref<480xf32, #tpu.memory_space<vmem>>[vector<16xi32>], vector<16xf32>,
        %parallel_loop3A_745 = arith.constant 8192 : i32
        %parallel_loop3A_746 = arith.addi %parallel_loop3A_745, %parallel_loop3A_556 : i32
        %parallel_loop3A_747 = arith.constant 80 : i32
        %parallel_loop3A_748 = arith.addi %parallel_loop3A_746, %parallel_loop3A_747 : i32
        %parallel_loop3A_749 = arith.index_cast %parallel_loop3A_748 : i32 to index
        %parallel_loop3A_750 = tpu.vector_load %arg12[%parallel_loop3A_749] {strides = array<i32>} : memref<24576xf32, #tpu.memory_space<vmem>>, vector<16xf32>,
        tpu.vector_store %arg12[%parallel_loop3A_749], %parallel_loop3A_744 {strides = array<i32>} : memref<24576xf32, #tpu.memory_space<vmem>>, vector<16xf32>,
        %parallel_loop3A_751 = arith.constant 320 : i32
        %parallel_loop3A_752 = vector.broadcast %parallel_loop3A_751 : i32 to vector<16xi32>
        %parallel_loop3A_753 = arith.addi %parallel_loop3A_730, %parallel_loop3A_752 : vector<16xi32>
        %parallel_loop3A_754 = tpu.vector_load_idx %arg8[%parallel_loop3A_753] : memref<480xf32, #tpu.memory_space<vmem>>[vector<16xi32>], vector<16xf32>,
        %parallel_loop3A_755 = arith.constant 16384 : i32
        %parallel_loop3A_756 = arith.addi %parallel_loop3A_755, %parallel_loop3A_556 : i32
        %parallel_loop3A_757 = arith.constant 80 : i32
        %parallel_loop3A_758 = arith.addi %parallel_loop3A_756, %parallel_loop3A_757 : i32
        %parallel_loop3A_759 = arith.index_cast %parallel_loop3A_758 : i32 to index
        %parallel_loop3A_760 = tpu.vector_load %arg12[%parallel_loop3A_759] {strides = array<i32>} : memref<24576xf32, #tpu.memory_space<vmem>>, vector<16xf32>,
        tpu.vector_store %arg12[%parallel_loop3A_759], %parallel_loop3A_754 {strides = array<i32>} : memref<24576xf32, #tpu.memory_space<vmem>>, vector<16xf32>,
        %parallel_loop3A_761 = arith.constant 96 : i32
        %parallel_loop3A_762 = arith.addi %parallel_loop3A_468, %parallel_loop3A_761 : i32
        %parallel_loop3A_763 = arith.index_cast %parallel_loop3A_762 : i32 to index
        %parallel_loop3A_764 = tpu.vector_load %arg10[%parallel_loop3A_763] {strides = array<i32>} : memref<8192xi32, #tpu.memory_space<vmem>>, vector<16xi32>,
        %parallel_loop3A_765 = arith.constant 0 : i32
        %parallel_loop3A_766 = vector.broadcast %parallel_loop3A_765 : i32 to vector<16xi32>
        %parallel_loop3A_767 = arith.addi %parallel_loop3A_764, %parallel_loop3A_766 : vector<16xi32>
        %parallel_loop3A_768 = tpu.vector_load_idx %arg8[%parallel_loop3A_767] : memref<480xf32, #tpu.memory_space<vmem>>[vector<16xi32>], vector<16xf32>,
        %parallel_loop3A_769 = arith.constant 0 : i32
        %parallel_loop3A_770 = arith.addi %parallel_loop3A_769, %parallel_loop3A_556 : i32
        %parallel_loop3A_771 = arith.constant 96 : i32
        %parallel_loop3A_772 = arith.addi %parallel_loop3A_770, %parallel_loop3A_771 : i32
        %parallel_loop3A_773 = arith.index_cast %parallel_loop3A_772 : i32 to index
        %parallel_loop3A_774 = tpu.vector_load %arg12[%parallel_loop3A_773] {strides = array<i32>} : memref<24576xf32, #tpu.memory_space<vmem>>, vector<16xf32>,
        tpu.vector_store %arg12[%parallel_loop3A_773], %parallel_loop3A_768 {strides = array<i32>} : memref<24576xf32, #tpu.memory_space<vmem>>, vector<16xf32>,
        %parallel_loop3A_775 = arith.constant 160 : i32
        %parallel_loop3A_776 = vector.broadcast %parallel_loop3A_775 : i32 to vector<16xi32>
        %parallel_loop3A_777 = arith.addi %parallel_loop3A_764, %parallel_loop3A_776 : vector<16xi32>
        %parallel_loop3A_778 = tpu.vector_load_idx %arg8[%parallel_loop3A_777] : memref<480xf32, #tpu.memory_space<vmem>>[vector<16xi32>], vector<16xf32>,
        %parallel_loop3A_779 = arith.constant 8192 : i32
        %parallel_loop3A_780 = arith.addi %parallel_loop3A_779, %parallel_loop3A_556 : i32
        %parallel_loop3A_781 = arith.constant 96 : i32
        %parallel_loop3A_782 = arith.addi %parallel_loop3A_780, %parallel_loop3A_781 : i32
        %parallel_loop3A_783 = arith.index_cast %parallel_loop3A_782 : i32 to index
        %parallel_loop3A_784 = tpu.vector_load %arg12[%parallel_loop3A_783] {strides = array<i32>} : memref<24576xf32, #tpu.memory_space<vmem>>, vector<16xf32>,
        tpu.vector_store %arg12[%parallel_loop3A_783], %parallel_loop3A_778 {strides = array<i32>} : memref<24576xf32, #tpu.memory_space<vmem>>, vector<16xf32>,
        %parallel_loop3A_785 = arith.constant 320 : i32
        %parallel_loop3A_786 = vector.broadcast %parallel_loop3A_785 : i32 to vector<16xi32>
        %parallel_loop3A_787 = arith.addi %parallel_loop3A_764, %parallel_loop3A_786 : vector<16xi32>
        %parallel_loop3A_788 = tpu.vector_load_idx %arg8[%parallel_loop3A_787] : memref<480xf32, #tpu.memory_space<vmem>>[vector<16xi32>], vector<16xf32>,
        %parallel_loop3A_789 = arith.constant 16384 : i32
        %parallel_loop3A_790 = arith.addi %parallel_loop3A_789, %parallel_loop3A_556 : i32
        %parallel_loop3A_791 = arith.constant 96 : i32
        %parallel_loop3A_792 = arith.addi %parallel_loop3A_790, %parallel_loop3A_791 : i32
        %parallel_loop3A_793 = arith.index_cast %parallel_loop3A_792 : i32 to index
        %parallel_loop3A_794 = tpu.vector_load %arg12[%parallel_loop3A_793] {strides = array<i32>} : memref<24576xf32, #tpu.memory_space<vmem>>, vector<16xf32>,
        tpu.vector_store %arg12[%parallel_loop3A_793], %parallel_loop3A_788 {strides = array<i32>} : memref<24576xf32, #tpu.memory_space<vmem>>, vector<16xf32>,
        %parallel_loop3A_795 = arith.constant 112 : i32
        %parallel_loop3A_796 = arith.addi %parallel_loop3A_468, %parallel_loop3A_795 : i32
        %parallel_loop3A_797 = arith.index_cast %parallel_loop3A_796 : i32 to index
        %parallel_loop3A_798 = tpu.vector_load %arg10[%parallel_loop3A_797] {strides = array<i32>} : memref<8192xi32, #tpu.memory_space<vmem>>, vector<16xi32>,
        %parallel_loop3A_799 = arith.constant 0 : i32
        %parallel_loop3A_800 = vector.broadcast %parallel_loop3A_799 : i32 to vector<16xi32>
        %parallel_loop3A_801 = arith.addi %parallel_loop3A_798, %parallel_loop3A_800 : vector<16xi32>
        %parallel_loop3A_802 = tpu.vector_load_idx %arg8[%parallel_loop3A_801] : memref<480xf32, #tpu.memory_space<vmem>>[vector<16xi32>], vector<16xf32>,
        %parallel_loop3A_803 = arith.constant 0 : i32
        %parallel_loop3A_804 = arith.addi %parallel_loop3A_803, %parallel_loop3A_556 : i32
        %parallel_loop3A_805 = arith.constant 112 : i32
        %parallel_loop3A_806 = arith.addi %parallel_loop3A_804, %parallel_loop3A_805 : i32
        %parallel_loop3A_807 = arith.index_cast %parallel_loop3A_806 : i32 to index
        %parallel_loop3A_808 = tpu.vector_load %arg12[%parallel_loop3A_807] {strides = array<i32>} : memref<24576xf32, #tpu.memory_space<vmem>>, vector<16xf32>,
        tpu.vector_store %arg12[%parallel_loop3A_807], %parallel_loop3A_802 {strides = array<i32>} : memref<24576xf32, #tpu.memory_space<vmem>>, vector<16xf32>,
        %parallel_loop3A_809 = arith.constant 160 : i32
        %parallel_loop3A_810 = vector.broadcast %parallel_loop3A_809 : i32 to vector<16xi32>
        %parallel_loop3A_811 = arith.addi %parallel_loop3A_798, %parallel_loop3A_810 : vector<16xi32>
        %parallel_loop3A_812 = tpu.vector_load_idx %arg8[%parallel_loop3A_811] : memref<480xf32, #tpu.memory_space<vmem>>[vector<16xi32>], vector<16xf32>,
        %parallel_loop3A_813 = arith.constant 8192 : i32
        %parallel_loop3A_814 = arith.addi %parallel_loop3A_813, %parallel_loop3A_556 : i32
        %parallel_loop3A_815 = arith.constant 112 : i32
        %parallel_loop3A_816 = arith.addi %parallel_loop3A_814, %parallel_loop3A_815 : i32
        %parallel_loop3A_817 = arith.index_cast %parallel_loop3A_816 : i32 to index
        %parallel_loop3A_818 = tpu.vector_load %arg12[%parallel_loop3A_817] {strides = array<i32>} : memref<24576xf32, #tpu.memory_space<vmem>>, vector<16xf32>,
        tpu.vector_store %arg12[%parallel_loop3A_817], %parallel_loop3A_812 {strides = array<i32>} : memref<24576xf32, #tpu.memory_space<vmem>>, vector<16xf32>,
        %parallel_loop3A_819 = arith.constant 320 : i32
        %parallel_loop3A_820 = vector.broadcast %parallel_loop3A_819 : i32 to vector<16xi32>
        %parallel_loop3A_821 = arith.addi %parallel_loop3A_798, %parallel_loop3A_820 : vector<16xi32>
        %parallel_loop3A_822 = tpu.vector_load_idx %arg8[%parallel_loop3A_821] : memref<480xf32, #tpu.memory_space<vmem>>[vector<16xi32>], vector<16xf32>,
        %parallel_loop3A_823 = arith.constant 16384 : i32
        %parallel_loop3A_824 = arith.addi %parallel_loop3A_823, %parallel_loop3A_556 : i32
        %parallel_loop3A_825 = arith.constant 112 : i32
        %parallel_loop3A_826 = arith.addi %parallel_loop3A_824, %parallel_loop3A_825 : i32
        %parallel_loop3A_827 = arith.index_cast %parallel_loop3A_826 : i32 to index
        %parallel_loop3A_828 = tpu.vector_load %arg12[%parallel_loop3A_827] {strides = array<i32>} : memref<24576xf32, #tpu.memory_space<vmem>>, vector<16xf32>,
        tpu.vector_store %arg12[%parallel_loop3A_827], %parallel_loop3A_822 {strides = array<i32>} : memref<24576xf32, #tpu.memory_space<vmem>>, vector<16xf32>,
      } {sc.loop_unroll_factor = 1 : i64, sc.parallel_access}
      %mul3A_411 = arith.constant 3 : i32
      %mul3A_412 = arith.muli %select_n3A, %mul3A_411 : i32
      %add3A_413 = arith.constant 0 : i32
      %add3A_414 = arith.addi %mul3A_412, %add3A_413 : i32
      %mul3A_415 = arith.constant 262144 : i32
      %mul3A_416 = arith.muli %add3A_414, %mul3A_415 : i32
      %add3A_417 = arith.addi %mul3A_416, %mul3A_34 : i32
      %mul3A_418 = arith.constant 8192 : i32
      %mul3A_419 = arith.muli %add3A_400, %mul3A_418 : i32
      %add3A_420 = arith.addi %add3A_417, %mul3A_419 : i32
      %dma_start3A_421 = arith.constant 0 : i32
      %dma_start3A_422 = tpu.memref_slice %arg12[%dma_start3A_421] : memref<24576xf32, #tpu.memory_space<vmem>> -> memref<8192xf32, #tpu.memory_space<vmem>>
      %dma_start3A_423 = tpu.memref_slice %arg5[%add3A_420] : memref<6291456xf32, #tpu.memory_space<hbm>> -> memref<8192xf32, #tpu.memory_space<hbm>>
      %dma_start3A_424 = tpu.memref_slice %arg5[%add3A_420] : memref<6291456xf32, #tpu.memory_space<hbm>> -> memref<8192xf32, #tpu.memory_space<hbm>>
      %dma_start3A_425 = arith.constant 0 : i32
      %dma_start3A_426 = tpu.memref_slice %arg12[%dma_start3A_425] : memref<24576xf32, #tpu.memory_space<vmem>> -> memref<8192xf32, #tpu.memory_space<vmem>>
      tpu.enqueue_dma source(%dma_start3A_426 : memref<8192xf32, #tpu.memory_space<vmem>>) target(%dma_start3A_424 : memref<8192xf32, #tpu.memory_space<hbm>>) target_semaphore(%arg16 : memref<!tpu.dma_semaphore, #tpu.memory_space<semaphore_mem>>)
      %mul3A_427 = arith.constant 3 : i32
      %mul3A_428 = arith.muli %select_n3A, %mul3A_427 : i32
      %add3A_429 = arith.constant 1 : i32
      %add3A_430 = arith.addi %mul3A_428, %add3A_429 : i32
      %mul3A_431 = arith.constant 262144 : i32
      %mul3A_432 = arith.muli %add3A_430, %mul3A_431 : i32
      %add3A_433 = arith.addi %mul3A_432, %mul3A_34 : i32
      %mul3A_434 = arith.constant 8192 : i32
      %mul3A_435 = arith.muli %add3A_400, %mul3A_434 : i32
      %add3A_436 = arith.addi %add3A_433, %mul3A_435 : i32
      %dma_start3A_437 = arith.constant 8192 : i32
      %dma_start3A_438 = tpu.memref_slice %arg12[%dma_start3A_437] : memref<24576xf32, #tpu.memory_space<vmem>> -> memref<8192xf32, #tpu.memory_space<vmem>>
      %dma_start3A_439 = tpu.memref_slice %arg5[%add3A_436] : memref<6291456xf32, #tpu.memory_space<hbm>> -> memref<8192xf32, #tpu.memory_space<hbm>>
      %dma_start3A_440 = tpu.memref_slice %arg5[%add3A_436] : memref<6291456xf32, #tpu.memory_space<hbm>> -> memref<8192xf32, #tpu.memory_space<hbm>>
      %dma_start3A_441 = arith.constant 8192 : i32
      %dma_start3A_442 = tpu.memref_slice %arg12[%dma_start3A_441] : memref<24576xf32, #tpu.memory_space<vmem>> -> memref<8192xf32, #tpu.memory_space<vmem>>
      tpu.enqueue_dma source(%dma_start3A_442 : memref<8192xf32, #tpu.memory_space<vmem>>) target(%dma_start3A_440 : memref<8192xf32, #tpu.memory_space<hbm>>) target_semaphore(%arg16 : memref<!tpu.dma_semaphore, #tpu.memory_space<semaphore_mem>>)
      %mul3A_443 = arith.constant 3 : i32
      %mul3A_444 = arith.muli %select_n3A, %mul3A_443 : i32
      %add3A_445 = arith.constant 2 : i32
      %add3A_446 = arith.addi %mul3A_444, %add3A_445 : i32
      %mul3A_447 = arith.constant 262144 : i32
      %mul3A_448 = arith.muli %add3A_446, %mul3A_447 : i32
      %add3A_449 = arith.addi %mul3A_448, %mul3A_34 : i32
      %mul3A_450 = arith.constant 8192 : i32
      %mul3A_451 = arith.muli %add3A_400, %mul3A_450 : i32
      %add3A_452 = arith.addi %add3A_449, %mul3A_451 : i32
      %dma_start3A_453 = arith.constant 16384 : i32
      %dma_start3A_454 = tpu.memref_slice %arg12[%dma_start3A_453] : memref<24576xf32, #tpu.memory_space<vmem>> -> memref<8192xf32, #tpu.memory_space<vmem>>
      %dma_start3A_455 = tpu.memref_slice %arg5[%add3A_452] : memref<6291456xf32, #tpu.memory_space<hbm>> -> memref<8192xf32, #tpu.memory_space<hbm>>
      %dma_start3A_456 = tpu.memref_slice %arg5[%add3A_452] : memref<6291456xf32, #tpu.memory_space<hbm>> -> memref<8192xf32, #tpu.memory_space<hbm>>
      %dma_start3A_457 = arith.constant 16384 : i32
      %dma_start3A_458 = tpu.memref_slice %arg12[%dma_start3A_457] : memref<24576xf32, #tpu.memory_space<vmem>> -> memref<8192xf32, #tpu.memory_space<vmem>>
      tpu.enqueue_dma source(%dma_start3A_458 : memref<8192xf32, #tpu.memory_space<vmem>>) target(%dma_start3A_456 : memref<8192xf32, #tpu.memory_space<hbm>>) target_semaphore(%arg16 : memref<!tpu.dma_semaphore, #tpu.memory_space<semaphore_mem>>)
      %add3A_459 = arith.constant 2 : i32
      %add3A_460 = arith.addi %add3A_400, %add3A_459 : i32
      %lt3A_461 = arith.constant 8 : i32
      %lt3A_462 = arith.cmpi slt, %add3A_460, %lt3A_461 : i32
      %convert_element_type3A_463 = arith.extui %lt3A_462 : i1 to i32
      %cond3A_464 = arith.constant 0 : i32
      %cond3A_465 = arith.cmpi ne, %convert_element_type3A_463, %cond3A_464 : i32
      scf.if %cond3A_465 {
        %add3A_466 = arith.constant 2 : i32
        %add3A_467 = arith.addi %add3A_400, %add3A_466 : i32
        %mul3A_468 = arith.constant 8192 : i32
        %mul3A_469 = arith.muli %add3A_467, %mul3A_468 : i32
        %add3A_470 = arith.addi %mul3A_2, %mul3A_469 : i32
        %dma_start3A_471 = tpu.memref_slice %arg2[%add3A_470] : memref<2097152xi32, #tpu.memory_space<hbm>> -> memref<8192xi32, #tpu.memory_space<hbm>>
        %dma_start3A_472 = tpu.memref_slice %arg2[%add3A_470] : memref<2097152xi32, #tpu.memory_space<hbm>> -> memref<8192xi32, #tpu.memory_space<hbm>>
        tpu.enqueue_dma source(%dma_start3A_472 : memref<8192xi32, #tpu.memory_space<hbm>>) target(%arg10 : memref<8192xi32, #tpu.memory_space<vmem>>) target_semaphore(%arg14 : memref<!tpu.dma_semaphore, #tpu.memory_space<semaphore_mem>>)
      } else {
      }
    }
    %scan3A_284 = arith.constant 4 : i32
    %dma_wait3A_285 = arith.constant 0 : i32
    %dma_wait3A_286 = tpu.memref_slice %arg11[%dma_wait3A_285] : memref<24576xf32, #tpu.memory_space<vmem>> -> memref<8192xf32, #tpu.memory_space<vmem>>
    %dma_wait3A_287 = arith.constant 0 : i32
    %dma_wait3A_288 = tpu.memref_slice %arg5[%dma_wait3A_287] : memref<6291456xf32, #tpu.memory_space<hbm>> -> memref<8192xf32, #tpu.memory_space<hbm>>
    %dma_wait3A_289 = arith.constant 0 : i32
    %dma_wait3A_290 = tpu.memref_slice %arg5[%dma_wait3A_289] : memref<6291456xf32, #tpu.memory_space<hbm>> -> memref<8192xf32, #tpu.memory_space<hbm>>
    %dma_wait3A_291 = arith.constant 0 : i32
    %dma_wait3A_292 = tpu.memref_slice %arg11[%dma_wait3A_291] : memref<24576xf32, #tpu.memory_space<vmem>> -> memref<8192xf32, #tpu.memory_space<vmem>>
    tpu.wait_dma2 semaphore(%arg15 : memref<!tpu.dma_semaphore, #tpu.memory_space<semaphore_mem>>) src(%dma_wait3A_292 : memref<8192xf32, #tpu.memory_space<vmem>>) dst(%dma_wait3A_290 : memref<8192xf32, #tpu.memory_space<hbm>>)
    %dma_wait3A_293 = arith.constant 8192 : i32
    %dma_wait3A_294 = tpu.memref_slice %arg11[%dma_wait3A_293] : memref<24576xf32, #tpu.memory_space<vmem>> -> memref<8192xf32, #tpu.memory_space<vmem>>
    %dma_wait3A_295 = arith.constant 0 : i32
    %dma_wait3A_296 = tpu.memref_slice %arg5[%dma_wait3A_295] : memref<6291456xf32, #tpu.memory_space<hbm>> -> memref<8192xf32, #tpu.memory_space<hbm>>
    %dma_wait3A_297 = arith.constant 0 : i32
    %dma_wait3A_298 = tpu.memref_slice %arg5[%dma_wait3A_297] : memref<6291456xf32, #tpu.memory_space<hbm>> -> memref<8192xf32, #tpu.memory_space<hbm>>
    %dma_wait3A_299 = arith.constant 8192 : i32
    %dma_wait3A_300 = tpu.memref_slice %arg11[%dma_wait3A_299] : memref<24576xf32, #tpu.memory_space<vmem>> -> memref<8192xf32, #tpu.memory_space<vmem>>
    tpu.wait_dma2 semaphore(%arg15 : memref<!tpu.dma_semaphore, #tpu.memory_space<semaphore_mem>>) src(%dma_wait3A_300 : memref<8192xf32, #tpu.memory_space<vmem>>) dst(%dma_wait3A_298 : memref<8192xf32, #tpu.memory_space<hbm>>)
    %dma_wait3A_301 = arith.constant 16384 : i32
    %dma_wait3A_302 = tpu.memref_slice %arg11[%dma_wait3A_301] : memref<24576xf32, #tpu.memory_space<vmem>> -> memref<8192xf32, #tpu.memory_space<vmem>>
    %dma_wait3A_303 = arith.constant 0 : i32
    %dma_wait3A_304 = tpu.memref_slice %arg5[%dma_wait3A_303] : memref<6291456xf32, #tpu.memory_space<hbm>> -> memref<8192xf32, #tpu.memory_space<hbm>>
    %dma_wait3A_305 = arith.constant 0 : i32
    %dma_wait3A_306 = tpu.memref_slice %arg5[%dma_wait3A_305] : memref<6291456xf32, #tpu.memory_space<hbm>> -> memref<8192xf32, #tpu.memory_space<hbm>>
    %dma_wait3A_307 = arith.constant 16384 : i32
    %dma_wait3A_308 = tpu.memref_slice %arg11[%dma_wait3A_307] : memref<24576xf32, #tpu.memory_space<vmem>> -> memref<8192xf32, #tpu.memory_space<vmem>>
    tpu.wait_dma2 semaphore(%arg15 : memref<!tpu.dma_semaphore, #tpu.memory_space<semaphore_mem>>) src(%dma_wait3A_308 : memref<8192xf32, #tpu.memory_space<vmem>>) dst(%dma_wait3A_306 : memref<8192xf32, #tpu.memory_space<hbm>>)
    %dma_wait3A_309 = arith.constant 0 : i32
    %dma_wait3A_310 = tpu.memref_slice %arg12[%dma_wait3A_309] : memref<24576xf32, #tpu.memory_space<vmem>> -> memref<8192xf32, #tpu.memory_space<vmem>>
    %dma_wait3A_311 = arith.constant 0 : i32
    %dma_wait3A_312 = tpu.memref_slice %arg5[%dma_wait3A_311] : memref<6291456xf32, #tpu.memory_space<hbm>> -> memref<8192xf32, #tpu.memory_space<hbm>>
    %dma_wait3A_313 = arith.constant 0 : i32
    %dma_wait3A_314 = tpu.memref_slice %arg5[%dma_wait3A_313] : memref<6291456xf32, #tpu.memory_space<hbm>> -> memref<8192xf32, #tpu.memory_space<hbm>>
    %dma_wait3A_315 = arith.constant 0 : i32
    %dma_wait3A_316 = tpu.memref_slice %arg12[%dma_wait3A_315] : memref<24576xf32, #tpu.memory_space<vmem>> -> memref<8192xf32, #tpu.memory_space<vmem>>
    tpu.wait_dma2 semaphore(%arg16 : memref<!tpu.dma_semaphore, #tpu.memory_space<semaphore_mem>>) src(%dma_wait3A_316 : memref<8192xf32, #tpu.memory_space<vmem>>) dst(%dma_wait3A_314 : memref<8192xf32, #tpu.memory_space<hbm>>)
    %dma_wait3A_317 = arith.constant 8192 : i32
    %dma_wait3A_318 = tpu.memref_slice %arg12[%dma_wait3A_317] : memref<24576xf32, #tpu.memory_space<vmem>> -> memref<8192xf32, #tpu.memory_space<vmem>>
    %dma_wait3A_319 = arith.constant 0 : i32
    %dma_wait3A_320 = tpu.memref_slice %arg5[%dma_wait3A_319] : memref<6291456xf32, #tpu.memory_space<hbm>> -> memref<8192xf32, #tpu.memory_space<hbm>>
    %dma_wait3A_321 = arith.constant 0 : i32
    %dma_wait3A_322 = tpu.memref_slice %arg5[%dma_wait3A_321] : memref<6291456xf32, #tpu.memory_space<hbm>> -> memref<8192xf32, #tpu.memory_space<hbm>>
    %dma_wait3A_323 = arith.constant 8192 : i32
    %dma_wait3A_324 = tpu.memref_slice %arg12[%dma_wait3A_323] : memref<24576xf32, #tpu.memory_space<vmem>> -> memref<8192xf32, #tpu.memory_space<vmem>>
    tpu.wait_dma2 semaphore(%arg16 : memref<!tpu.dma_semaphore, #tpu.memory_space<semaphore_mem>>) src(%dma_wait3A_324 : memref<8192xf32, #tpu.memory_space<vmem>>) dst(%dma_wait3A_322 : memref<8192xf32, #tpu.memory_space<hbm>>)
    %dma_wait3A_325 = arith.constant 16384 : i32
    %dma_wait3A_326 = tpu.memref_slice %arg12[%dma_wait3A_325] : memref<24576xf32, #tpu.memory_space<vmem>> -> memref<8192xf32, #tpu.memory_space<vmem>>
    %dma_wait3A_327 = arith.constant 0 : i32
    %dma_wait3A_328 = tpu.memref_slice %arg5[%dma_wait3A_327] : memref<6291456xf32, #tpu.memory_space<hbm>> -> memref<8192xf32, #tpu.memory_space<hbm>>
    %dma_wait3A_329 = arith.constant 0 : i32
    %dma_wait3A_330 = tpu.memref_slice %arg5[%dma_wait3A_329] : memref<6291456xf32, #tpu.memory_space<hbm>> -> memref<8192xf32, #tpu.memory_space<hbm>>
    %dma_wait3A_331 = arith.constant 16384 : i32
    %dma_wait3A_332 = tpu.memref_slice %arg12[%dma_wait3A_331] : memref<24576xf32, #tpu.memory_space<vmem>> -> memref<8192xf32, #tpu.memory_space<vmem>>
    tpu.wait_dma2 semaphore(%arg16 : memref<!tpu.dma_semaphore, #tpu.memory_space<semaphore_mem>>) src(%dma_wait3A_332 : memref<8192xf32, #tpu.memory_space<vmem>>) dst(%dma_wait3A_330 : memref<8192xf32, #tpu.memory_space<hbm>>)
    return
  }
}

</mosaic_0001>

<sc_bundles>
// kernel: kernel.3.cloned.1.call-start
scs
__scs_entry_jumppad:
0x0: {  	(pc) =	sbr.rel $0x88, $3  }
0x1: {  	(tag) =	ssettag $0x0;
	lr =	simm.s32 $0x1  }
0x2: {  	[smem:$0x3F9E] =	sst lr;
	_ =	strace $0xD0000000  }
0x3: {  	_ = 	snop  }
0x4: {  	_ = 	snop  }
0x5: {  	_ = 	snop  }
0x6: {  	_ = 	snop  }
0x7: {  	_ = 	snop  }
__scs_overlays_trampoline_lowered:
0x8: {  	[smem:$0x3FAD] =	sst s0  }
0x9: {  	[smem:$0x3FAE] =	sst s1  }
0xa: {  	[smem:$0x3FAF] =	sst s2  }
0xb: {  	[smem:$0x3FB0] =	sst s3  }
0xc: {  	[smem:$0x3FB1] =	sst s4  }
0xd: {  	[smem:$0x3FB2] =	sst s5  }
0xe: {  	[smem:$0x3FB3] =	sst s6  }
0xf: {  	[smem:$0x3FB4] =	sst s7  }
0x10: {  	[smem:$0x3FB5] =	sst s8  }
0x11: {  	[smem:$0x3FB6] =	sst s9;
	s0 =	simm.s32 @!p0 $0x0  }
0x12: {  	s1 =	sld [smem:$0x3F9C];
	s0 =	simm.s32 @p0 $0x1  }
0x13: {  	[smem:$0x3FB7] =	sst s0;
	s0 =	simm.s32 @!p1 $0x0  }
0x14: {  	s2 =	sld [smem:$0x3F9B];
	s0 =	simm.s32 @p1 $0x1  }
0x15: {  	[smem:$0x3FB8] =	sst s0;
	s0 =	simm.s32 @!p2 $0x0  }
0x16: {  	s3 =	sld [smem:$0x3FDB];
	s0 =	simm.s32 @p2 $0x1  }
0x17: {  	s4 =	simm.s32 $0x1BF5;
	[smem:$0x3FBA] =	sst s0  }
0x18: {  	s0 =	sld [smem:$0x3F9D];
	_ =	swait.ge [sflag:s4], $0x0  }
0x19: {  	s7 =	sld [smem:$0x3F9E]  }
0x1a: {  	s8 =	sadd.s32 $0xFFFFE003, lr  }
0x1b: {  	s9 =	sadd.s32 $0xFFFFFEF7, lr;
	s5 =	simm.s32 $0xFFFFFFFF;
	p2 =	slt.u32 s8, $0xFFFFF086  }
0x1c: {  	p1 =	slt.u32 s9, $0xF7A;
	s5 =	simm.s32 @!p2 $0x0  }
0x1d: {  	s5 =	simm.s32 @p1 $0x1;
	p0 =	seq.s32 s7, s2  }
0x1e: {  	s7 =	smul.u32 @!p0 $0xF7A, s2;
	p2 =	seq.s32 @!p0 s5, $0x0  }
0x1f: {  	s9 =	smul.u32 $0xF7A, s1;
	s8 =	simm.s32 @!p0 $0x1BF5;
	p2 =	por !p2, p0  }
0x20: {  	[sflag:s8] =	ssyncset.s32 @!p0 $0xFFFFF086;
	s6 =	sadd.s32 @!p0 s3, s7;
	s7 =	simm.s32 @!p0 $0x108  }
0x21: {  	s3 =	sadd.s32 s3, s9;
	s6 =	sadd.s32 @!p0 $0x88, s6;
	s7 =	simm.s32 @p2 $0x1082  }
0x22: {  	[simem:s7], [sflag:s8] =	dma.local @!p0 [hbm:s6], $0xF7A  }
0x23: {  	s9 =	sor.u32 $0xD0000000, s2;
	s6 =	simm.s32 $0x108;
	_ =	swait.ge @!p0 [sflag:s8], $0x0  }
0x24: {  	s3 =	sadd.s32 $0x88, s3;
	s6 =	simm.s32 @!p1 $0x1082;
	[sflag:s4] =	ssyncset.s32 $0xFFFFF086  }
0x25: {  	[simem:s6], [sflag:s4] =	dma.local [hbm:s3], $0xF7A  }
0x26: {  	[smem:$0x3F9E] =	sst s1;
	(tag) =	ssettag s2;
	_ =	strace s9  }
0x27: {  	s1 =	sld [smem:$0x3FAE]  }
0x28: {  	s2 =	sld [smem:$0x3FAF]  }
0x29: {  	s4 =	sld [smem:$0x3FB1]  }
0x2a: {  	p0 =	seq.s32 s5, $0x0;
	s5 =	sld [smem:$0x3FB2]  }
0x2b: {  	s6 =	sld [smem:$0x3FB3]  }
0x2c: {  	s7 =	sld [smem:$0x3FB4]  }
0x2d: {  	s3 =	simm.s32 $0x108;
	s8 =	sld [smem:$0x3FB5]  }
0x2e: {  	s3 =	simm.s32 @!p0 $0x1082;
	s9 =	sld [smem:$0x3FB6]  }
0x2f: {  	lr =	sadd.s32 s0, s3;
	s0 =	sld [smem:$0x3FAD]  }
0x30: {  	s3 =	sld [smem:$0x3FB0]  }
0x31: {  	[smem:$0x3FB9] =	sst s10  }
0x32: {  	s10 =	sld [smem:$0x3FB7];
	_ =	sdelay $0x3  }
0x33: {  	p0 =	seq.s32 s10, $0x1;
	s10 =	sld [smem:$0x3FB9];
	_ =	sdelay $0x3  }
0x34: {  	[smem:$0x3FB9] =	sst s10  }
0x35: {  	s10 =	sld [smem:$0x3FB8];
	_ =	sdelay $0x3  }
0x36: {  	p1 =	seq.s32 s10, $0x1;
	s10 =	sld [smem:$0x3FB9];
	_ =	sdelay $0x3  }
0x37: {  	[smem:$0x3FB9] =	sst s10  }
0x38: {  	s10 =	sld [smem:$0x3FBA]  }
0x39: {  	_ = 	snop;
	(pc) =	sbr.ind lr, $3  }
0x3a: {  	_ = 	snop  }
0x3b: {  	_ = 	snop  }
0x3c: {  	p2 =	seq.s32 s10, $0x1;
	s10 =	sld [smem:$0x3FB9]  }
0x3d: {  	_ =	shalt  }
0x3e: {  	_ =	shalt  }
0x3f: {  	_ =	shalt  }
0x40: {  	_ =	shalt  }
0x41: {  	_ =	shalt  }
0x42: {  	_ =	shalt  }
0x43: {  	_ =	shalt  }
0x44: {  	_ =	shalt  }
0x45: {  	_ =	shalt  }
0x46: {  	_ =	shalt  }
0x47: {  	_ =	shalt  }
0x48: {  	_ =	shalt  }
0x49: {  	_ =	shalt  }
0x4a: {  	_ =	shalt  }
0x4b: {  	_ =	shalt  }
0x4c: {  	_ =	shalt  }
0x4d: {  	_ =	shalt  }
0x4e: {  	_ =	shalt  }
0x4f: {  	_ =	shalt  }
0x50: {  	_ =	shalt  }
0x51: {  	_ =	shalt  }
0x52: {  	_ =	shalt  }
0x53: {  	_ =	shalt  }
0x54: {  	_ =	shalt  }
0x55: {  	_ =	shalt  }
0x56: {  	_ =	shalt  }
0x57: {  	_ =	shalt  }
0x58: {  	_ =	shalt  }
0x59: {  	_ =	shalt  }
0x5a: {  	_ =	shalt  }
0x5b: {  	_ =	shalt  }
0x5c: {  	_ =	shalt  }
0x5d: {  	_ =	shalt  }
0x5e: {  	_ =	shalt  }
0x5f: {  	_ =	shalt  }
0x60: {  	_ =	shalt  }
0x61: {  	_ =	shalt  }
0x62: {  	_ =	shalt  }
0x63: {  	_ =	shalt  }
0x64: {  	_ =	shalt  }
0x65: {  	_ =	shalt  }
0x66: {  	_ =	shalt  }
0x67: {  	_ =	shalt  }
0x68: {  	_ =	shalt  }
0x69: {  	_ =	shalt  }
0x6a: {  	_ =	shalt  }
0x6b: {  	_ =	shalt  }
0x6c: {  	_ =	shalt  }
0x6d: {  	_ =	shalt  }
0x6e: {  	_ =	shalt  }
0x6f: {  	_ =	shalt  }
0x70: {  	_ =	shalt  }
0x71: {  	_ =	shalt  }
0x72: {  	_ =	shalt  }
0x73: {  	_ =	shalt  }
0x74: {  	_ =	shalt  }
0x75: {  	_ =	shalt  }
0x76: {  	_ =	shalt  }
0x77: {  	_ =	shalt  }
0x78: {  	_ =	shalt  }
0x79: {  	_ =	shalt  }
0x7a: {  	_ =	shalt  }
0x7b: {  	_ =	shalt  }
0x7c: {  	_ =	shalt  }
0x7d: {  	_ =	shalt  }
0x7e: {  	_ =	shalt  }
0x7f: {  	_ =	shalt  }
0x80: {  	_ =	shalt  }
0x81: {  	_ =	shalt  }
0x82: {  	_ =	shalt  }
0x83: {  	_ =	shalt  }
0x84: {  	_ =	shalt  }
0x85: {  	_ =	shalt  }
0x86: {  	_ =	shalt  }
0x87: {  	_ =	shalt  }
.Lfunc_end0:
.L_simem_size_0:
called_computation_lowered:
.L_overlay_start_0:
0x88: {  	s2 =	sld [smem:$0x3FD9]  }
0x89: {  	s3 =	sld [smem:$0x3FFE];
	_ =	sdelay $0x1  }
0x8a: {  	s1 =	srdreg.scid  }
0x8b: {  	s0 =	sand.u32 $0x1, s1  }
0x8c: {  	s17 =	sshll.u32 s0, $0xA;
	s2 =	sadd.s32 s3, s2  }
0x8d: {  	s2 =	sadd.s32 s2, s17  }
0x8e: {  	[smem:$0x3FC5] =	sst s2  }
0x8f: {  	_ = 	snop  }
0x90: {  	s2 =	sld [smem:$0x3FC9]  }
0x91: {  	s18 =	sld [smem:$0x3FC7]  }
0x92: {  	s4 =	sld [smem:$0x3FD0];
	(tm) =	ssettm $0x1  }
0x93: {  	s5 =	sld [smem:$0x3FFB];
	_ =	sdelay $0x3  }
0x94: {  	_ =	strace s5  }
0x95: {  	s5 =	sld [smem:$0x3FFC];
	_ =	sdelay $0x3  }
0x96: {  	_ =	strace s5  }
0x97: {  	s5 =	sld [smem:$0x3FFD];
	_ =	sdelay $0x3  }
0x98: {  	_ =	strace s5  }
0x99: {  	_ =	strace $0x8FFFFFFF  }
0x9a: {  	s19 =	sld [smem:$0x3FDB];
	_ =	sdelay $0x1  }
0x9b: {  	s6 =	simm.s32 $_scs_section_size  }
0x9c: {  	s7 =	simm.s32 $_size__tile_overlayer_lowered;
	s8 =	simm.s32 $_tile_overlayer_lowered  }
0x9d: {  	s22 =	simm.s32 $0x1BFF;
	s21 =	sshll.u32 s8, $0x1;
	s5 =	sadd.s32 s6, s19  }
0x9e: {  	s9 =	simm.s32 $0x0;
	s20 =	sshll.u32 s7, $0x1;
	s7 =	sadd.s32 s21, s5  }
0x9f: {  	[timem:s9], [sflag:s22] =	dma.local [hbm:s7], s20  }
0xa0: {  	_ =	swait.ge [sflag:s22], s20  }
0xa1: {  	s6 =	ssub.s32 $0x0, s20;
	[sflag:s22] =	ssyncset.done $0x0  }
0xa2: {  	[sflag:s22] =	ssyncadd.s32 s6;
	_ =	sdelay $0x1  }
0xa3: {  	s23 =	simm.s32 $0x1B8B  }
0xa4: {  	_ =	swait.ge [sflag:s23], $0x1  }
0xa5: {  	[sflag:s23] =	ssyncset.done $0x0  }
0xa6: {  	s25 =	simm.s32 $0x1B8E;
	s24 =	sld [smem:$0x3FFE];
	[sflag:s23] =	ssyncadd.s32 $0xFFFFFFFF  }
0xa7: {  	s26 =	simm.s32 $execute0_lowered;
	[smem:$0x3FD2] =	sst s25  }
0xa8: {  	s7 =	sshll.u32 s26, $0x1;
	_ =	strace $0x80000046;
	[dreg:$0x1] =	wrdreg $0xFFFFFFFF  }
0xa9: {  	s28 =	simm.s32 $_size_execute0_lowered;
	s5 =	sadd.s32 s5, s7;
	[dreg:$0x0] =	wrdreg $0x0  }
0xaa: {  	s7 =	sshll.u32 s28, $0x1;
	[dreg:$0x2] =	wrdreg s5  }
0xab: {  	[dreg:$0x3] =	wrdreg s7  }
0xac: {  	[dreg:$0x4] =	wrdreg $0xC0  }
0xad: {  	_ =	task [dreg:s9], $0x5FFFF  }
0xae: {  	[dreg:$0x1] =	wrdreg $0xFFFFFFFF  }
0xaf: {  	[dreg:$0x0] =	wrdreg $0x60  }
0xb0: {  	[dreg:$0x2] =	wrdreg s2  }
0xb1: {  	[dreg:$0x3] =	wrdreg s4  }
0xb2: {  	[dreg:$0x4] =	wrdreg s18  }
0xb3: {  	[dreg:$0x5] =	wrdreg s24  }
0xb4: {  	[dreg:$0x6] =	wrdreg $0x9  }
0xb5: {  	_ =	task.clear_ibuf [dreg:s9], $0x7FFFF;
	_ =	strace $0x90000046  }
0xb6: {  	s29 =	simm.s32 $0x9;
	_ =	strace $0x80000048  }
0xb7: {  	_ =	swait.ge [sflag:s29], $0x1  }
0xb8: {  	[sflag:s29] =	ssyncadd.s32 $0xFFFFFFFF  }
0xb9: {  	_ =	strace $0x90000048  }
0xba: {  	_ =	sfence  }
0xbb: {  	s30 =	sld [smem:$0x0];
	_ =	sdelay $0x2  }
0xbc: {  	s31 =	sshll.u32 s1, $0xD;
	s1 =	sshrl.u32 s1, $0x2  }
0xbd: {  	s3 =	sand.u32 $0x4000, s31;
	s1 =	sadd.s32 s1, s30  }
0xbe: {  	s0 =	sor.u32 s3, s0;
	s1 =	sshll.u32 s1, $0x11  }
0xbf: {  	s0 =	sor.u32 s1, s0  }
0xc0: {  	s0 =	sadd.s32 $0x8F2B, s0  }
0xc1: {  	[sflag:s0] =	ssyncadd.remote.s32 $0x1  }
0xc2: {  	_ =	sfence.sel $0xFFFF  }
0xc3: {  	[dreg:$0x0] =	wrdreg $0xFFFFFFFF;
	(pc) =	sbr.abs _section_cstart, $3  }
0xc4: {  	[dreg:$0x1] =	wrdreg $0xFFFFFFFF  }
0xc5: {  	_ =	task.clear_ibuf [dreg:s9], $0x2FFFF;
	_ =	strace $0x9FFFFFFF  }
0xc6: {  	(tm) =	ssettm $0x7FFFFFFF  }
0xc7: {  	_ =	shalt  }
tec
execute0_lowered:
.L_overlay_start_1:
0x0: {  	(tag) =	ssettag $0x1  }
0x1: {  	s8 =	rddreg [dreg:$0x0]  }
0x2: {  	s0 =	rddreg [dreg:$0x3];
	s5 =	simm.s32 $0x0  }
0x3: {  	s1 =	srdreg.scid;
	s3 =	stileid.u32;
	s19 =	simm.s32 $0x4  }
0x4: {  	s20 =	simm.s32 $0x1;
	s21 =	simm.s32 $0x400;
	[smem:$0x7FF] =	sst s5  }
0x5: {  	s1 =	sand.u32 $0x1, s1;
	s2 =	sshll.u32 s3, $0x1;
	s6 =	sadd.s32 $0x400, s0  }
0x6: {  	s26 =	sshrl.u32 s3, $0x1;
	_ =	strace $0x80000047;
	s25 =	sor.u32 s1, s2  }
0x7: {  	s1 =	ssub.s32 $0x2, s1;
	s2 =	smul.u32 $0xC0000, s26;
	s28 =	sshll.u32 s25, $0x10  }
0x8: {  	s4 =	sshrl.u32 s1, $0x1;
	s0 =	sshll.u32 s25, $0xD;
	s25 =	simm.s32 $0x2  }
0x9: {  	s7 =	sand.u32 $0x30000, s28;
	s1 =	ssub.s32 s1, s4;
	s0 =	sadd.s32 s8, s0  }
.Ltmp0:
0xa: {  	s29 =	sor.u32 $0x4000, s28;
	[dreg:$0x5] =	wrdreg s0;
	(pc) =	sbr.rel .LBB2_1-.Ltmp0, $4  }
0xb: {  	s30 =	sor.u32 $0x6000, s28;
	s8 =	sor.u32 s2, s7;
	[dreg:$0x7] =	wrdreg s29  }
0xc: {  	s0 =	sadd.s32 $0x400, s0;
	[dreg:$0x8] =	wrdreg s30;
	s31 =	smax.u32 s1, $0x1  }
0xd: {  	s2 =	simm.s32 $0x3;
	s1 =	simm.s32 $0x0;
	[dreg:$0x6] =	wrdreg s0  }
0xe: {  	v0 =	vimm.s32 $0x0;
	s10 =	sadd.s32 $0x40000, s8;
	s11 =	sadd.s32 $0x80000, s8;
	[dreg:$0x9] =	wrdreg s31  }
.LBB2_8:
0xf: {  	s2 =	simm.s32 $0x3  }
0x10: {  	_ =	swait.ge [sflag:s2], $0x2000  }
0x11: {  	[sflag:s2] =	ssyncset.done $0x0  }
0x12: {  	[sflag:s2] =	ssyncadd.s32 $0xFFFFE000  }
0x13: {  	_ =	swait.ge [sflag:s2], $0x2000  }
0x14: {  	[sflag:s2] =	ssyncset.done $0x0  }
0x15: {  	[sflag:s2] =	ssyncadd.s32 $0xFFFFE000  }
0x16: {  	_ =	swait.ge [sflag:s2], $0x2000  }
0x17: {  	[sflag:s2] =	ssyncset.done $0x0  }
0x18: {  	[sflag:s2] =	ssyncadd.s32 $0xFFFFE000  }
0x19: {  	_ =	swait.ge [sflag:s19], $0x2000  }
0x1a: {  	[sflag:s19] =	ssyncset.done $0x0  }
0x1b: {  	[sflag:s19] =	ssyncadd.s32 $0xFFFFE000  }
0x1c: {  	_ =	swait.ge [sflag:s19], $0x2000  }
0x1d: {  	[sflag:s19] =	ssyncset.done $0x0  }
0x1e: {  	[sflag:s19] =	ssyncadd.s32 $0xFFFFE000  }
0x1f: {  	_ =	swait.ge [sflag:s19], $0x2000  }
0x20: {  	s1 =	rddreg [dreg:$0xa]  }
0x21: {  	s0 =	rddreg [dreg:$0x9];
	s1 =	sadd.s32 $0x1, s1  }
0x22: {  	p0 =	sne.s32 s1, s0  }
.Ltmp1:
0x23: {  	_ = 	snop;
	(pc) =	sbr.rel @!p0 .LBB2_9-.Ltmp1, $3  }
0x24: {  	_ =	sdelay $0x1  }
0x25: {  	[sflag:s19] =	ssyncset.done $0x0  }
0x26: {  	[sflag:s19] =	ssyncadd.s32 $0xFFFFE000  }
.LBB2_1:
0x27: {  	[dreg:$0xa] =	wrdreg s1  }
0x28: {  	s0 =	rddreg [dreg:$0x5];
	s23 =	simm.s32 $0x600  }
0x29: {  	[tilespmem:s23], [sflag:$0x1] =	stream.linear.gather [hbm4b:s0+s5], $0x2000, $0x38;
	[tilespmem:$0x10600] =	vst v63  }
0x2a: {  	s24 =	rddreg [dreg:$0x6];
	s26 =	simm.s32 $0x2600  }
0x2b: {  	[tilespmem:s26], [sflag:$0x2] =	stream.linear.gather [hbm4b:s24+s5], $0x2000, $0x38;
	[tilespmem:$0x10600] =	vst v63  }
0x2c: {  	s28 =	rddreg [dreg:$0x1];
	[tilespmem:$0x390] =	vst v0  }
0x2d: {  	[tilespmem:s5], [sflag:$0x3] =	stream.linear.gather [hbm4b:s28+s5], $0x300, $0x38;
	[tilespmem:$0x10600] =	vst v63  }
0x2e: {  	s29 =	rddreg [dreg:$0x2];
	s30 =	simm.s32 $0x300  }
0x2f: {  	[tilespmem:s30], [sflag:$0x4] =	stream.linear.gather [hbm4b:s29+s5], $0x96, $0x38;
	[tilespmem:$0x10600] =	vst v63  }
0x30: {  	_ =	swait.ge [sflag:s2], $0x300  }
0x31: {  	[sflag:s2] =	ssyncset.done $0x0  }
0x32: {  	[sflag:s2] =	ssyncadd.s32 $0xFFFFFD00  }
0x33: {  	_ =	swait.ge [sflag:s19], $0x96  }
0x34: {  	[sflag:s19] =	ssyncset.done $0x0  }
0x35: {  	[sflag:s19] =	ssyncadd.s32 $0xFFFFFF6A  }
0x36: {  	v1 =	vld [tilespmem:$0x300];
	_ =	sdelay $0x4  }
0x37: {  	v1 =	vmul.u32 $0x3, v1;
	_ =	sdelay $0x5  }
0x38: {  	v2 =	vld.idx.msk [tilespmem:v1+s5+$0x0], $0xffff  }
0x39: {  	v3 =	vadd.s32 $0x1, v1;
	_ =	sdelay $0x3  }
0x3a: {  	[tilespmem:$0x400] =	vst v2  }
0x3b: {  	v2 =	vld.idx.msk [tilespmem:v3+s5+$0x0], $0xffff  }
0x3c: {  	v1 =	vadd.s32 $0x2, v1;
	v3 =	vld [tilespmem:$0x310];
	_ =	sdelay $0x3  }
0x3d: {  	[tilespmem:$0x4A0] =	vst v2  }
0x3e: {  	v2 =	vmul.u32 $0x3, v3;
	v1 =	vld.idx.msk [tilespmem:v1+s5+$0x0], $0xffff;
	_ =	sdelay $0x4  }
0x3f: {  	[tilespmem:$0x540] =	vst v1  }
0x40: {  	v1 =	vld.idx.msk [tilespmem:v2+s5+$0x0], $0xffff  }
0x41: {  	v3 =	vadd.s32 $0x1, v2;
	_ =	sdelay $0x3  }
0x42: {  	[tilespmem:$0x410] =	vst v1  }
0x43: {  	v1 =	vld.idx.msk [tilespmem:v3+s5+$0x0], $0xffff  }
0x44: {  	v2 =	vadd.s32 $0x2, v2;
	v3 =	vld [tilespmem:$0x320];
	_ =	sdelay $0x3  }
0x45: {  	[tilespmem:$0x4B0] =	vst v1  }
0x46: {  	v1 =	vld.idx.msk [tilespmem:v2+s5+$0x0], $0xffff;
	v2 =	vmul.u32 $0x3, v3;
	_ =	sdelay $0x4  }
0x47: {  	[tilespmem:$0x550] =	vst v1  }
0x48: {  	v1 =	vld.idx.msk [tilespmem:v2+s5+$0x0], $0xffff  }
0x49: {  	v3 =	vadd.s32 $0x1, v2;
	_ =	sdelay $0x3  }
0x4a: {  	[tilespmem:$0x420] =	vst v1  }
0x4b: {  	v1 =	vld.idx.msk [tilespmem:v3+s5+$0x0], $0xffff  }
0x4c: {  	v2 =	vadd.s32 $0x2, v2;
	v3 =	vld [tilespmem:$0x330];
	_ =	sdelay $0x3  }
0x4d: {  	[tilespmem:$0x4C0] =	vst v1  }
0x4e: {  	v1 =	vld.idx.msk [tilespmem:v2+s5+$0x0], $0xffff;
	v2 =	vmul.u32 $0x3, v3;
	_ =	sdelay $0x4  }
0x4f: {  	[tilespmem:$0x560] =	vst v1  }
0x50: {  	v1 =	vld.idx.msk [tilespmem:v2+s5+$0x0], $0xffff  }
0x51: {  	v3 =	vadd.s32 $0x1, v2;
	_ =	sdelay $0x3  }
0x52: {  	[tilespmem:$0x430] =	vst v1  }
0x53: {  	v1 =	vld.idx.msk [tilespmem:v3+s5+$0x0], $0xffff  }
0x54: {  	v2 =	vadd.s32 $0x2, v2;
	v3 =	vld [tilespmem:$0x340];
	_ =	sdelay $0x3  }
0x55: {  	[tilespmem:$0x4D0] =	vst v1  }
0x56: {  	v1 =	vld.idx.msk [tilespmem:v2+s5+$0x0], $0xffff;
	v2 =	vmul.u32 $0x3, v3;
	_ =	sdelay $0x4  }
0x57: {  	[tilespmem:$0x570] =	vst v1  }
0x58: {  	v1 =	vld.idx.msk [tilespmem:v2+s5+$0x0], $0xffff  }
0x59: {  	v3 =	vadd.s32 $0x1, v2;
	_ =	sdelay $0x3  }
0x5a: {  	[tilespmem:$0x440] =	vst v1  }
0x5b: {  	v1 =	vld.idx.msk [tilespmem:v3+s5+$0x0], $0xffff  }
0x5c: {  	v2 =	vadd.s32 $0x2, v2;
	v3 =	vld [tilespmem:$0x350];
	_ =	sdelay $0x3  }
0x5d: {  	[tilespmem:$0x4E0] =	vst v1  }
0x5e: {  	v1 =	vld.idx.msk [tilespmem:v2+s5+$0x0], $0xffff;
	v2 =	vmul.u32 $0x3, v3;
	_ =	sdelay $0x4  }
0x5f: {  	[tilespmem:$0x580] =	vst v1  }
0x60: {  	v1 =	vld.idx.msk [tilespmem:v2+s5+$0x0], $0xffff  }
0x61: {  	v3 =	vadd.s32 $0x1, v2;
	_ =	sdelay $0x3  }
0x62: {  	[tilespmem:$0x450] =	vst v1  }
0x63: {  	v1 =	vld.idx.msk [tilespmem:v3+s5+$0x0], $0xffff  }
0x64: {  	v2 =	vadd.s32 $0x2, v2;
	v3 =	vld [tilespmem:$0x360];
	_ =	sdelay $0x3  }
0x65: {  	[tilespmem:$0x4F0] =	vst v1  }
0x66: {  	v1 =	vld.idx.msk [tilespmem:v2+s5+$0x0], $0xffff;
	v2 =	vmul.u32 $0x3, v3;
	_ =	sdelay $0x4  }
0x67: {  	[tilespmem:$0x590] =	vst v1  }
0x68: {  	v1 =	vld.idx.msk [tilespmem:v2+s5+$0x0], $0xffff  }
0x69: {  	v3 =	vadd.s32 $0x1, v2;
	_ =	sdelay $0x3  }
0x6a: {  	[tilespmem:$0x460] =	vst v1  }
0x6b: {  	v1 =	vld.idx.msk [tilespmem:v3+s5+$0x0], $0xffff  }
0x6c: {  	v2 =	vadd.s32 $0x2, v2;
	v3 =	vld [tilespmem:$0x370];
	_ =	sdelay $0x3  }
0x6d: {  	[tilespmem:$0x500] =	vst v1  }
0x6e: {  	v1 =	vld.idx.msk [tilespmem:v2+s5+$0x0], $0xffff;
	v2 =	vmul.u32 $0x3, v3;
	_ =	sdelay $0x4  }
0x6f: {  	[tilespmem:$0x5A0] =	vst v1  }
0x70: {  	v1 =	vld.idx.msk [tilespmem:v2+s5+$0x0], $0xffff  }
0x71: {  	v3 =	vadd.s32 $0x1, v2;
	_ =	sdelay $0x3  }
0x72: {  	[tilespmem:$0x470] =	vst v1  }
0x73: {  	v1 =	vld.idx.msk [tilespmem:v3+s5+$0x0], $0xffff  }
0x74: {  	v2 =	vadd.s32 $0x2, v2;
	v3 =	vld [tilespmem:$0x380];
	_ =	sdelay $0x3  }
0x75: {  	[tilespmem:$0x510] =	vst v1  }
0x76: {  	v1 =	vld.idx.msk [tilespmem:v2+s5+$0x0], $0xffff;
	v2 =	vmul.u32 $0x3, v3;
	_ =	sdelay $0x4  }
0x77: {  	[tilespmem:$0x5B0] =	vst v1  }
0x78: {  	v1 =	vld.idx.msk [tilespmem:v2+s5+$0x0], $0xffff  }
0x79: {  	v3 =	vadd.s32 $0x1, v2;
	_ =	sdelay $0x3  }
0x7a: {  	[tilespmem:$0x480] =	vst v1  }
0x7b: {  	v1 =	vld.idx.msk [tilespmem:v3+s5+$0x0], $0xffff  }
0x7c: {  	v2 =	vadd.s32 $0x2, v2;
	v3 =	vld [tilespmem:$0x390];
	_ =	sdelay $0x3  }
0x7d: {  	[tilespmem:$0x520] =	vst v1  }
0x7e: {  	v1 =	vld.idx.msk [tilespmem:v2+s5+$0x0], $0xffff;
	v2 =	vmul.u32 $0x3, v3;
	_ =	sdelay $0x4  }
0x7f: {  	[tilespmem:$0x5C0] =	vst v1  }
0x80: {  	v1 =	vld.idx.msk [tilespmem:v2+s5+$0x0], $0xffff  }
0x81: {  	v3 =	vadd.s32 $0x1, v2;
	_ =	sdelay $0x3  }
0x82: {  	[tilespmem:$0x490] =	vst v1  }
0x83: {  	v1 =	vld.idx.msk [tilespmem:v3+s5+$0x0], $0xffff  }
0x84: {  	v2 =	vadd.s32 $0x2, v2;
	_ =	sdelay $0x3  }
0x85: {  	[tilespmem:$0x530] =	vst v1  }
0x86: {  	v1 =	vld.idx.msk [tilespmem:v2+s5+$0x0], $0xffff;
	_ =	sdelay $0x4  }
0x87: {  	s31 =	simm.s32 $0x0;
	[tilespmem:$0x5D0] =	vst v1  }
.LBB2_2:
0x88: {  	p0 =	seq.s32 s31, $0x0  }
0x89: {  	s0 =	simm.s32 @!p0 $0x3  }
0x8a: {  	_ =	swait.ge @!p0 [sflag:s0], $0x2000  }
0x8b: {  	[sflag:s0] =	ssyncset.done @!p0 $0x0  }
0x8c: {  	[sflag:s0] =	ssyncadd.s32 @!p0 $0xFFFFE000  }
0x8d: {  	_ =	swait.ge @!p0 [sflag:s0], $0x2000  }
0x8e: {  	[sflag:s0] =	ssyncset.done @!p0 $0x0  }
0x8f: {  	[sflag:s0] =	ssyncadd.s32 @!p0 $0xFFFFE000  }
0x90: {  	_ =	swait.ge @!p0 [sflag:s0], $0x2000  }
0x91: {  	[sflag:s0] =	ssyncset.done @!p0 $0x0  }
0x92: {  	[sflag:s0] =	ssyncadd.s32 @!p0 $0xFFFFE000  }
0x93: {  	_ =	swait.ge [sflag:s20], $0x2000  }
0x94: {  	[sflag:s20] =	ssyncset.done $0x0  }
0x95: {  	s0 =	simm.s32 $0x0;
	[sflag:s20] =	ssyncadd.s32 $0xFFFFE000  }
0x96: {  	v1 =	vld [tilespmem:s0+$0x600];
	_ =	sdelay $0x7  }
0x97: {  	v2 =	vld.idx.msk [tilespmem:v1+s21+$0x0], $0xffff  }
0x98: {  	s1 =	simm.s32 $0x0;
	v3 =	vadd.s32 $0xA0, v1  }
0x99: {  	s2 =	sand.u32 $0x1000, s1;
	s3 =	sand.u32 $0xE00, s1  }
0x9a: {  	s1 =	sand.u32 $0x180, s1;
	s2 =	sor.u32 s3, s2  }
0x9b: {  	s4 =	sor.u32 s1, s2  }
0x9c: {  	[tilespmem:s4+$0x4600] =	vst v2  }
0x9d: {  	v2 =	vld.idx.msk [tilespmem:v3+s21+$0x0], $0xffff  }
0x9e: {  	v1 =	vadd.s32 $0x140, v1;
	_ =	sdelay $0x3  }
0x9f: {  	[tilespmem:s4+$0x6600] =	vst v2  }
0xa0: {  	v1 =	vld.idx.msk [tilespmem:v1+s21+$0x0], $0xffff;
	_ =	sdelay $0x4  }
0xa1: {  	[tilespmem:s4+$0x8600] =	vst v1  }
0xa2: {  	v1 =	vld [tilespmem:s0+$0x610];
	_ =	sdelay $0x1  }
0xa3: {  	s17 =	simm.s32 $0x80  }
0xa4: {  	v2 =	vld [tilespmem:s17+$0x600];
	_ =	sdelay $0x4  }
0xa5: {  	v3 =	vld.idx.msk [tilespmem:v1+s21+$0x0], $0xffff  }
0xa6: {  	v4 =	vadd.s32 $0xA0, v1;
	_ =	sdelay $0x1  }
0xa7: {  	v5 =	vld.idx.msk [tilespmem:v2+s21+$0x0], $0xffff  }
0xa8: {  	s12 =	simm.s32 $0x200;
	s13 =	simm.s32 $0x80;
	v6 =	vadd.s32 $0xA0, v2  }
0xa9: {  	s14 =	simm.s32 $0x10;
	s2 =	sand.u32 $0x1000, s13;
	s1 =	sand.u32 $0xE00, s12;
	[tilespmem:s4+$0x4610] =	vst v3  }
0xaa: {  	s3 =	sand.u32 $0x180, s14;
	s1 =	sor.u32 s1, s2;
	v3 =	vld.idx.msk [tilespmem:v4+s21+$0x0], $0xffff  }
0xab: {  	s3 =	sor.u32 s3, s1;
	v1 =	vadd.s32 $0x140, v1  }
0xac: {  	[tilespmem:s3+$0x4600] =	vst v5  }
0xad: {  	v4 =	vld.idx.msk [tilespmem:v6+s21+$0x0], $0xffff  }
0xae: {  	v2 =	vadd.s32 $0x140, v2  }
0xaf: {  	[tilespmem:s4+$0x6610] =	vst v3  }
0xb0: {  	v1 =	vld.idx.msk [tilespmem:v1+s21+$0x0], $0xffff;
	_ =	sdelay $0x1  }
0xb1: {  	[tilespmem:s3+$0x6600] =	vst v4  }
0xb2: {  	v2 =	vld.idx.msk [tilespmem:v2+s21+$0x0], $0xffff;
	_ =	sdelay $0x1  }
0xb3: {  	[tilespmem:s4+$0x8610] =	vst v1  }
0xb4: {  	v1 =	vld [tilespmem:s0+$0x620];
	_ =	sdelay $0x1  }
0xb5: {  	[tilespmem:s3+$0x8600] =	vst v2  }
0xb6: {  	v2 =	vld [tilespmem:s17+$0x610]  }
0xb7: {  	s9 =	simm.s32 $0x100  }
0xb8: {  	v3 =	vld [tilespmem:s9+$0x600];
	_ =	sdelay $0x2  }
0xb9: {  	v4 =	vld.idx.msk [tilespmem:v1+s21+$0x0], $0xffff  }
0xba: {  	v5 =	vadd.s32 $0xA0, v1;
	_ =	sdelay $0x1  }
0xbb: {  	v6 =	vld.idx.msk [tilespmem:v2+s21+$0x0], $0xffff  }
0xbc: {  	v8 =	vadd.s32 $0xA0, v2  }
0xbd: {  	v7 =	vld.idx.msk [tilespmem:v3+s21+$0x0], $0xffff;
	[tilespmem:s4+$0x4620] =	vst v4  }
0xbe: {  	s15 =	simm.s32 $0x400;
	s16 =	simm.s32 $0x100;
	v4 =	vadd.s32 $0xA0, v3;
	v5 =	vld.idx.msk [tilespmem:v5+s21+$0x0], $0xffff  }
0xbf: {  	s7 =	simm.s32 $0x20;
	s2 =	sand.u32 $0x1000, s16;
	s1 =	sand.u32 $0xE00, s15;
	v1 =	vadd.s32 $0x140, v1  }
0xc0: {  	s7 =	sand.u32 $0x180, s7;
	s1 =	sor.u32 s1, s2;
	[tilespmem:s3+$0x4610] =	vst v6  }
0xc1: {  	s2 =	sor.u32 s7, s1;
	v6 =	vld.idx.msk [tilespmem:v8+s21+$0x0], $0xffff  }
0xc2: {  	[tilespmem:s2+$0x4600] =	vst v7;
	v2 =	vadd.s32 $0x140, v2  }
0xc3: {  	v4 =	vld.idx.msk [tilespmem:v4+s21+$0x0], $0xffff;
	[tilespmem:s4+$0x6620] =	vst v5  }
0xc4: {  	v3 =	vadd.s32 $0x140, v3;
	v1 =	vld.idx.msk [tilespmem:v1+s21+$0x0], $0xffff;
	_ =	sdelay $0x1  }
0xc5: {  	[tilespmem:s3+$0x6610] =	vst v6  }
0xc6: {  	v2 =	vld.idx.msk [tilespmem:v2+s21+$0x0], $0xffff  }
0xc7: {  	[tilespmem:s2+$0x6600] =	vst v4  }
0xc8: {  	v3 =	vld.idx.msk [tilespmem:v3+s21+$0x0], $0xffff;
	[tilespmem:s4+$0x8620] =	vst v1  }
0xc9: {  	v1 =	vld [tilespmem:s0+$0x630];
	_ =	sdelay $0x1  }
0xca: {  	[tilespmem:s3+$0x8610] =	vst v2  }
0xcb: {  	v2 =	vld [tilespmem:s17+$0x620]  }
0xcc: {  	[tilespmem:s2+$0x8600] =	vst v3  }
0xcd: {  	v3 =	vld [tilespmem:s9+$0x610]  }
0xce: {  	s14 =	simm.s32 $0x180  }
0xcf: {  	v5 =	vld [tilespmem:s14+$0x600]  }
0xd0: {  	v4 =	vld.idx.msk [tilespmem:v1+s21+$0x0], $0xffff  }
0xd1: {  	v6 =	vadd.s32 $0xA0, v1;
	_ =	sdelay $0x1  }
0xd2: {  	v7 =	vld.idx.msk [tilespmem:v2+s21+$0x0], $0xffff;
	_ =	sdelay $0x1  }
0xd3: {  	v9 =	vadd.s32 $0xA0, v2;
	v8 =	vld.idx.msk [tilespmem:v3+s21+$0x0], $0xffff;
	[tilespmem:s4+$0x4630] =	vst v4  }
0xd4: {  	v4 =	vadd.s32 $0xA0, v3;
	v6 =	vld.idx.msk [tilespmem:v6+s21+$0x0], $0xffff  }
0xd5: {  	v10 =	vld.idx.msk [tilespmem:v5+s21+$0x0], $0xffff;
	v1 =	vadd.s32 $0x140, v1  }
0xd6: {  	s18 =	simm.s32 $0x600;
	s22 =	simm.s32 $0x180;
	[tilespmem:s3+$0x4620] =	vst v7;
	v7 =	vadd.s32 $0xA0, v5  }
0xd7: {  	s13 =	simm.s32 $0x30;
	s7 =	sand.u32 $0x1000, s22;
	s1 =	sand.u32 $0xE00, s18  }
0xd8: {  	s13 =	sand.u32 $0x180, s13;
	s1 =	sor.u32 s1, s7;
	[tilespmem:s2+$0x4610] =	vst v8;
	v8 =	vld.idx.msk [tilespmem:v9+s21+$0x0], $0xffff  }
0xd9: {  	s15 =	sor.u32 s13, s1;
	v2 =	vadd.s32 $0x140, v2;
	v4 =	vld.idx.msk [tilespmem:v4+s21+$0x0], $0xffff;
	[tilespmem:s4+$0x6630] =	vst v6  }
0xda: {  	[tilespmem:s15+$0x4600] =	vst v10;
	v3 =	vadd.s32 $0x140, v3;
	v1 =	vld.idx.msk [tilespmem:v1+s21+$0x0], $0xffff  }
0xdb: {  	v6 =	vld.idx.msk [tilespmem:v7+s21+$0x0], $0xffff  }
0xdc: {  	v5 =	vadd.s32 $0x140, v5  }
0xdd: {  	[tilespmem:s3+$0x6620] =	vst v8  }
0xde: {  	[tilespmem:s2+$0x6610] =	vst v4;
	v2 =	vld.idx.msk [tilespmem:v2+s21+$0x0], $0xffff  }
0xdf: {  	v3 =	vld.idx.msk [tilespmem:v3+s21+$0x0], $0xffff;
	[tilespmem:s4+$0x8630] =	vst v1  }
0xe0: {  	[tilespmem:s15+$0x6600] =	vst v6;
	v1 =	vld [tilespmem:s0+$0x640]  }
0xe1: {  	v4 =	vld.idx.msk [tilespmem:v5+s21+$0x0], $0xffff  }
0xe2: {  	s18 =	simm.s32 $0x200  }
0xe3: {  	v5 =	vld [tilespmem:s18+$0x600];
	[tilespmem:s3+$0x8620] =	vst v2  }
0xe4: {  	[tilespmem:s2+$0x8610] =	vst v3;
	v2 =	vld [tilespmem:s17+$0x630]  }
0xe5: {  	v3 =	vld [tilespmem:s9+$0x620]  }
0xe6: {  	[tilespmem:s15+$0x8600] =	vst v4  }
0xe7: {  	v6 =	vld [tilespmem:s14+$0x610]  }
0xe8: {  	v4 =	vld.idx.msk [tilespmem:v1+s21+$0x0], $0xffff  }
0xe9: {  	v7 =	vadd.s32 $0xA0, v1;
	_ =	sdelay $0x1  }
0xea: {  	v11 =	vld.idx.msk [tilespmem:v5+s21+$0x0], $0xffff  }
0xeb: {  	v8 =	vld.idx.msk [tilespmem:v2+s21+$0x0], $0xffff  }
0xec: {  	v9 =	vadd.s32 $0xA0, v2;
	v10 =	vld.idx.msk [tilespmem:v3+s21+$0x0], $0xffff;
	[tilespmem:s4+$0x4640] =	vst v4  }
0xed: {  	v4 =	vld.idx.msk [tilespmem:v7+s21+$0x0], $0xffff;
	v7 =	vadd.s32 $0xA0, v3  }
0xee: {  	s23 =	simm.s32 $0x800;
	s24 =	simm.s32 $0x200;
	v12 =	vadd.s32 $0xA0, v5  }
0xef: {  	s26 =	simm.s32 $0x40;
	s7 =	sand.u32 $0x1000, s24;
	s1 =	sand.u32 $0xE00, s23;
	v1 =	vadd.s32 $0x140, v1;
	v13 =	vld.idx.msk [tilespmem:v6+s21+$0x0], $0xffff  }
0xf0: {  	s13 =	sand.u32 $0x180, s26;
	s1 =	sor.u32 s1, s7;
	[tilespmem:s3+$0x4630] =	vst v8;
	v8 =	vadd.s32 $0xA0, v6  }
0xf1: {  	s7 =	sor.u32 s13, s1;
	v9 =	vld.idx.msk [tilespmem:v9+s21+$0x0], $0xffff;
	[tilespmem:s2+$0x4620] =	vst v10  }
0xf2: {  	v2 =	vadd.s32 $0x140, v2;
	[tilespmem:s7+$0x4600] =	vst v11;
	v7 =	vld.idx.msk [tilespmem:v7+s21+$0x0], $0xffff  }
0xf3: {  	v3 =	vadd.s32 $0x140, v3;
	[tilespmem:s4+$0x6640] =	vst v4;
	v4 =	vld.idx.msk [tilespmem:v12+s21+$0x0], $0xffff  }
0xf4: {  	v5 =	vadd.s32 $0x140, v5;
	[tilespmem:s15+$0x4610] =	vst v13;
	v1 =	vld.idx.msk [tilespmem:v1+s21+$0x0], $0xffff  }
0xf5: {  	v8 =	vld.idx.msk [tilespmem:v8+s21+$0x0], $0xffff  }
0xf6: {  	v6 =	vadd.s32 $0x140, v6;
	[tilespmem:s3+$0x6630] =	vst v9  }
0xf7: {  	v2 =	vld.idx.msk [tilespmem:v2+s21+$0x0], $0xffff;
	[tilespmem:s2+$0x6620] =	vst v7  }
0xf8: {  	[tilespmem:s7+$0x6600] =	vst v4;
	v3 =	vld.idx.msk [tilespmem:v3+s21+$0x0], $0xffff  }
0xf9: {  	[tilespmem:s4+$0x8640] =	vst v1;
	v4 =	vld.idx.msk [tilespmem:v5+s21+$0x0], $0xffff  }
0xfa: {  	v1 =	vld [tilespmem:s0+$0x650];
	[tilespmem:s15+$0x6610] =	vst v8  }
0xfb: {  	v5 =	vld.idx.msk [tilespmem:v6+s21+$0x0], $0xffff  }
0xfc: {  	s16 =	simm.s32 $0x280  }
0xfd: {  	v6 =	vld [tilespmem:s16+$0x600];
	[tilespmem:s3+$0x8630] =	vst v2  }
0xfe: {  	v2 =	vld [tilespmem:s17+$0x640];
	[tilespmem:s2+$0x8620] =	vst v3  }
0xff: {  	v3 =	vld [tilespmem:s9+$0x630]  }
0x100: {  	[tilespmem:s15+$0x8610] =	vst v5  }
0x101: {  	v7 =	vld [tilespmem:s14+$0x620]  }
0x102: {  	[tilespmem:s7+$0x8600] =	vst v4;
	v5 =	vld.idx.msk [tilespmem:v1+s21+$0x0], $0xffff  }
0x103: {  	v4 =	vld [tilespmem:s18+$0x610];
	v8 =	vadd.s32 $0xA0, v1;
	_ =	sdelay $0x1  }
0x104: {  	v12 =	vld.idx.msk [tilespmem:v6+s21+$0x0], $0xffff  }
0x105: {  	v9 =	vld.idx.msk [tilespmem:v2+s21+$0x0], $0xffff  }
0x106: {  	v10 =	vadd.s32 $0xA0, v2;
	v11 =	vld.idx.msk [tilespmem:v3+s21+$0x0], $0xffff;
	[tilespmem:s4+$0x4650] =	vst v5  }
0x107: {  	v5 =	vld.idx.msk [tilespmem:v8+s21+$0x0], $0xffff;
	v8 =	vadd.s32 $0xA0, v3  }
0x108: {  	s12 =	simm.s32 $0xA00;
	s23 =	simm.s32 $0x280;
	v14 =	vadd.s32 $0xA0, v6  }
0x109: {  	s22 =	simm.s32 $0x50;
	s13 =	sand.u32 $0x1000, s23;
	s1 =	sand.u32 $0xE00, s12;
	v1 =	vadd.s32 $0x140, v1;
	v15 =	vld.idx.msk [tilespmem:v7+s21+$0x0], $0xffff  }
0x10a: {  	s22 =	sand.u32 $0x180, s22;
	s1 =	sor.u32 s1, s13;
	v16 =	vadd.s32 $0xA0, v7;
	v13 =	vld.idx.msk [tilespmem:v4+s21+$0x0], $0xffff;
	[tilespmem:s3+$0x4640] =	vst v9  }
0x10b: {  	s30 =	sor.u32 s22, s1;
	v9 =	vadd.s32 $0xA0, v4;
	v10 =	vld.idx.msk [tilespmem:v10+s21+$0x0], $0xffff;
	[tilespmem:s2+$0x4630] =	vst v11  }
0x10c: {  	v2 =	vadd.s32 $0x140, v2;
	[tilespmem:s30+$0x4600] =	vst v12;
	v8 =	vld.idx.msk [tilespmem:v8+s21+$0x0], $0xffff  }
0x10d: {  	v3 =	vadd.s32 $0x140, v3;
	[tilespmem:s4+$0x6650] =	vst v5;
	v5 =	vld.idx.msk [tilespmem:v14+s21+$0x0], $0xffff  }
0x10e: {  	v6 =	vadd.s32 $0x140, v6;
	v1 =	vld.idx.msk [tilespmem:v1+s21+$0x0], $0xffff;
	[tilespmem:s15+$0x4620] =	vst v15  }
0x10f: {  	[tilespmem:s7+$0x4610] =	vst v13;
	v11 =	vld.idx.msk [tilespmem:v16+s21+$0x0], $0xffff  }
0x110: {  	v7 =	vadd.s32 $0x140, v7;
	v9 =	vld.idx.msk [tilespmem:v9+s21+$0x0], $0xffff;
	[tilespmem:s3+$0x6640] =	vst v10  }
0x111: {  	v4 =	vadd.s32 $0x140, v4;
	v2 =	vld.idx.msk [tilespmem:v2+s21+$0x0], $0xffff;
	[tilespmem:s2+$0x6630] =	vst v8  }
0x112: {  	[tilespmem:s30+$0x6600] =	vst v5;
	v3 =	vld.idx.msk [tilespmem:v3+s21+$0x0], $0xffff  }
0x113: {  	[tilespmem:s4+$0x8650] =	vst v1;
	v5 =	vld.idx.msk [tilespmem:v6+s21+$0x0], $0xffff  }
0x114: {  	v1 =	vld [tilespmem:s0+$0x660];
	[tilespmem:s15+$0x6620] =	vst v11  }
0x115: {  	[tilespmem:s7+$0x6610] =	vst v9;
	v6 =	vld.idx.msk [tilespmem:v7+s21+$0x0], $0xffff  }
0x116: {  	v4 =	vld.idx.msk [tilespmem:v4+s21+$0x0], $0xffff;
	[tilespmem:s3+$0x8640] =	vst v2  }
0x117: {  	s23 =	simm.s32 $0x300;
	v2 =	vld [tilespmem:s17+$0x650]  }
0x118: {  	v7 =	vld [tilespmem:s23+$0x600];
	[tilespmem:s2+$0x8630] =	vst v3  }
0x119: {  	[tilespmem:s30+$0x8600] =	vst v5;
	v3 =	vld [tilespmem:s9+$0x640]  }
0x11a: {  	v5 =	vld [tilespmem:s16+$0x610];
	[tilespmem:s15+$0x8620] =	vst v6  }
0x11b: {  	v8 =	vld [tilespmem:s14+$0x630]  }
0x11c: {  	v6 =	vld.idx.msk [tilespmem:v1+s21+$0x0], $0xffff  }
0x11d: {  	[tilespmem:s7+$0x8610] =	vst v4;
	v4 =	vadd.s32 $0xA0, v1  }
0x11e: {  	v9 =	vld [tilespmem:s18+$0x620]  }
0x11f: {  	v10 =	vld.idx.msk [tilespmem:v2+s21+$0x0], $0xffff  }
0x120: {  	v12 =	vadd.s32 $0xA0, v2;
	v11 =	vld.idx.msk [tilespmem:v7+s21+$0x0], $0xffff  }
0x121: {  	v13 =	vld.idx.msk [tilespmem:v3+s21+$0x0], $0xffff;
	[tilespmem:s4+$0x4660] =	vst v6  }
0x122: {  	v6 =	vadd.s32 $0xA0, v3;
	v4 =	vld.idx.msk [tilespmem:v4+s21+$0x0], $0xffff  }
0x123: {  	v1 =	vadd.s32 $0x140, v1;
	v14 =	vld.idx.msk [tilespmem:v5+s21+$0x0], $0xffff  }
0x124: {  	s24 =	simm.s32 $0xC00;
	s26 =	simm.s32 $0x300;
	v15 =	vld.idx.msk [tilespmem:v8+s21+$0x0], $0xffff;
	[tilespmem:s3+$0x4650] =	vst v10;
	v10 =	vadd.s32 $0xA0, v7  }
0x125: {  	s12 =	simm.s32 $0x60;
	s13 =	sand.u32 $0x1000, s26;
	s1 =	sand.u32 $0xE00, s24;
	v16 =	vadd.s32 $0xA0, v8;
	v12 =	vld.idx.msk [tilespmem:v12+s21+$0x0], $0xffff  }
0x126: {  	s22 =	sand.u32 $0x180, s12;
	s1 =	sor.u32 s1, s13;
	v2 =	vadd.s32 $0x140, v2;
	v17 =	vld.idx.msk [tilespmem:v9+s21+$0x0], $0xffff;
	[tilespmem:s2+$0x4640] =	vst v13  }
0x127: {  	s22 =	sor.u32 s22, s1;
	v13 =	vadd.s32 $0xA0, v5;
	v6 =	vld.idx.msk [tilespmem:v6+s21+$0x0], $0xffff;
	[tilespmem:s4+$0x6660] =	vst v4  }
0x128: {  	[tilespmem:s22+$0x4600] =	vst v11;
	v4 =	vadd.s32 $0xA0, v9;
	v1 =	vld.idx.msk [tilespmem:v1+s21+$0x0], $0xffff  }
0x129: {  	v3 =	vadd.s32 $0x140, v3;
	[tilespmem:s15+$0x4630] =	vst v15;
	v10 =	vld.idx.msk [tilespmem:v10+s21+$0x0], $0xffff  }
0x12a: {  	v11 =	vld.idx.msk [tilespmem:v16+s21+$0x0], $0xffff;
	[tilespmem:s3+$0x6650] =	vst v12  }
0x12b: {  	v7 =	vadd.s32 $0x140, v7;
	[tilespmem:s30+$0x4610] =	vst v14;
	v2 =	vld.idx.msk [tilespmem:v2+s21+$0x0], $0xffff  }
0x12c: {  	v8 =	vadd.s32 $0x140, v8;
	[tilespmem:s7+$0x4620] =	vst v17;
	v12 =	vld.idx.msk [tilespmem:v13+s21+$0x0], $0xffff  }
0x12d: {  	v4 =	vld.idx.msk [tilespmem:v4+s21+$0x0], $0xffff;
	[tilespmem:s2+$0x6640] =	vst v6  }
0x12e: {  	v3 =	vld.idx.msk [tilespmem:v3+s21+$0x0], $0xffff;
	[tilespmem:s4+$0x8660] =	vst v1  }
0x12f: {  	v5 =	vadd.s32 $0x140, v5;
	[tilespmem:s22+$0x6600] =	vst v10;
	v6 =	vld [tilespmem:s0+$0x670]  }
0x130: {  	v1 =	vadd.s32 $0x140, v9;
	[tilespmem:s15+$0x6630] =	vst v11;
	v7 =	vld.idx.msk [tilespmem:v7+s21+$0x0], $0xffff  }
0x131: {  	v8 =	vld.idx.msk [tilespmem:v8+s21+$0x0], $0xffff;
	[tilespmem:s3+$0x8650] =	vst v2  }
0x132: {  	s24 =	simm.s32 $0x380;
	v17 =	vld [tilespmem:s17+$0x660]  }
0x133: {  	v13 =	vld [tilespmem:s24+$0x600];
	[tilespmem:s30+$0x6610] =	vst v12  }
0x134: {  	v2 =	vld.idx.msk [tilespmem:v5+s21+$0x0], $0xffff;
	[tilespmem:s7+$0x6620] =	vst v4  }
0x135: {  	v1 =	vld.idx.msk [tilespmem:v1+s21+$0x0], $0xffff;
	[tilespmem:s2+$0x8640] =	vst v3  }
0x136: {  	v3 =	vld [tilespmem:s9+$0x650];
	[tilespmem:s15+$0x8630] =	vst v8  }
0x137: {  	[tilespmem:s22+$0x8600] =	vst v7;
	v4 =	vld [tilespmem:s14+$0x640]  }
0x138: {  	v11 =	vld [tilespmem:s23+$0x610]  }
0x139: {  	v5 =	vld.idx.msk [tilespmem:v6+s21+$0x0], $0xffff  }
0x13a: {  	v8 =	vadd.s32 $0xA0, v6;
	[tilespmem:s7+$0x8620] =	vst v1;
	v12 =	vld.idx.msk [tilespmem:v17+s21+$0x0], $0xffff  }
0x13b: {  	[tilespmem:s30+$0x8610] =	vst v2;
	v2 =	vadd.s32 $0xA0, v17;
	v7 =	vld [tilespmem:s18+$0x630]  }
0x13c: {  	v15 =	vld.idx.msk [tilespmem:v13+s21+$0x0], $0xffff  }
0x13d: {  	v9 =	vld [tilespmem:s16+$0x620]  }
0x13e: {  	v18 =	vld.idx.msk [tilespmem:v3+s21+$0x0], $0xffff;
	[tilespmem:s4+$0x4670] =	vst v5  }
0x13f: {  	v1 =	vld.idx.msk [tilespmem:v8+s21+$0x0], $0xffff;
	v8 =	vadd.s32 $0xA0, v3;
	[tilespmem:s3+$0x4660] =	vst v12  }
0x140: {  	v5 =	vld.idx.msk [tilespmem:v2+s21+$0x0], $0xffff;
	v2 =	vadd.s32 $0x140, v6  }
0x141: {  	s28 =	simm.s32 $0x380;
	s26 =	simm.s32 $0xE00;
	s13 =	simm.s32 $0x70;
	v10 =	vld.idx.msk [tilespmem:v4+s21+$0x0], $0xffff  }
0x142: {  	s29 =	sand.u32 $0x1000, s28;
	s12 =	sand.u32 $0xE00, s26;
	s13 =	sand.u32 $0x180, s13;
	v16 =	vld.idx.msk [tilespmem:v11+s21+$0x0], $0xffff;
	v12 =	vadd.s32 $0xA0, v4  }
0x143: {  	s1 =	sor.u32 s12, s29;
	s29 =	simm.s32 $0x80;
	s0 =	sshll.u32 s31, $0xE;
	v6 =	vadd.s32 $0x140, v17;
	v14 =	vld.idx.msk [tilespmem:v7+s21+$0x0], $0xffff;
	[tilespmem:s2+$0x4650] =	vst v18  }
.LBB2_3:
0x144: {  	p0 =	sne.s32 s29, $0x3F0;
	s1 =	sor.u32 s13, s1;
	v17 =	vadd.s32 $0xA0, v13;
	v8 =	vld.idx.msk [tilespmem:v8+s21+$0x0], $0xffff;
	[tilespmem:s4+$0x6670] =	vst v1  }
0x145: {  	v1 =	vadd.s32 $0xA0, v7;
	[tilespmem:s1+$0x4600] =	vst v15;
	v2 =	vld.idx.msk [tilespmem:v2+s21+$0x0], $0xffff  }
0x146: {  	v3 =	vadd.s32 $0x140, v3;
	v15 =	vld.idx.msk [tilespmem:v9+s21+$0x0], $0xffff;
	[tilespmem:s15+$0x4640] =	vst v10  }
0x147: {  	v10 =	vadd.s32 $0xA0, v11;
	v12 =	vld.idx.msk [tilespmem:v12+s21+$0x0], $0xffff;
	[tilespmem:s3+$0x6660] =	vst v5  }
0x148: {  	v5 =	vadd.s32 $0xA0, v9;
	[tilespmem:s22+$0x4610] =	vst v16;
	v6 =	vld.idx.msk [tilespmem:v6+s21+$0x0], $0xffff  }
0x149: {  	v4 =	vadd.s32 $0x140, v4;
	v16 =	vld.idx.msk [tilespmem:v17+s21+$0x0], $0xffff;
	[tilespmem:s7+$0x4630] =	vst v14  }
0x14a: {  	v1 =	vld.idx.msk [tilespmem:v1+s21+$0x0], $0xffff;
	[tilespmem:s2+$0x6650] =	vst v8  }
0x14b: {  	v8 =	vadd.s32 $0x140, v13;
	v3 =	vld.idx.msk [tilespmem:v3+s21+$0x0], $0xffff;
	[tilespmem:s4+$0x8670] =	vst v2;
	s4 =	smov.u32 s3;
	s3 =	smov.u32 s2;
	s2 =	smov.u32 s15  }
0x14c: {  	v7 =	vadd.s32 $0x140, v7;
	s15 =	smov.u32 s7;
	s7 =	smov.u32 s30;
	v2 =	vld.idx.msk [tilespmem:v10+s21+$0x0], $0xffff;
	[tilespmem:s30+$0x4620] =	vst v15;
	s30 =	smov.u32 s22  }
0x14d: {  	s22 =	smov.u32 s1;
	v5 =	vld.idx.msk [tilespmem:v5+s21+$0x0], $0xffff;
	[tilespmem:s2+$0x6640] =	vst v12  }
0x14e: {  	v10 =	vadd.s32 $0x140, v11;
	v4 =	vld.idx.msk [tilespmem:v4+s21+$0x0], $0xffff;
	[tilespmem:s4+$0x8660] =	vst v6  }
0x14f: {  	v6 =	vadd.s32 $0x140, v9;
	[tilespmem:s22+$0x6600] =	vst v16;
	v12 =	vld [tilespmem:s17+$0x670];
	s17 =	smov.u32 s9;
	s9 =	smov.u32 s14;
	s14 =	smov.u32 s18  }
0x150: {  	s18 =	smov.u32 s16;
	s16 =	smov.u32 s23;
	s23 =	smov.u32 s24;
	v8 =	vld.idx.msk [tilespmem:v8+s21+$0x0], $0xffff;
	[tilespmem:s15+$0x6630] =	vst v1  }
0x151: {  	v1 =	vld.idx.msk [tilespmem:v7+s21+$0x0], $0xffff;
	[tilespmem:s3+$0x8650] =	vst v3  }
0x152: {  	[tilespmem:s30+$0x6610] =	vst v2;
	v17 =	vld [tilespmem:s17+$0x660]  }
0x153: {  	v2 =	vld.idx.msk [tilespmem:v10+s21+$0x0], $0xffff;
	[tilespmem:s7+$0x6620] =	vst v5  }
0x154: {  	s26 =	sadd.s32 $0x200, s26;
	v5 =	vld.idx.msk [tilespmem:v6+s21+$0x0], $0xffff;
	[tilespmem:s2+$0x8640] =	vst v4  }
0x155: {  	s24 =	sshra.s32 s26, $0x2;
	v3 =	vld [tilespmem:s9+$0x650]  }
0x156: {  	v13 =	vld [tilespmem:s24+$0x600]  }
0x157: {  	[tilespmem:s15+$0x8630] =	vst v1;
	v1 =	vld.idx.msk [tilespmem:v12+s21+$0x0], $0xffff  }
0x158: {  	[tilespmem:s22+$0x8600] =	vst v8;
	v4 =	vld [tilespmem:s14+$0x640]  }
0x159: {  	v6 =	vadd.s32 $0xA0, v12;
	v11 =	vld [tilespmem:s23+$0x610]  }
0x15a: {  	[tilespmem:s7+$0x8620] =	vst v5;
	v5 =	vld.idx.msk [tilespmem:v17+s21+$0x0], $0xffff  }
0x15b: {  	[tilespmem:s30+$0x8610] =	vst v2;
	v7 =	vld [tilespmem:s18+$0x630]  }
0x15c: {  	v14 =	vadd.s32 $0xA0, v17;
	v9 =	vld [tilespmem:s16+$0x620]  }
0x15d: {  	v18 =	vld.idx.msk [tilespmem:v3+s21+$0x0], $0xffff;
	[tilespmem:s4+$0x4670] =	vst v1  }
0x15e: {  	v1 =	vld.idx.msk [tilespmem:v6+s21+$0x0], $0xffff  }
.Ltmp2:
0x15f: {  	v8 =	vadd.s32 $0xA0, v3;
	v15 =	vld.idx.msk [tilespmem:v13+s21+$0x0], $0xffff;
	(pc) =	sbr.rel @p0 .LBB2_3-.Ltmp2, $4  }
0x160: {  	v2 =	vadd.s32 $0x140, v12;
	v10 =	vld.idx.msk [tilespmem:v4+s21+$0x0], $0xffff;
	[tilespmem:s3+$0x4660] =	vst v5  }
0x161: {  	s28 =	sadd.s32 $0x80, s28;
	v5 =	vld.idx.msk [tilespmem:v14+s21+$0x0], $0xffff  }
0x162: {  	s12 =	sand.u32 $0xE00, s26;
	s1 =	sand.u32 $0x1000, s28;
	v12 =	vadd.s32 $0xA0, v4;
	v16 =	vld.idx.msk [tilespmem:v11+s21+$0x0], $0xffff  }
0x163: {  	s13 =	sand.u32 $0x180, s29;
	s29 =	sadd.s32 $0x10, s29;
	s1 =	sor.u32 s12, s1;
	v6 =	vadd.s32 $0x140, v17;
	v14 =	vld.idx.msk [tilespmem:v7+s21+$0x0], $0xffff;
	[tilespmem:s2+$0x4650] =	vst v18  }
0x164: {  	v17 =	vadd.s32 $0xA0, v13;
	_ =	sdelay $0x2  }
0x165: {  	s26 =	sor.u32 s13, s1  }
0x166: {  	[tilespmem:s26+$0x4600] =	vst v15  }
0x167: {  	v15 =	vld.idx.msk [tilespmem:v17+s21+$0x0], $0xffff  }
0x168: {  	v13 =	vadd.s32 $0x140, v13;
	_ =	sdelay $0x3  }
0x169: {  	[tilespmem:s26+$0x6600] =	vst v15  }
0x16a: {  	v13 =	vld.idx.msk [tilespmem:v13+s21+$0x0], $0xffff;
	_ =	sdelay $0x4  }
0x16b: {  	[tilespmem:s26+$0x8600] =	vst v13  }
0x16c: {  	v13 =	vld [tilespmem:s24+$0x610];
	_ =	sdelay $0x4  }
0x16d: {  	v15 =	vadd.s32 $0xA0, v11;
	_ =	sdelay $0x2  }
0x16e: {  	v17 =	vld.idx.msk [tilespmem:v13+s21+$0x0], $0xffff  }
0x16f: {  	[tilespmem:s22+$0x4610] =	vst v16;
	v18 =	vadd.s32 $0xA0, v13  }
0x170: {  	v15 =	vld.idx.msk [tilespmem:v15+s21+$0x0], $0xffff  }
0x171: {  	v11 =	vadd.s32 $0x140, v11;
	_ =	sdelay $0x1  }
0x172: {  	[tilespmem:s26+$0x4610] =	vst v17  }
0x173: {  	v16 =	vld.idx.msk [tilespmem:v18+s21+$0x0], $0xffff  }
0x174: {  	[tilespmem:s22+$0x6610] =	vst v15;
	v13 =	vadd.s32 $0x140, v13  }
0x175: {  	v11 =	vld.idx.msk [tilespmem:v11+s21+$0x0], $0xffff;
	_ =	sdelay $0x2  }
0x176: {  	[tilespmem:s26+$0x6610] =	vst v16  }
0x177: {  	v13 =	vld.idx.msk [tilespmem:v13+s21+$0x0], $0xffff  }
0x178: {  	[tilespmem:s22+$0x8610] =	vst v11  }
0x179: {  	v11 =	vld [tilespmem:s23+$0x620];
	_ =	sdelay $0x2  }
0x17a: {  	[tilespmem:s26+$0x8610] =	vst v13  }
0x17b: {  	v13 =	vld [tilespmem:s24+$0x620]  }
0x17c: {  	v15 =	vld.idx.msk [tilespmem:v9+s21+$0x0], $0xffff  }
0x17d: {  	v16 =	vadd.s32 $0xA0, v9;
	_ =	sdelay $0x1  }
0x17e: {  	v17 =	vld.idx.msk [tilespmem:v11+s21+$0x0], $0xffff  }
0x17f: {  	v18 =	vadd.s32 $0xA0, v11  }
0x180: {  	[tilespmem:s30+$0x4620] =	vst v15  }
0x181: {  	v15 =	vld.idx.msk [tilespmem:v16+s21+$0x0], $0xffff  }
0x182: {  	v9 =	vadd.s32 $0x140, v9;
	v19 =	vld.idx.msk [tilespmem:v13+s21+$0x0], $0xffff  }
0x183: {  	[tilespmem:s22+$0x4620] =	vst v17;
	v20 =	vadd.s32 $0xA0, v13  }
0x184: {  	v16 =	vld.idx.msk [tilespmem:v18+s21+$0x0], $0xffff  }
0x185: {  	v11 =	vadd.s32 $0x140, v11  }
0x186: {  	[tilespmem:s30+$0x6620] =	vst v15  }
0x187: {  	v9 =	vld.idx.msk [tilespmem:v9+s21+$0x0], $0xffff;
	[tilespmem:s26+$0x4620] =	vst v19  }
0x188: {  	v17 =	vld.idx.msk [tilespmem:v20+s21+$0x0], $0xffff  }
0x189: {  	[tilespmem:s22+$0x6620] =	vst v16;
	v13 =	vadd.s32 $0x140, v13  }
0x18a: {  	v11 =	vld.idx.msk [tilespmem:v11+s21+$0x0], $0xffff;
	_ =	sdelay $0x1  }
0x18b: {  	[tilespmem:s30+$0x8620] =	vst v9  }
0x18c: {  	v9 =	vld [tilespmem:s16+$0x630];
	[tilespmem:s26+$0x6620] =	vst v17  }
0x18d: {  	v13 =	vld.idx.msk [tilespmem:v13+s21+$0x0], $0xffff  }
0x18e: {  	[tilespmem:s22+$0x8620] =	vst v11  }
0x18f: {  	v11 =	vld [tilespmem:s23+$0x630];
	_ =	sdelay $0x1  }
0x190: {  	v15 =	vadd.s32 $0xA0, v7  }
0x191: {  	[tilespmem:s26+$0x8620] =	vst v13  }
0x192: {  	v13 =	vld [tilespmem:s24+$0x630]  }
0x193: {  	v16 =	vld.idx.msk [tilespmem:v9+s21+$0x0], $0xffff  }
0x194: {  	[tilespmem:s7+$0x4630] =	vst v14;
	v17 =	vadd.s32 $0xA0, v9  }
0x195: {  	v14 =	vld.idx.msk [tilespmem:v15+s21+$0x0], $0xffff  }
0x196: {  	v7 =	vadd.s32 $0x140, v7;
	v18 =	vld.idx.msk [tilespmem:v11+s21+$0x0], $0xffff  }
0x197: {  	v19 =	vadd.s32 $0xA0, v11  }
0x198: {  	[tilespmem:s30+$0x4630] =	vst v16  }
0x199: {  	v15 =	vld.idx.msk [tilespmem:v17+s21+$0x0], $0xffff  }
0x19a: {  	[tilespmem:s7+$0x6630] =	vst v14;
	v9 =	vadd.s32 $0x140, v9;
	v62 =	vld.idx.msk [tilespmem:v13+s21+$0x0], $0xffff  }
0x19b: {  	v7 =	vld.idx.msk [tilespmem:v7+s21+$0x0], $0xffff;
	[tilespmem:s22+$0x4630] =	vst v18;
	v21 =	vadd.s32 $0xA0, v13  }
0x19c: {  	v16 =	vld.idx.msk [tilespmem:v19+s21+$0x0], $0xffff  }
0x19d: {  	v11 =	vadd.s32 $0x140, v11  }
0x19e: {  	[tilespmem:s30+$0x6630] =	vst v15  }
0x19f: {  	v9 =	vld.idx.msk [tilespmem:v9+s21+$0x0], $0xffff;
	[tilespmem:s26+$0x4630] =	vst v62  }
0x1a0: {  	[tilespmem:s7+$0x8630] =	vst v7;
	v17 =	vld.idx.msk [tilespmem:v21+s21+$0x0], $0xffff  }
0x1a1: {  	v7 =	vld [tilespmem:s18+$0x640];
	[tilespmem:s22+$0x6630] =	vst v16;
	v13 =	vadd.s32 $0x140, v13  }
0x1a2: {  	v11 =	vld.idx.msk [tilespmem:v11+s21+$0x0], $0xffff;
	_ =	sdelay $0x1  }
0x1a3: {  	[tilespmem:s30+$0x8630] =	vst v9  }
0x1a4: {  	v9 =	vld [tilespmem:s16+$0x640];
	[tilespmem:s26+$0x6630] =	vst v17  }
0x1a5: {  	v13 =	vld.idx.msk [tilespmem:v13+s21+$0x0], $0xffff  }
0x1a6: {  	[tilespmem:s22+$0x8630] =	vst v11  }
0x1a7: {  	v11 =	vld [tilespmem:s23+$0x640]  }
0x1a8: {  	v14 =	vld.idx.msk [tilespmem:v7+s21+$0x0], $0xffff  }
0x1a9: {  	v15 =	vadd.s32 $0xA0, v7  }
0x1aa: {  	[tilespmem:s26+$0x8630] =	vst v13  }
0x1ab: {  	v13 =	vld [tilespmem:s24+$0x640]  }
0x1ac: {  	v16 =	vld.idx.msk [tilespmem:v9+s21+$0x0], $0xffff  }
0x1ad: {  	[tilespmem:s7+$0x4640] =	vst v14;
	v17 =	vadd.s32 $0xA0, v9  }
0x1ae: {  	v14 =	vld.idx.msk [tilespmem:v15+s21+$0x0], $0xffff  }
0x1af: {  	[tilespmem:s15+$0x4640] =	vst v10;
	v7 =	vadd.s32 $0x140, v7;
	v18 =	vld.idx.msk [tilespmem:v11+s21+$0x0], $0xffff  }
0x1b0: {  	v12 =	vld.idx.msk [tilespmem:v12+s21+$0x0], $0xffff;
	v10 =	vadd.s32 $0xA0, v11  }
0x1b1: {  	v4 =	vadd.s32 $0x140, v4;
	[tilespmem:s30+$0x4640] =	vst v16  }
0x1b2: {  	v15 =	vld.idx.msk [tilespmem:v17+s21+$0x0], $0xffff  }
0x1b3: {  	[tilespmem:s7+$0x6640] =	vst v14;
	v9 =	vadd.s32 $0x140, v9;
	v19 =	vld.idx.msk [tilespmem:v13+s21+$0x0], $0xffff  }
0x1b4: {  	v7 =	vld.idx.msk [tilespmem:v7+s21+$0x0], $0xffff;
	[tilespmem:s22+$0x4640] =	vst v18;
	v63 =	vadd.s32 $0xA0, v13  }
0x1b5: {  	[tilespmem:s15+$0x6640] =	vst v12;
	v10 =	vld.idx.msk [tilespmem:v10+s21+$0x0], $0xffff  }
0x1b6: {  	v4 =	vld.idx.msk [tilespmem:v4+s21+$0x0], $0xffff;
	v11 =	vadd.s32 $0x140, v11  }
0x1b7: {  	v8 =	vld.idx.msk [tilespmem:v8+s21+$0x0], $0xffff;
	[tilespmem:s30+$0x6640] =	vst v15  }
0x1b8: {  	v3 =	vadd.s32 $0x140, v3;
	v9 =	vld.idx.msk [tilespmem:v9+s21+$0x0], $0xffff;
	[tilespmem:s26+$0x4640] =	vst v19  }
0x1b9: {  	[tilespmem:s7+$0x8640] =	vst v7;
	v12 =	vld.idx.msk [tilespmem:v63+s21+$0x0], $0xffff  }
0x1ba: {  	v7 =	vld [tilespmem:s18+$0x650];
	[tilespmem:s22+$0x6640] =	vst v10;
	v13 =	vadd.s32 $0x140, v13  }
0x1bb: {  	[tilespmem:s15+$0x8640] =	vst v4;
	v10 =	vld.idx.msk [tilespmem:v11+s21+$0x0], $0xffff  }
0x1bc: {  	[tilespmem:s2+$0x6650] =	vst v8;
	v8 =	vld [tilespmem:s14+$0x650]  }
0x1bd: {  	v3 =	vld.idx.msk [tilespmem:v3+s21+$0x0], $0xffff;
	[tilespmem:s30+$0x8640] =	vst v9  }
0x1be: {  	v9 =	vld [tilespmem:s16+$0x650];
	[tilespmem:s26+$0x6640] =	vst v12  }
0x1bf: {  	v4 =	vld.idx.msk [tilespmem:v13+s21+$0x0], $0xffff  }
0x1c0: {  	[tilespmem:s22+$0x8640] =	vst v10  }
0x1c1: {  	v10 =	vld [tilespmem:s23+$0x650]  }
0x1c2: {  	v13 =	vld.idx.msk [tilespmem:v7+s21+$0x0], $0xffff  }
0x1c3: {  	[tilespmem:s2+$0x8650] =	vst v3;
	v14 =	vadd.s32 $0xA0, v7  }
0x1c4: {  	v3 =	vld.idx.msk [tilespmem:v8+s21+$0x0], $0xffff;
	[tilespmem:s26+$0x8640] =	vst v4  }
0x1c5: {  	v4 =	vld [tilespmem:s24+$0x650]  }
0x1c6: {  	v15 =	vld.idx.msk [tilespmem:v9+s21+$0x0], $0xffff;
	v12 =	vadd.s32 $0xA0, v8  }
0x1c7: {  	v16 =	vadd.s32 $0xA0, v9;
	[tilespmem:s7+$0x4650] =	vst v13  }
0x1c8: {  	v13 =	vld.idx.msk [tilespmem:v14+s21+$0x0], $0xffff  }
0x1c9: {  	[tilespmem:s3+$0x6660] =	vst v5;
	v11 =	vld [tilespmem:s9+$0x660];
	v7 =	vadd.s32 $0x140, v7  }
0x1ca: {  	[tilespmem:s15+$0x4650] =	vst v3;
	v17 =	vld.idx.msk [tilespmem:v10+s21+$0x0], $0xffff  }
0x1cb: {  	v3 =	vadd.s32 $0xA0, v10;
	[tilespmem:s30+$0x4650] =	vst v15;
	v5 =	vld.idx.msk [tilespmem:v12+s21+$0x0], $0xffff  }
0x1cc: {  	v8 =	vadd.s32 $0x140, v8;
	v14 =	vld.idx.msk [tilespmem:v16+s21+$0x0], $0xffff  }
0x1cd: {  	v9 =	vadd.s32 $0x140, v9;
	[tilespmem:s7+$0x6650] =	vst v13;
	v18 =	vld.idx.msk [tilespmem:v4+s21+$0x0], $0xffff  }
0x1ce: {  	v12 =	vadd.s32 $0xA0, v4;
	v7 =	vld.idx.msk [tilespmem:v7+s21+$0x0], $0xffff  }
0x1cf: {  	[tilespmem:s22+$0x4650] =	vst v17  }
0x1d0: {  	v3 =	vld.idx.msk [tilespmem:v3+s21+$0x0], $0xffff;
	[tilespmem:s15+$0x6650] =	vst v5  }
0x1d1: {  	v8 =	vld.idx.msk [tilespmem:v8+s21+$0x0], $0xffff;
	[tilespmem:s30+$0x6650] =	vst v14  }
0x1d2: {  	v5 =	vadd.s32 $0x140, v10;
	v9 =	vld.idx.msk [tilespmem:v9+s21+$0x0], $0xffff;
	[tilespmem:s26+$0x4650] =	vst v18  }
0x1d3: {  	[tilespmem:s7+$0x8650] =	vst v7;
	v10 =	vld.idx.msk [tilespmem:v12+s21+$0x0], $0xffff  }
0x1d4: {  	v4 =	vadd.s32 $0x140, v4;
	v7 =	vld [tilespmem:s18+$0x660]  }
0x1d5: {  	v12 =	vld.idx.msk [tilespmem:v11+s21+$0x0], $0xffff  }
0x1d6: {  	v6 =	vld.idx.msk [tilespmem:v6+s21+$0x0], $0xffff;
	[tilespmem:s22+$0x6650] =	vst v3;
	v13 =	vadd.s32 $0xA0, v11  }
0x1d7: {  	v3 =	vld.idx.msk [tilespmem:v5+s21+$0x0], $0xffff;
	[tilespmem:s15+$0x8650] =	vst v8  }
0x1d8: {  	v5 =	vld [tilespmem:s14+$0x660];
	[tilespmem:s26+$0x6650] =	vst v10  }
0x1d9: {  	[tilespmem:s30+$0x8650] =	vst v9;
	v4 =	vld.idx.msk [tilespmem:v4+s21+$0x0], $0xffff  }
0x1da: {  	v9 =	vld [tilespmem:s16+$0x660];
	[tilespmem:s2+$0x4660] =	vst v12  }
0x1db: {  	v8 =	vld.idx.msk [tilespmem:v13+s21+$0x0], $0xffff  }
0x1dc: {  	[tilespmem:s22+$0x8650] =	vst v3;
	v3 =	vadd.s32 $0x140, v11;
	v12 =	vld.idx.msk [tilespmem:v7+s21+$0x0], $0xffff  }
0x1dd: {  	v10 =	vld [tilespmem:s23+$0x660];
	v13 =	vadd.s32 $0xA0, v7  }
0x1de: {  	[tilespmem:s26+$0x8650] =	vst v4  }
0x1df: {  	v4 =	vld [tilespmem:s24+$0x660]  }
0x1e0: {  	[tilespmem:s2+$0x6660] =	vst v8;
	v8 =	vld.idx.msk [tilespmem:v5+s21+$0x0], $0xffff  }
0x1e1: {  	v11 =	vadd.s32 $0xA0, v5;
	[tilespmem:s7+$0x4660] =	vst v12;
	v3 =	vld.idx.msk [tilespmem:v3+s21+$0x0], $0xffff  }
0x1e2: {  	[tilespmem:s3+$0x8660] =	vst v6;
	v12 =	vld.idx.msk [tilespmem:v13+s21+$0x0], $0xffff  }
0x1e3: {  	v6 =	vld [tilespmem:s17+$0x670];
	v7 =	vadd.s32 $0x140, v7  }
0x1e4: {  	v14 =	vld.idx.msk [tilespmem:v9+s21+$0x0], $0xffff  }
0x1e5: {  	v15 =	vadd.s32 $0xA0, v9;
	v16 =	vld.idx.msk [tilespmem:v10+s21+$0x0], $0xffff;
	[tilespmem:s15+$0x4660] =	vst v8  }
0x1e6: {  	v8 =	vadd.s32 $0xA0, v10;
	[tilespmem:s2+$0x8660] =	vst v3;
	v3 =	vld.idx.msk [tilespmem:v11+s21+$0x0], $0xffff  }
0x1e7: {  	v5 =	vadd.s32 $0x140, v5;
	[tilespmem:s7+$0x6660] =	vst v12;
	v17 =	vld.idx.msk [tilespmem:v4+s21+$0x0], $0xffff  }
0x1e8: {  	[tilespmem:s4+$0x6670] =	vst v1;
	v11 =	vadd.s32 $0xA0, v4;
	v7 =	vld.idx.msk [tilespmem:v7+s21+$0x0], $0xffff  }
0x1e9: {  	v1 =	vld.idx.msk [tilespmem:v2+s21+$0x0], $0xffff;
	[tilespmem:s30+$0x4660] =	vst v14  }
0x1ea: {  	v13 =	vld.idx.msk [tilespmem:v15+s21+$0x0], $0xffff;
	[tilespmem:s22+$0x4660] =	vst v16  }
0x1eb: {  	v9 =	vadd.s32 $0x140, v9;
	v8 =	vld.idx.msk [tilespmem:v8+s21+$0x0], $0xffff;
	[tilespmem:s15+$0x6660] =	vst v3  }
0x1ec: {  	v5 =	vld.idx.msk [tilespmem:v5+s21+$0x0], $0xffff;
	[tilespmem:s26+$0x4660] =	vst v17  }
0x1ed: {  	v3 =	vadd.s32 $0x140, v10;
	[tilespmem:s7+$0x8660] =	vst v7;
	v10 =	vld.idx.msk [tilespmem:v11+s21+$0x0], $0xffff  }
0x1ee: {  	v4 =	vadd.s32 $0x140, v4;
	v7 =	vld [tilespmem:s18+$0x670]  }
0x1ef: {  	[tilespmem:s30+$0x6660] =	vst v13;
	v11 =	vld.idx.msk [tilespmem:v6+s21+$0x0], $0xffff  }
0x1f0: {  	v12 =	vadd.s32 $0xA0, v6;
	v9 =	vld.idx.msk [tilespmem:v9+s21+$0x0], $0xffff  }
0x1f1: {  	v18 =	vld [tilespmem:s9+$0x670];
	[tilespmem:s22+$0x6660] =	vst v8  }
0x1f2: {  	v3 =	vld.idx.msk [tilespmem:v3+s21+$0x0], $0xffff;
	[tilespmem:s26+$0x6660] =	vst v10  }
0x1f3: {  	[tilespmem:s15+$0x8660] =	vst v5;
	v4 =	vld.idx.msk [tilespmem:v4+s21+$0x0], $0xffff  }
0x1f4: {  	v5 =	vld [tilespmem:s14+$0x670];
	[tilespmem:s3+$0x4670] =	vst v11  }
0x1f5: {  	[tilespmem:s30+$0x8660] =	vst v9;
	v8 =	vld.idx.msk [tilespmem:v12+s21+$0x0], $0xffff  }
0x1f6: {  	v9 =	vld [tilespmem:s16+$0x670];
	v6 =	vadd.s32 $0x140, v6  }
0x1f7: {  	[tilespmem:s22+$0x8660] =	vst v3;
	v12 =	vld.idx.msk [tilespmem:v7+s21+$0x0], $0xffff  }
0x1f8: {  	v3 =	vld [tilespmem:s23+$0x670];
	[tilespmem:s26+$0x8660] =	vst v4  }
0x1f9: {  	[tilespmem:s4+$0x8670] =	vst v1;
	v4 =	vld [tilespmem:s24+$0x670]  }
0x1fa: {  	v1 =	vadd.s32 $0xA0, v7;
	[tilespmem:s3+$0x6670] =	vst v8  }
0x1fb: {  	v2 =	vld.idx.msk [tilespmem:v6+s21+$0x0], $0xffff  }
0x1fc: {  	v6 =	vld.idx.msk [tilespmem:v18+s21+$0x0], $0xffff  }
0x1fd: {  	v8 =	vadd.s32 $0xA0, v18;
	v10 =	vld.idx.msk [tilespmem:v5+s21+$0x0], $0xffff  }
0x1fe: {  	v13 =	vld.idx.msk [tilespmem:v9+s21+$0x0], $0xffff;
	v11 =	vadd.s32 $0xA0, v5;
	[tilespmem:s7+$0x4670] =	vst v12  }
0x1ff: {  	v1 =	vld.idx.msk [tilespmem:v1+s21+$0x0], $0xffff  }
0x200: {  	v14 =	vld.idx.msk [tilespmem:v3+s21+$0x0], $0xffff;
	[tilespmem:s3+$0x8670] =	vst v2;
	v2 =	vadd.s32 $0xA0, v9  }
0x201: {  	[tilespmem:s2+$0x4670] =	vst v6;
	v6 =	vadd.s32 $0xA0, v3;
	v15 =	vld.idx.msk [tilespmem:v4+s21+$0x0], $0xffff  }
0x202: {  	[tilespmem:s15+$0x4670] =	vst v10;
	v10 =	vadd.s32 $0xA0, v4;
	v8 =	vld.idx.msk [tilespmem:v8+s21+$0x0], $0xffff  }
0x203: {  	v7 =	vadd.s32 $0x140, v7;
	[tilespmem:s30+$0x4670] =	vst v13;
	v11 =	vld.idx.msk [tilespmem:v11+s21+$0x0], $0xffff  }
0x204: {  	v5 =	vadd.s32 $0x140, v5;
	[tilespmem:s7+$0x6670] =	vst v1  }
0x205: {  	v16 =	vadd.s32 $0x140, v18;
	[tilespmem:s22+$0x4670] =	vst v14;
	v2 =	vld.idx.msk [tilespmem:v2+s21+$0x0], $0xffff  }
0x206: {  	v9 =	vadd.s32 $0x140, v9;
	v6 =	vld.idx.msk [tilespmem:v6+s21+$0x0], $0xffff;
	[tilespmem:s26+$0x4670] =	vst v15  }
0x207: {  	v3 =	vadd.s32 $0x140, v3;
	[tilespmem:s2+$0x6670] =	vst v8;
	v8 =	vld.idx.msk [tilespmem:v10+s21+$0x0], $0xffff  }
0x208: {  	v1 =	vld.idx.msk [tilespmem:v7+s21+$0x0], $0xffff;
	v4 =	vadd.s32 $0x140, v4;
	[tilespmem:s15+$0x6670] =	vst v11  }
0x209: {  	v5 =	vld.idx.msk [tilespmem:v5+s21+$0x0], $0xffff  }
0x20a: {  	v10 =	vld.idx.msk [tilespmem:v16+s21+$0x0], $0xffff;
	[tilespmem:s30+$0x6670] =	vst v2  }
0x20b: {  	[tilespmem:s22+$0x6670] =	vst v6;
	v2 =	vld.idx.msk [tilespmem:v9+s21+$0x0], $0xffff  }
0x20c: {  	v3 =	vld.idx.msk [tilespmem:v3+s21+$0x0], $0xffff;
	[tilespmem:s26+$0x6670] =	vst v8  }
0x20d: {  	[tilespmem:s7+$0x8670] =	vst v1;
	v4 =	vld.idx.msk [tilespmem:v4+s21+$0x0], $0xffff  }
0x20e: {  	[tilespmem:s15+$0x8670] =	vst v5  }
0x20f: {  	[tilespmem:s2+$0x8670] =	vst v10  }
0x210: {  	s18 =	sor.u32 s8, s0;
	[tilespmem:s30+$0x8670] =	vst v2  }
0x211: {  	s1 =	sshrl.u32 s18, $0x3;
	[tilespmem:s22+$0x8670] =	vst v3  }
0x212: {  	s1 =	sadd.s32 s6, s1;
	s23 =	simm.s32 $0x4600;
	s24 =	sor.u32 s10, s0;
	[tilespmem:s26+$0x8670] =	vst v4  }
0x213: {  	[hbm4b:s1+s5] =	stream.linear.scatter [tilespmem:s23], [sflag:$0x3], $0x2000, $0x38;
	[tilespmem:$0x10600] =	vst v63  }
0x214: {  	s1 =	sshrl.u32 s24, $0x3  }
0x215: {  	s3 =	sor.u32 s11, s0;
	s26 =	simm.s32 $0x6600;
	s1 =	sadd.s32 s6, s1  }
0x216: {  	[hbm4b:s1+s5] =	stream.linear.scatter [tilespmem:s26], [sflag:$0x3], $0x2000, $0x38;
	[tilespmem:$0x10600] =	vst v63  }
0x217: {  	s1 =	sshrl.u32 s3, $0x3  }
0x218: {  	s4 =	simm.s32 $0x8600;
	s1 =	sadd.s32 s6, s1  }
0x219: {  	[hbm4b:s1+s5] =	stream.linear.scatter [tilespmem:s4], [sflag:$0x3], $0x2000, $0x38;
	[tilespmem:$0x10600] =	vst v63  }
0x21a: {  	p0 =	seq.s32 s31, $0x3;
	s1 =	rddreg [dreg:$0x7]  }
0x21b: {  	p1 =	seq.s32 @!p0 s31, $0x0;
	s1 =	sadd.s32 @!p0 s0, s1  }
0x21c: {  	p1 =	por p0, !p1;
	s2 =	rddreg [dreg:$0x0];
	s1 =	sshrl.u32 @!p0 s1, $0x3  }
0x21d: {  	s3 =	simm.s32 @!p0 $0x600;
	s1 =	sadd.s32 @!p0 s2, s1;
	s2 =	simm.s32 @!p0 $0x0  }
0x21e: {  	[tilespmem:s3], [sflag:$0x1] =	stream.linear.gather @!p0 [hbm4b:s1+s2], $0x2000, $0x38;
	[tilespmem:$0x10600] =	vst v63  }
0x21f: {  	_ =	swait.ge @p1 [sflag:s19], $0x2000  }
0x220: {  	[sflag:s19] =	ssyncset.done @p1 $0x0  }
0x221: {  	[sflag:s19] =	ssyncadd.s32 @p1 $0xFFFFE000  }
0x222: {  	_ =	swait.ge @p1 [sflag:s19], $0x2000  }
0x223: {  	[sflag:s19] =	ssyncset.done @p1 $0x0  }
0x224: {  	[sflag:s19] =	ssyncadd.s32 @p1 $0xFFFFE000  }
0x225: {  	_ =	swait.ge @p1 [sflag:s19], $0x2000  }
0x226: {  	[sflag:s19] =	ssyncset.done @p1 $0x0  }
0x227: {  	[sflag:s19] =	ssyncadd.s32 @p1 $0xFFFFE000  }
0x228: {  	_ =	swait.ge [sflag:s25], $0x2000  }
0x229: {  	[sflag:s25] =	ssyncset.done $0x0  }
0x22a: {  	s24 =	simm.s32 $0x0;
	[sflag:s25] =	ssyncadd.s32 $0xFFFFE000  }
0x22b: {  	v1 =	vld [tilespmem:s24+$0x2600];
	_ =	sdelay $0x7  }
0x22c: {  	v2 =	vld.idx.msk [tilespmem:v1+s21+$0x0], $0xffff  }
0x22d: {  	s7 =	simm.s32 $0x0;
	v3 =	vadd.s32 $0xA0, v1  }
0x22e: {  	s9 =	sand.u32 $0x1000, s7;
	s12 =	sand.u32 $0xE00, s7  }
0x22f: {  	s1 =	sand.u32 $0x180, s7;
	s2 =	sor.u32 s12, s9  }
0x230: {  	s4 =	sor.u32 s1, s2  }
0x231: {  	[tilespmem:s4+$0xA600] =	vst v2  }
0x232: {  	v2 =	vld.idx.msk [tilespmem:v3+s21+$0x0], $0xffff  }
0x233: {  	v1 =	vadd.s32 $0x140, v1;
	_ =	sdelay $0x3  }
0x234: {  	[tilespmem:s4+$0xC600] =	vst v2  }
0x235: {  	v1 =	vld.idx.msk [tilespmem:v1+s21+$0x0], $0xffff;
	_ =	sdelay $0x4  }
0x236: {  	[tilespmem:s4+$0xE600] =	vst v1  }
0x237: {  	v1 =	vld [tilespmem:s24+$0x2610];
	_ =	sdelay $0x1  }
0x238: {  	s14 =	simm.s32 $0x80  }
0x239: {  	v2 =	vld [tilespmem:s14+$0x2600];
	_ =	sdelay $0x4  }
0x23a: {  	v3 =	vld.idx.msk [tilespmem:v1+s21+$0x0], $0xffff  }
0x23b: {  	v4 =	vadd.s32 $0xA0, v1;
	_ =	sdelay $0x1  }
0x23c: {  	v5 =	vld.idx.msk [tilespmem:v2+s21+$0x0], $0xffff  }
0x23d: {  	s13 =	simm.s32 $0x200;
	s15 =	simm.s32 $0x80;
	v6 =	vadd.s32 $0xA0, v2  }
0x23e: {  	s16 =	simm.s32 $0x10;
	s2 =	sand.u32 $0x1000, s15;
	s1 =	sand.u32 $0xE00, s13;
	[tilespmem:s4+$0xA610] =	vst v3  }
0x23f: {  	s3 =	sand.u32 $0x180, s16;
	s1 =	sor.u32 s1, s2;
	v3 =	vld.idx.msk [tilespmem:v4+s21+$0x0], $0xffff  }
0x240: {  	s3 =	sor.u32 s3, s1;
	v1 =	vadd.s32 $0x140, v1  }
0x241: {  	[tilespmem:s3+$0xA600] =	vst v5  }
0x242: {  	v4 =	vld.idx.msk [tilespmem:v6+s21+$0x0], $0xffff  }
0x243: {  	v2 =	vadd.s32 $0x140, v2  }
0x244: {  	[tilespmem:s4+$0xC610] =	vst v3  }
0x245: {  	v1 =	vld.idx.msk [tilespmem:v1+s21+$0x0], $0xffff;
	_ =	sdelay $0x1  }
0x246: {  	[tilespmem:s3+$0xC600] =	vst v4  }
0x247: {  	v2 =	vld.idx.msk [tilespmem:v2+s21+$0x0], $0xffff;
	_ =	sdelay $0x1  }
0x248: {  	[tilespmem:s4+$0xE610] =	vst v1  }
0x249: {  	v1 =	vld [tilespmem:s24+$0x2620];
	_ =	sdelay $0x1  }
0x24a: {  	[tilespmem:s3+$0xE600] =	vst v2  }
0x24b: {  	v2 =	vld [tilespmem:s14+$0x2610]  }
0x24c: {  	s15 =	simm.s32 $0x100  }
0x24d: {  	v3 =	vld [tilespmem:s15+$0x2600];
	_ =	sdelay $0x2  }
0x24e: {  	v4 =	vld.idx.msk [tilespmem:v1+s21+$0x0], $0xffff  }
0x24f: {  	v5 =	vadd.s32 $0xA0, v1;
	_ =	sdelay $0x1  }
0x250: {  	v6 =	vld.idx.msk [tilespmem:v2+s21+$0x0], $0xffff  }
0x251: {  	v8 =	vadd.s32 $0xA0, v2  }
0x252: {  	v7 =	vld.idx.msk [tilespmem:v3+s21+$0x0], $0xffff;
	[tilespmem:s4+$0xA620] =	vst v4  }
0x253: {  	s17 =	simm.s32 $0x400;
	s18 =	simm.s32 $0x100;
	v4 =	vadd.s32 $0xA0, v3;
	v5 =	vld.idx.msk [tilespmem:v5+s21+$0x0], $0xffff  }
0x254: {  	s22 =	simm.s32 $0x20;
	s2 =	sand.u32 $0x1000, s18;
	s1 =	sand.u32 $0xE00, s17;
	v1 =	vadd.s32 $0x140, v1  }
0x255: {  	s7 =	sand.u32 $0x180, s22;
	s1 =	sor.u32 s1, s2;
	[tilespmem:s3+$0xA610] =	vst v6  }
0x256: {  	s2 =	sor.u32 s7, s1;
	v6 =	vld.idx.msk [tilespmem:v8+s21+$0x0], $0xffff  }
0x257: {  	[tilespmem:s2+$0xA600] =	vst v7;
	v2 =	vadd.s32 $0x140, v2  }
0x258: {  	v4 =	vld.idx.msk [tilespmem:v4+s21+$0x0], $0xffff;
	[tilespmem:s4+$0xC620] =	vst v5  }
0x259: {  	v3 =	vadd.s32 $0x140, v3;
	v1 =	vld.idx.msk [tilespmem:v1+s21+$0x0], $0xffff;
	_ =	sdelay $0x1  }
0x25a: {  	[tilespmem:s3+$0xC610] =	vst v6  }
0x25b: {  	v2 =	vld.idx.msk [tilespmem:v2+s21+$0x0], $0xffff  }
0x25c: {  	[tilespmem:s2+$0xC600] =	vst v4  }
0x25d: {  	v3 =	vld.idx.msk [tilespmem:v3+s21+$0x0], $0xffff;
	[tilespmem:s4+$0xE620] =	vst v1  }
0x25e: {  	v1 =	vld [tilespmem:s24+$0x2630];
	_ =	sdelay $0x1  }
0x25f: {  	[tilespmem:s3+$0xE610] =	vst v2  }
0x260: {  	v2 =	vld [tilespmem:s14+$0x2620]  }
0x261: {  	[tilespmem:s2+$0xE600] =	vst v3  }
0x262: {  	v3 =	vld [tilespmem:s15+$0x2610]  }
0x263: {  	s9 =	simm.s32 $0x180  }
0x264: {  	v5 =	vld [tilespmem:s9+$0x2600]  }
0x265: {  	v4 =	vld.idx.msk [tilespmem:v1+s21+$0x0], $0xffff  }
0x266: {  	v6 =	vadd.s32 $0xA0, v1;
	_ =	sdelay $0x1  }
0x267: {  	v7 =	vld.idx.msk [tilespmem:v2+s21+$0x0], $0xffff;
	_ =	sdelay $0x1  }
0x268: {  	v9 =	vadd.s32 $0xA0, v2;
	v8 =	vld.idx.msk [tilespmem:v3+s21+$0x0], $0xffff;
	[tilespmem:s4+$0xA630] =	vst v4  }
0x269: {  	v4 =	vadd.s32 $0xA0, v3;
	v6 =	vld.idx.msk [tilespmem:v6+s21+$0x0], $0xffff  }
0x26a: {  	v10 =	vld.idx.msk [tilespmem:v5+s21+$0x0], $0xffff;
	v1 =	vadd.s32 $0x140, v1  }
0x26b: {  	s23 =	simm.s32 $0x600;
	s26 =	simm.s32 $0x180;
	[tilespmem:s3+$0xA620] =	vst v7;
	v7 =	vadd.s32 $0xA0, v5  }
0x26c: {  	s12 =	simm.s32 $0x30;
	s7 =	sand.u32 $0x1000, s26;
	s1 =	sand.u32 $0xE00, s23  }
0x26d: {  	s12 =	sand.u32 $0x180, s12;
	s1 =	sor.u32 s1, s7;
	[tilespmem:s2+$0xA610] =	vst v8;
	v8 =	vld.idx.msk [tilespmem:v9+s21+$0x0], $0xffff  }
0x26e: {  	s17 =	sor.u32 s12, s1;
	v2 =	vadd.s32 $0x140, v2;
	v4 =	vld.idx.msk [tilespmem:v4+s21+$0x0], $0xffff;
	[tilespmem:s4+$0xC630] =	vst v6  }
0x26f: {  	[tilespmem:s17+$0xA600] =	vst v10;
	v3 =	vadd.s32 $0x140, v3;
	v1 =	vld.idx.msk [tilespmem:v1+s21+$0x0], $0xffff  }
0x270: {  	v6 =	vld.idx.msk [tilespmem:v7+s21+$0x0], $0xffff  }
0x271: {  	v5 =	vadd.s32 $0x140, v5  }
0x272: {  	[tilespmem:s3+$0xC620] =	vst v8  }
0x273: {  	[tilespmem:s2+$0xC610] =	vst v4;
	v2 =	vld.idx.msk [tilespmem:v2+s21+$0x0], $0xffff  }
0x274: {  	v3 =	vld.idx.msk [tilespmem:v3+s21+$0x0], $0xffff;
	[tilespmem:s4+$0xE630] =	vst v1  }
0x275: {  	[tilespmem:s17+$0xC600] =	vst v6;
	v1 =	vld [tilespmem:s24+$0x2640]  }
0x276: {  	v4 =	vld.idx.msk [tilespmem:v5+s21+$0x0], $0xffff  }
0x277: {  	s18 =	simm.s32 $0x200  }
0x278: {  	v5 =	vld [tilespmem:s18+$0x2600];
	[tilespmem:s3+$0xE620] =	vst v2  }
0x279: {  	[tilespmem:s2+$0xE610] =	vst v3;
	v2 =	vld [tilespmem:s14+$0x2630]  }
0x27a: {  	v3 =	vld [tilespmem:s15+$0x2620]  }
0x27b: {  	[tilespmem:s17+$0xE600] =	vst v4  }
0x27c: {  	v6 =	vld [tilespmem:s9+$0x2610]  }
0x27d: {  	v4 =	vld.idx.msk [tilespmem:v1+s21+$0x0], $0xffff  }
0x27e: {  	v7 =	vadd.s32 $0xA0, v1;
	_ =	sdelay $0x1  }
0x27f: {  	v11 =	vld.idx.msk [tilespmem:v5+s21+$0x0], $0xffff  }
0x280: {  	v8 =	vld.idx.msk [tilespmem:v2+s21+$0x0], $0xffff  }
0x281: {  	v9 =	vadd.s32 $0xA0, v2;
	v10 =	vld.idx.msk [tilespmem:v3+s21+$0x0], $0xffff;
	[tilespmem:s4+$0xA640] =	vst v4  }
0x282: {  	v4 =	vld.idx.msk [tilespmem:v7+s21+$0x0], $0xffff;
	v7 =	vadd.s32 $0xA0, v3  }
0x283: {  	s13 =	simm.s32 $0x200;
	s12 =	simm.s32 $0x800;
	v12 =	vadd.s32 $0xA0, v5  }
0x284: {  	s16 =	simm.s32 $0x40;
	s7 =	sand.u32 $0x1000, s13;
	s1 =	sand.u32 $0xE00, s12;
	v1 =	vadd.s32 $0x140, v1;
	v13 =	vld.idx.msk [tilespmem:v6+s21+$0x0], $0xffff  }
0x285: {  	s12 =	sand.u32 $0x180, s16;
	s1 =	sor.u32 s1, s7;
	[tilespmem:s3+$0xA630] =	vst v8;
	v8 =	vadd.s32 $0xA0, v6  }
0x286: {  	s7 =	sor.u32 s12, s1;
	v9 =	vld.idx.msk [tilespmem:v9+s21+$0x0], $0xffff;
	[tilespmem:s2+$0xA620] =	vst v10  }
0x287: {  	v2 =	vadd.s32 $0x140, v2;
	[tilespmem:s7+$0xA600] =	vst v11;
	v7 =	vld.idx.msk [tilespmem:v7+s21+$0x0], $0xffff  }
0x288: {  	v3 =	vadd.s32 $0x140, v3;
	[tilespmem:s4+$0xC640] =	vst v4;
	v4 =	vld.idx.msk [tilespmem:v12+s21+$0x0], $0xffff  }
0x289: {  	v5 =	vadd.s32 $0x140, v5;
	[tilespmem:s17+$0xA610] =	vst v13;
	v1 =	vld.idx.msk [tilespmem:v1+s21+$0x0], $0xffff  }
0x28a: {  	v8 =	vld.idx.msk [tilespmem:v8+s21+$0x0], $0xffff  }
0x28b: {  	v6 =	vadd.s32 $0x140, v6;
	[tilespmem:s3+$0xC630] =	vst v9  }
0x28c: {  	v2 =	vld.idx.msk [tilespmem:v2+s21+$0x0], $0xffff;
	[tilespmem:s2+$0xC620] =	vst v7  }
0x28d: {  	[tilespmem:s7+$0xC600] =	vst v4;
	v3 =	vld.idx.msk [tilespmem:v3+s21+$0x0], $0xffff  }
0x28e: {  	[tilespmem:s4+$0xE640] =	vst v1;
	v4 =	vld.idx.msk [tilespmem:v5+s21+$0x0], $0xffff  }
0x28f: {  	v1 =	vld [tilespmem:s24+$0x2650];
	[tilespmem:s17+$0xC610] =	vst v8  }
0x290: {  	v5 =	vld.idx.msk [tilespmem:v6+s21+$0x0], $0xffff  }
0x291: {  	s16 =	simm.s32 $0x280  }
0x292: {  	v6 =	vld [tilespmem:s16+$0x2600];
	[tilespmem:s3+$0xE630] =	vst v2  }
0x293: {  	v2 =	vld [tilespmem:s14+$0x2640];
	[tilespmem:s2+$0xE620] =	vst v3  }
0x294: {  	v3 =	vld [tilespmem:s15+$0x2630]  }
0x295: {  	[tilespmem:s17+$0xE610] =	vst v5  }
0x296: {  	v7 =	vld [tilespmem:s9+$0x2620]  }
0x297: {  	[tilespmem:s7+$0xE600] =	vst v4;
	v5 =	vld.idx.msk [tilespmem:v1+s21+$0x0], $0xffff  }
0x298: {  	v4 =	vld [tilespmem:s18+$0x2610];
	v8 =	vadd.s32 $0xA0, v1;
	_ =	sdelay $0x1  }
0x299: {  	v12 =	vld.idx.msk [tilespmem:v6+s21+$0x0], $0xffff  }
0x29a: {  	v9 =	vld.idx.msk [tilespmem:v2+s21+$0x0], $0xffff  }
0x29b: {  	v10 =	vadd.s32 $0xA0, v2;
	v11 =	vld.idx.msk [tilespmem:v3+s21+$0x0], $0xffff;
	[tilespmem:s4+$0xA650] =	vst v5  }
0x29c: {  	v5 =	vld.idx.msk [tilespmem:v8+s21+$0x0], $0xffff;
	v8 =	vadd.s32 $0xA0, v3  }
0x29d: {  	s22 =	simm.s32 $0xA00;
	s23 =	simm.s32 $0x280;
	v14 =	vadd.s32 $0xA0, v6  }
0x29e: {  	s26 =	simm.s32 $0x50;
	s12 =	sand.u32 $0x1000, s23;
	s1 =	sand.u32 $0xE00, s22;
	v1 =	vadd.s32 $0x140, v1;
	v15 =	vld.idx.msk [tilespmem:v7+s21+$0x0], $0xffff  }
0x29f: {  	s13 =	sand.u32 $0x180, s26;
	s1 =	sor.u32 s1, s12;
	v16 =	vadd.s32 $0xA0, v7;
	v13 =	vld.idx.msk [tilespmem:v4+s21+$0x0], $0xffff;
	[tilespmem:s3+$0xA640] =	vst v9  }
0x2a0: {  	s30 =	sor.u32 s13, s1;
	v9 =	vadd.s32 $0xA0, v4;
	v10 =	vld.idx.msk [tilespmem:v10+s21+$0x0], $0xffff;
	[tilespmem:s2+$0xA630] =	vst v11  }
0x2a1: {  	v2 =	vadd.s32 $0x140, v2;
	[tilespmem:s30+$0xA600] =	vst v12;
	v8 =	vld.idx.msk [tilespmem:v8+s21+$0x0], $0xffff  }
0x2a2: {  	v3 =	vadd.s32 $0x140, v3;
	[tilespmem:s4+$0xC650] =	vst v5;
	v5 =	vld.idx.msk [tilespmem:v14+s21+$0x0], $0xffff  }
0x2a3: {  	v6 =	vadd.s32 $0x140, v6;
	v1 =	vld.idx.msk [tilespmem:v1+s21+$0x0], $0xffff;
	[tilespmem:s17+$0xA620] =	vst v15  }
0x2a4: {  	[tilespmem:s7+$0xA610] =	vst v13;
	v11 =	vld.idx.msk [tilespmem:v16+s21+$0x0], $0xffff  }
0x2a5: {  	v7 =	vadd.s32 $0x140, v7;
	v9 =	vld.idx.msk [tilespmem:v9+s21+$0x0], $0xffff;
	[tilespmem:s3+$0xC640] =	vst v10  }
0x2a6: {  	v4 =	vadd.s32 $0x140, v4;
	v2 =	vld.idx.msk [tilespmem:v2+s21+$0x0], $0xffff;
	[tilespmem:s2+$0xC630] =	vst v8  }
0x2a7: {  	[tilespmem:s30+$0xC600] =	vst v5;
	v3 =	vld.idx.msk [tilespmem:v3+s21+$0x0], $0xffff  }
0x2a8: {  	[tilespmem:s4+$0xE650] =	vst v1;
	v5 =	vld.idx.msk [tilespmem:v6+s21+$0x0], $0xffff  }
0x2a9: {  	v1 =	vld [tilespmem:s24+$0x2660];
	[tilespmem:s17+$0xC620] =	vst v11  }
0x2aa: {  	[tilespmem:s7+$0xC610] =	vst v9;
	v6 =	vld.idx.msk [tilespmem:v7+s21+$0x0], $0xffff  }
0x2ab: {  	v4 =	vld.idx.msk [tilespmem:v4+s21+$0x0], $0xffff;
	[tilespmem:s3+$0xE640] =	vst v2  }
0x2ac: {  	s23 =	simm.s32 $0x300;
	v2 =	vld [tilespmem:s14+$0x2650]  }
0x2ad: {  	v7 =	vld [tilespmem:s23+$0x2600];
	[tilespmem:s2+$0xE630] =	vst v3  }
0x2ae: {  	[tilespmem:s30+$0xE600] =	vst v5;
	v3 =	vld [tilespmem:s15+$0x2640]  }
0x2af: {  	v5 =	vld [tilespmem:s16+$0x2610];
	[tilespmem:s17+$0xE620] =	vst v6  }
0x2b0: {  	v8 =	vld [tilespmem:s9+$0x2630]  }
0x2b1: {  	v6 =	vld.idx.msk [tilespmem:v1+s21+$0x0], $0xffff  }
0x2b2: {  	[tilespmem:s7+$0xE610] =	vst v4;
	v4 =	vadd.s32 $0xA0, v1  }
0x2b3: {  	v9 =	vld [tilespmem:s18+$0x2620]  }
0x2b4: {  	v10 =	vld.idx.msk [tilespmem:v2+s21+$0x0], $0xffff  }
0x2b5: {  	v12 =	vadd.s32 $0xA0, v2;
	v11 =	vld.idx.msk [tilespmem:v7+s21+$0x0], $0xffff  }
0x2b6: {  	v13 =	vld.idx.msk [tilespmem:v3+s21+$0x0], $0xffff;
	[tilespmem:s4+$0xA660] =	vst v6  }
0x2b7: {  	v6 =	vadd.s32 $0xA0, v3;
	v4 =	vld.idx.msk [tilespmem:v4+s21+$0x0], $0xffff  }
0x2b8: {  	v1 =	vadd.s32 $0x140, v1;
	v14 =	vld.idx.msk [tilespmem:v5+s21+$0x0], $0xffff  }
0x2b9: {  	s22 =	simm.s32 $0x300;
	s13 =	simm.s32 $0xC00;
	v15 =	vld.idx.msk [tilespmem:v8+s21+$0x0], $0xffff;
	[tilespmem:s3+$0xA650] =	vst v10;
	v10 =	vadd.s32 $0xA0, v7  }
0x2ba: {  	s26 =	simm.s32 $0x60;
	s12 =	sand.u32 $0x1000, s22;
	s1 =	sand.u32 $0xE00, s13;
	v16 =	vadd.s32 $0xA0, v8;
	v12 =	vld.idx.msk [tilespmem:v12+s21+$0x0], $0xffff  }
0x2bb: {  	s13 =	sand.u32 $0x180, s26;
	s1 =	sor.u32 s1, s12;
	v2 =	vadd.s32 $0x140, v2;
	v17 =	vld.idx.msk [tilespmem:v9+s21+$0x0], $0xffff;
	[tilespmem:s2+$0xA640] =	vst v13  }
0x2bc: {  	s22 =	sor.u32 s13, s1;
	v13 =	vadd.s32 $0xA0, v5;
	v6 =	vld.idx.msk [tilespmem:v6+s21+$0x0], $0xffff;
	[tilespmem:s4+$0xC660] =	vst v4  }
0x2bd: {  	[tilespmem:s22+$0xA600] =	vst v11;
	v4 =	vadd.s32 $0xA0, v9;
	v1 =	vld.idx.msk [tilespmem:v1+s21+$0x0], $0xffff  }
0x2be: {  	v3 =	vadd.s32 $0x140, v3;
	[tilespmem:s17+$0xA630] =	vst v15;
	v10 =	vld.idx.msk [tilespmem:v10+s21+$0x0], $0xffff  }
0x2bf: {  	v11 =	vld.idx.msk [tilespmem:v16+s21+$0x0], $0xffff;
	[tilespmem:s3+$0xC650] =	vst v12  }
0x2c0: {  	v7 =	vadd.s32 $0x140, v7;
	[tilespmem:s30+$0xA610] =	vst v14;
	v2 =	vld.idx.msk [tilespmem:v2+s21+$0x0], $0xffff  }
0x2c1: {  	v8 =	vadd.s32 $0x140, v8;
	[tilespmem:s7+$0xA620] =	vst v17;
	v12 =	vld.idx.msk [tilespmem:v13+s21+$0x0], $0xffff  }
0x2c2: {  	v4 =	vld.idx.msk [tilespmem:v4+s21+$0x0], $0xffff;
	[tilespmem:s2+$0xC640] =	vst v6  }
0x2c3: {  	v3 =	vld.idx.msk [tilespmem:v3+s21+$0x0], $0xffff;
	[tilespmem:s4+$0xE660] =	vst v1  }
0x2c4: {  	v5 =	vadd.s32 $0x140, v5;
	[tilespmem:s22+$0xC600] =	vst v10;
	v14 =	vld [tilespmem:s24+$0x2670]  }
0x2c5: {  	v1 =	vadd.s32 $0x140, v9;
	[tilespmem:s17+$0xC630] =	vst v11;
	v6 =	vld.idx.msk [tilespmem:v7+s21+$0x0], $0xffff  }
0x2c6: {  	v7 =	vld.idx.msk [tilespmem:v8+s21+$0x0], $0xffff;
	[tilespmem:s3+$0xE650] =	vst v2  }
0x2c7: {  	s24 =	simm.s32 $0x380;
	v8 =	vld [tilespmem:s14+$0x2660]  }
0x2c8: {  	v13 =	vld [tilespmem:s24+$0x2600];
	[tilespmem:s30+$0xC610] =	vst v12  }
0x2c9: {  	v2 =	vld.idx.msk [tilespmem:v5+s21+$0x0], $0xffff;
	[tilespmem:s7+$0xC620] =	vst v4  }
0x2ca: {  	v1 =	vld.idx.msk [tilespmem:v1+s21+$0x0], $0xffff;
	[tilespmem:s2+$0xE640] =	vst v3  }
0x2cb: {  	v3 =	vld [tilespmem:s15+$0x2650];
	[tilespmem:s17+$0xE630] =	vst v7  }
0x2cc: {  	[tilespmem:s22+$0xE600] =	vst v6;
	v4 =	vld [tilespmem:s9+$0x2640]  }
0x2cd: {  	v11 =	vld [tilespmem:s23+$0x2610]  }
0x2ce: {  	v5 =	vld.idx.msk [tilespmem:v14+s21+$0x0], $0xffff  }
0x2cf: {  	v7 =	vadd.s32 $0xA0, v14;
	[tilespmem:s7+$0xE620] =	vst v1;
	v12 =	vld.idx.msk [tilespmem:v8+s21+$0x0], $0xffff  }
0x2d0: {  	[tilespmem:s30+$0xE610] =	vst v2;
	v2 =	vadd.s32 $0xA0, v8;
	v6 =	vld [tilespmem:s18+$0x2630]  }
0x2d1: {  	v10 =	vld [tilespmem:s16+$0x2620]  }
0x2d2: {  	v15 =	vld.idx.msk [tilespmem:v13+s21+$0x0], $0xffff  }
0x2d3: {  	v17 =	vld.idx.msk [tilespmem:v3+s21+$0x0], $0xffff;
	[tilespmem:s4+$0xA670] =	vst v5  }
0x2d4: {  	v1 =	vld.idx.msk [tilespmem:v7+s21+$0x0], $0xffff;
	v7 =	vadd.s32 $0xA0, v3;
	[tilespmem:s3+$0xA660] =	vst v12  }
0x2d5: {  	v5 =	vld.idx.msk [tilespmem:v2+s21+$0x0], $0xffff;
	v2 =	vadd.s32 $0x140, v14  }
0x2d6: {  	s28 =	simm.s32 $0x380;
	s26 =	simm.s32 $0xE00;
	v9 =	vld.idx.msk [tilespmem:v4+s21+$0x0], $0xffff  }
0x2d7: {  	s12 =	sand.u32 $0x1000, s28;
	s29 =	sand.u32 $0xE00, s26;
	s13 =	simm.s32 $0x70;
	v16 =	vld.idx.msk [tilespmem:v11+s21+$0x0], $0xffff;
	v12 =	vadd.s32 $0xA0, v4  }
0x2d8: {  	s1 =	sor.u32 s29, s12;
	s29 =	simm.s32 $0x80;
	s13 =	sand.u32 $0x180, s13;
	v8 =	vadd.s32 $0x140, v8;
	v14 =	vld.idx.msk [tilespmem:v6+s21+$0x0], $0xffff;
	[tilespmem:s2+$0xA650] =	vst v17  }
.LBB2_5:
0x2d9: {  	p1 =	sne.s32 s29, $0x3F0;
	s1 =	sor.u32 s13, s1;
	v17 =	vadd.s32 $0xA0, v13;
	v7 =	vld.idx.msk [tilespmem:v7+s21+$0x0], $0xffff;
	[tilespmem:s4+$0xC670] =	vst v1  }
0x2da: {  	v1 =	vadd.s32 $0xA0, v6;
	[tilespmem:s1+$0xA600] =	vst v15;
	v2 =	vld.idx.msk [tilespmem:v2+s21+$0x0], $0xffff  }
0x2db: {  	v3 =	vadd.s32 $0x140, v3;
	v15 =	vld.idx.msk [tilespmem:v10+s21+$0x0], $0xffff;
	[tilespmem:s17+$0xA640] =	vst v9  }
0x2dc: {  	v9 =	vadd.s32 $0xA0, v11;
	v12 =	vld.idx.msk [tilespmem:v12+s21+$0x0], $0xffff;
	[tilespmem:s3+$0xC660] =	vst v5  }
0x2dd: {  	v5 =	vadd.s32 $0xA0, v10;
	[tilespmem:s22+$0xA610] =	vst v16;
	v8 =	vld.idx.msk [tilespmem:v8+s21+$0x0], $0xffff  }
0x2de: {  	v4 =	vadd.s32 $0x140, v4;
	v16 =	vld.idx.msk [tilespmem:v17+s21+$0x0], $0xffff;
	[tilespmem:s7+$0xA630] =	vst v14  }
0x2df: {  	v1 =	vld.idx.msk [tilespmem:v1+s21+$0x0], $0xffff;
	[tilespmem:s2+$0xC650] =	vst v7  }
0x2e0: {  	v7 =	vadd.s32 $0x140, v13;
	v3 =	vld.idx.msk [tilespmem:v3+s21+$0x0], $0xffff;
	[tilespmem:s4+$0xE670] =	vst v2;
	s4 =	smov.u32 s3;
	s3 =	smov.u32 s2;
	s2 =	smov.u32 s17  }
0x2e1: {  	v6 =	vadd.s32 $0x140, v6;
	s17 =	smov.u32 s7;
	s7 =	smov.u32 s30;
	v2 =	vld.idx.msk [tilespmem:v9+s21+$0x0], $0xffff;
	[tilespmem:s30+$0xA620] =	vst v15;
	s30 =	smov.u32 s22  }
0x2e2: {  	s22 =	smov.u32 s1;
	v5 =	vld.idx.msk [tilespmem:v5+s21+$0x0], $0xffff;
	[tilespmem:s2+$0xC640] =	vst v12  }
0x2e3: {  	v9 =	vadd.s32 $0x140, v11;
	v4 =	vld.idx.msk [tilespmem:v4+s21+$0x0], $0xffff;
	[tilespmem:s4+$0xE660] =	vst v8  }
0x2e4: {  	v8 =	vadd.s32 $0x140, v10;
	[tilespmem:s22+$0xC600] =	vst v16;
	v12 =	vld [tilespmem:s14+$0x2670];
	s14 =	smov.u32 s15;
	s15 =	smov.u32 s9;
	s9 =	smov.u32 s18  }
0x2e5: {  	s18 =	smov.u32 s16;
	s16 =	smov.u32 s23;
	s23 =	smov.u32 s24;
	v7 =	vld.idx.msk [tilespmem:v7+s21+$0x0], $0xffff;
	[tilespmem:s17+$0xC630] =	vst v1  }
0x2e6: {  	v1 =	vld.idx.msk [tilespmem:v6+s21+$0x0], $0xffff;
	[tilespmem:s3+$0xE650] =	vst v3  }
0x2e7: {  	[tilespmem:s30+$0xC610] =	vst v2;
	v17 =	vld [tilespmem:s14+$0x2660]  }
0x2e8: {  	v2 =	vld.idx.msk [tilespmem:v9+s21+$0x0], $0xffff;
	[tilespmem:s7+$0xC620] =	vst v5  }
0x2e9: {  	s26 =	sadd.s32 $0x200, s26;
	v5 =	vld.idx.msk [tilespmem:v8+s21+$0x0], $0xffff;
	[tilespmem:s2+$0xE640] =	vst v4  }
0x2ea: {  	s24 =	sshra.s32 s26, $0x2;
	v3 =	vld [tilespmem:s15+$0x2650]  }
0x2eb: {  	v13 =	vld [tilespmem:s24+$0x2600]  }
0x2ec: {  	[tilespmem:s17+$0xE630] =	vst v1;
	v1 =	vld.idx.msk [tilespmem:v12+s21+$0x0], $0xffff  }
0x2ed: {  	[tilespmem:s22+$0xE600] =	vst v7;
	v4 =	vld [tilespmem:s9+$0x2640]  }
0x2ee: {  	v7 =	vadd.s32 $0xA0, v12;
	v11 =	vld [tilespmem:s23+$0x2610]  }
0x2ef: {  	[tilespmem:s7+$0xE620] =	vst v5;
	v5 =	vld.idx.msk [tilespmem:v17+s21+$0x0], $0xffff  }
0x2f0: {  	[tilespmem:s30+$0xE610] =	vst v2;
	v6 =	vld [tilespmem:s18+$0x2630]  }
0x2f1: {  	v8 =	vadd.s32 $0xA0, v17;
	v10 =	vld [tilespmem:s16+$0x2620]  }
0x2f2: {  	v18 =	vld.idx.msk [tilespmem:v3+s21+$0x0], $0xffff;
	[tilespmem:s4+$0xA670] =	vst v1  }
0x2f3: {  	v1 =	vld.idx.msk [tilespmem:v7+s21+$0x0], $0xffff  }
.Ltmp3:
0x2f4: {  	v7 =	vadd.s32 $0xA0, v3;
	v15 =	vld.idx.msk [tilespmem:v13+s21+$0x0], $0xffff;
	(pc) =	sbr.rel @p1 .LBB2_5-.Ltmp3, $4  }
0x2f5: {  	v2 =	vadd.s32 $0x140, v12;
	v9 =	vld.idx.msk [tilespmem:v4+s21+$0x0], $0xffff;
	[tilespmem:s3+$0xA660] =	vst v5  }
0x2f6: {  	s28 =	sadd.s32 $0x80, s28;
	v5 =	vld.idx.msk [tilespmem:v8+s21+$0x0], $0xffff  }
0x2f7: {  	s12 =	sand.u32 $0xE00, s26;
	s1 =	sand.u32 $0x1000, s28;
	v12 =	vadd.s32 $0xA0, v4;
	v16 =	vld.idx.msk [tilespmem:v11+s21+$0x0], $0xffff  }
0x2f8: {  	s13 =	sand.u32 $0x180, s29;
	s29 =	sadd.s32 $0x10, s29;
	s1 =	sor.u32 s12, s1;
	v8 =	vadd.s32 $0x140, v17;
	v14 =	vld.idx.msk [tilespmem:v6+s21+$0x0], $0xffff;
	[tilespmem:s2+$0xA650] =	vst v18  }
0x2f9: {  	v17 =	vadd.s32 $0xA0, v13;
	_ =	sdelay $0x2  }
0x2fa: {  	s26 =	sor.u32 s13, s1  }
0x2fb: {  	[tilespmem:s26+$0xA600] =	vst v15  }
0x2fc: {  	v15 =	vld.idx.msk [tilespmem:v17+s21+$0x0], $0xffff  }
0x2fd: {  	v31 =	vadd.s32 $0x140, v13;
	_ =	sdelay $0x3  }
0x2fe: {  	[tilespmem:s26+$0xC600] =	vst v15  }
0x2ff: {  	v13 =	vld.idx.msk [tilespmem:v31+s21+$0x0], $0xffff;
	_ =	sdelay $0x4  }
0x300: {  	[tilespmem:s26+$0xE600] =	vst v13  }
0x301: {  	v13 =	vld [tilespmem:s24+$0x2610];
	_ =	sdelay $0x6  }
0x302: {  	v32 =	vadd.s32 $0xA0, v11  }
0x303: {  	v33 =	vld.idx.msk [tilespmem:v13+s21+$0x0], $0xffff  }
0x304: {  	v18 =	vadd.s32 $0xA0, v13;
	_ =	sdelay $0x1  }
0x305: {  	[tilespmem:s22+$0xA610] =	vst v16  }
0x306: {  	v15 =	vld.idx.msk [tilespmem:v32+s21+$0x0], $0xffff  }
0x307: {  	v34 =	vadd.s32 $0x140, v11;
	[tilespmem:s26+$0xA610] =	vst v33  }
0x308: {  	v35 =	vld.idx.msk [tilespmem:v18+s21+$0x0], $0xffff  }
0x309: {  	v13 =	vadd.s32 $0x140, v13;
	_ =	sdelay $0x1  }
0x30a: {  	[tilespmem:s22+$0xC610] =	vst v15  }
0x30b: {  	v11 =	vld.idx.msk [tilespmem:v34+s21+$0x0], $0xffff  }
0x30c: {  	[tilespmem:s26+$0xC610] =	vst v35  }
0x30d: {  	v13 =	vld.idx.msk [tilespmem:v13+s21+$0x0], $0xffff;
	_ =	sdelay $0x2  }
0x30e: {  	[tilespmem:s22+$0xE610] =	vst v11  }
0x30f: {  	v11 =	vld [tilespmem:s23+$0x2620]  }
0x310: {  	[tilespmem:s26+$0xE610] =	vst v13  }
0x311: {  	v13 =	vld [tilespmem:s24+$0x2620];
	_ =	sdelay $0x5  }
0x312: {  	v38 =	vld.idx.msk [tilespmem:v11+s21+$0x0], $0xffff  }
0x313: {  	v36 =	vld.idx.msk [tilespmem:v10+s21+$0x0], $0xffff;
	v39 =	vadd.s32 $0xA0, v11  }
0x314: {  	v37 =	vadd.s32 $0xA0, v10;
	v19 =	vld.idx.msk [tilespmem:v13+s21+$0x0], $0xffff  }
0x315: {  	v20 =	vadd.s32 $0xA0, v13;
	_ =	sdelay $0x1  }
0x316: {  	[tilespmem:s22+$0xA620] =	vst v38  }
0x317: {  	[tilespmem:s30+$0xA620] =	vst v36;
	v41 =	vld.idx.msk [tilespmem:v39+s21+$0x0], $0xffff  }
0x318: {  	v15 =	vld.idx.msk [tilespmem:v37+s21+$0x0], $0xffff;
	v11 =	vadd.s32 $0x140, v11;
	[tilespmem:s26+$0xA620] =	vst v19  }
0x319: {  	v40 =	vadd.s32 $0x140, v10;
	v42 =	vld.idx.msk [tilespmem:v20+s21+$0x0], $0xffff  }
0x31a: {  	v13 =	vadd.s32 $0x140, v13;
	_ =	sdelay $0x1  }
0x31b: {  	[tilespmem:s22+$0xC620] =	vst v41  }
0x31c: {  	[tilespmem:s30+$0xC620] =	vst v15;
	v11 =	vld.idx.msk [tilespmem:v11+s21+$0x0], $0xffff  }
0x31d: {  	v10 =	vld.idx.msk [tilespmem:v40+s21+$0x0], $0xffff;
	[tilespmem:s26+$0xC620] =	vst v42  }
0x31e: {  	v13 =	vld.idx.msk [tilespmem:v13+s21+$0x0], $0xffff;
	_ =	sdelay $0x2  }
0x31f: {  	[tilespmem:s22+$0xE620] =	vst v11  }
0x320: {  	[tilespmem:s30+$0xE620] =	vst v10;
	v11 =	vld [tilespmem:s23+$0x2630]  }
0x321: {  	v10 =	vld [tilespmem:s16+$0x2630];
	[tilespmem:s26+$0xE620] =	vst v13  }
0x322: {  	v13 =	vld [tilespmem:s24+$0x2630];
	_ =	sdelay $0x4  }
0x323: {  	v43 =	vadd.s32 $0xA0, v6  }
0x324: {  	v46 =	vld.idx.msk [tilespmem:v11+s21+$0x0], $0xffff  }
0x325: {  	v44 =	vld.idx.msk [tilespmem:v10+s21+$0x0], $0xffff;
	v47 =	vadd.s32 $0xA0, v11  }
0x326: {  	v45 =	vadd.s32 $0xA0, v10;
	v48 =	vld.idx.msk [tilespmem:v13+s21+$0x0], $0xffff  }
0x327: {  	[tilespmem:s7+$0xA630] =	vst v14;
	v21 =	vadd.s32 $0xA0, v13  }
0x328: {  	v14 =	vld.idx.msk [tilespmem:v43+s21+$0x0], $0xffff  }
0x329: {  	v49 =	vadd.s32 $0x140, v6;
	[tilespmem:s22+$0xA630] =	vst v46  }
0x32a: {  	[tilespmem:s30+$0xA630] =	vst v44;
	v51 =	vld.idx.msk [tilespmem:v47+s21+$0x0], $0xffff  }
0x32b: {  	v50 =	vld.idx.msk [tilespmem:v45+s21+$0x0], $0xffff;
	v11 =	vadd.s32 $0x140, v11;
	[tilespmem:s26+$0xA630] =	vst v48  }
0x32c: {  	v10 =	vadd.s32 $0x140, v10;
	v52 =	vld.idx.msk [tilespmem:v21+s21+$0x0], $0xffff  }
0x32d: {  	[tilespmem:s7+$0xC630] =	vst v14;
	v13 =	vadd.s32 $0x140, v13  }
0x32e: {  	v6 =	vld.idx.msk [tilespmem:v49+s21+$0x0], $0xffff  }
0x32f: {  	[tilespmem:s22+$0xC630] =	vst v51  }
0x330: {  	[tilespmem:s30+$0xC630] =	vst v50;
	v11 =	vld.idx.msk [tilespmem:v11+s21+$0x0], $0xffff  }
0x331: {  	v10 =	vld.idx.msk [tilespmem:v10+s21+$0x0], $0xffff;
	[tilespmem:s26+$0xC630] =	vst v52  }
0x332: {  	v13 =	vld.idx.msk [tilespmem:v13+s21+$0x0], $0xffff  }
0x333: {  	[tilespmem:s7+$0xE630] =	vst v6  }
0x334: {  	v6 =	vld [tilespmem:s18+$0x2640]  }
0x335: {  	[tilespmem:s22+$0xE630] =	vst v11  }
0x336: {  	[tilespmem:s30+$0xE630] =	vst v10;
	v11 =	vld [tilespmem:s23+$0x2640]  }
0x337: {  	v10 =	vld [tilespmem:s16+$0x2640];
	[tilespmem:s26+$0xE630] =	vst v13  }
0x338: {  	v13 =	vld [tilespmem:s24+$0x2640];
	_ =	sdelay $0x1  }
0x339: {  	[tilespmem:s17+$0xA640] =	vst v9  }
0x33a: {  	v12 =	vld.idx.msk [tilespmem:v12+s21+$0x0], $0xffff  }
0x33b: {  	v4 =	vadd.s32 $0x140, v4;
	v14 =	vld.idx.msk [tilespmem:v6+s21+$0x0], $0xffff  }
0x33c: {  	v53 =	vadd.s32 $0xA0, v6  }
0x33d: {  	v18 =	vld.idx.msk [tilespmem:v11+s21+$0x0], $0xffff  }
0x33e: {  	v54 =	vld.idx.msk [tilespmem:v10+s21+$0x0], $0xffff;
	v56 =	vadd.s32 $0xA0, v11  }
0x33f: {  	[tilespmem:s17+$0xC640] =	vst v12;
	v55 =	vadd.s32 $0xA0, v10;
	v20 =	vld.idx.msk [tilespmem:v13+s21+$0x0], $0xffff  }
0x340: {  	v4 =	vld.idx.msk [tilespmem:v4+s21+$0x0], $0xffff;
	[tilespmem:s7+$0xA640] =	vst v14;
	v57 =	vadd.s32 $0xA0, v13  }
0x341: {  	v14 =	vld.idx.msk [tilespmem:v53+s21+$0x0], $0xffff  }
0x342: {  	v6 =	vadd.s32 $0x140, v6;
	[tilespmem:s22+$0xA640] =	vst v18  }
0x343: {  	[tilespmem:s30+$0xA640] =	vst v54;
	v59 =	vld.idx.msk [tilespmem:v56+s21+$0x0], $0xffff  }
0x344: {  	v58 =	vld.idx.msk [tilespmem:v55+s21+$0x0], $0xffff;
	v11 =	vadd.s32 $0x140, v11;
	[tilespmem:s26+$0xA640] =	vst v20  }
0x345: {  	[tilespmem:s17+$0xE640] =	vst v4;
	v10 =	vadd.s32 $0x140, v10;
	v9 =	vld.idx.msk [tilespmem:v57+s21+$0x0], $0xffff  }
0x346: {  	v4 =	vld [tilespmem:s9+$0x2650];
	[tilespmem:s7+$0xC640] =	vst v14;
	v60 =	vadd.s32 $0x140, v13  }
0x347: {  	v6 =	vld.idx.msk [tilespmem:v6+s21+$0x0], $0xffff  }
0x348: {  	[tilespmem:s22+$0xC640] =	vst v59  }
0x349: {  	[tilespmem:s30+$0xC640] =	vst v58;
	v11 =	vld.idx.msk [tilespmem:v11+s21+$0x0], $0xffff  }
0x34a: {  	v10 =	vld.idx.msk [tilespmem:v10+s21+$0x0], $0xffff;
	[tilespmem:s26+$0xC640] =	vst v9  }
0x34b: {  	v9 =	vld.idx.msk [tilespmem:v60+s21+$0x0], $0xffff  }
0x34c: {  	v7 =	vld.idx.msk [tilespmem:v7+s21+$0x0], $0xffff;
	[tilespmem:s7+$0xE640] =	vst v6  }
0x34d: {  	v6 =	vld [tilespmem:s18+$0x2650]  }
0x34e: {  	v61 =	vld.idx.msk [tilespmem:v4+s21+$0x0], $0xffff;
	[tilespmem:s22+$0xE640] =	vst v11  }
0x34f: {  	v62 =	vadd.s32 $0xA0, v4;
	[tilespmem:s30+$0xE640] =	vst v10;
	v11 =	vld [tilespmem:s23+$0x2650]  }
0x350: {  	v10 =	vld [tilespmem:s16+$0x2650];
	[tilespmem:s26+$0xE640] =	vst v9  }
0x351: {  	v3 =	vadd.s32 $0x140, v3;
	v9 =	vld [tilespmem:s24+$0x2650]  }
0x352: {  	[tilespmem:s3+$0xC660] =	vst v5  }
0x353: {  	v5 =	vld.idx.msk [tilespmem:v8+s21+$0x0], $0xffff;
	[tilespmem:s17+$0xA650] =	vst v61  }
0x354: {  	v8 =	vld.idx.msk [tilespmem:v62+s21+$0x0], $0xffff  }
0x355: {  	[tilespmem:s2+$0xC650] =	vst v7;
	v4 =	vadd.s32 $0x140, v4;
	v63 =	vld.idx.msk [tilespmem:v6+s21+$0x0], $0xffff  }
0x356: {  	v3 =	vld.idx.msk [tilespmem:v3+s21+$0x0], $0xffff;
	v21 =	vadd.s32 $0xA0, v6  }
0x357: {  	v16 =	vld.idx.msk [tilespmem:v11+s21+$0x0], $0xffff  }
0x358: {  	[tilespmem:s3+$0xE660] =	vst v5;
	v22 =	vld.idx.msk [tilespmem:v10+s21+$0x0], $0xffff;
	v24 =	vadd.s32 $0xA0, v11  }
0x359: {  	[tilespmem:s17+$0xC650] =	vst v8;
	v23 =	vadd.s32 $0xA0, v10;
	v25 =	vld.idx.msk [tilespmem:v9+s21+$0x0], $0xffff  }
0x35a: {  	v4 =	vld.idx.msk [tilespmem:v4+s21+$0x0], $0xffff;
	[tilespmem:s7+$0xA650] =	vst v63;
	v27 =	vadd.s32 $0xA0, v9  }
0x35b: {  	[tilespmem:s2+$0xE650] =	vst v3;
	v12 =	vld.idx.msk [tilespmem:v21+s21+$0x0], $0xffff  }
0x35c: {  	v29 =	vld [tilespmem:s15+$0x2660];
	v6 =	vadd.s32 $0x140, v6;
	[tilespmem:s22+$0xA650] =	vst v16  }
0x35d: {  	[tilespmem:s30+$0xA650] =	vst v22;
	v5 =	vld.idx.msk [tilespmem:v24+s21+$0x0], $0xffff  }
0x35e: {  	v28 =	vld.idx.msk [tilespmem:v23+s21+$0x0], $0xffff;
	v3 =	vadd.s32 $0x140, v11;
	[tilespmem:s26+$0xA650] =	vst v25  }
0x35f: {  	[tilespmem:s17+$0xE650] =	vst v4;
	v10 =	vadd.s32 $0x140, v10;
	v7 =	vld.idx.msk [tilespmem:v27+s21+$0x0], $0xffff  }
0x360: {  	v4 =	vld [tilespmem:s9+$0x2660];
	[tilespmem:s7+$0xC650] =	vst v12;
	v30 =	vadd.s32 $0x140, v9  }
0x361: {  	v6 =	vld.idx.msk [tilespmem:v6+s21+$0x0], $0xffff  }
0x362: {  	[tilespmem:s22+$0xC650] =	vst v5  }
0x363: {  	[tilespmem:s30+$0xC650] =	vst v28;
	v3 =	vld.idx.msk [tilespmem:v3+s21+$0x0], $0xffff  }
0x364: {  	v31 =	vld.idx.msk [tilespmem:v10+s21+$0x0], $0xffff;
	[tilespmem:s26+$0xC650] =	vst v7  }
0x365: {  	v32 =	vld.idx.msk [tilespmem:v30+s21+$0x0], $0xffff  }
0x366: {  	v35 =	vld.idx.msk [tilespmem:v29+s21+$0x0], $0xffff;
	[tilespmem:s7+$0xE650] =	vst v6  }
0x367: {  	v6 =	vld [tilespmem:s18+$0x2660]  }
0x368: {  	v37 =	vld.idx.msk [tilespmem:v4+s21+$0x0], $0xffff;
	[tilespmem:s22+$0xE650] =	vst v3  }
0x369: {  	v38 =	vadd.s32 $0xA0, v4;
	[tilespmem:s30+$0xE650] =	vst v31;
	v3 =	vld [tilespmem:s23+$0x2660]  }
0x36a: {  	v9 =	vld [tilespmem:s16+$0x2660];
	[tilespmem:s26+$0xE650] =	vst v32  }
0x36b: {  	[tilespmem:s4+$0xC670] =	vst v1;
	v36 =	vadd.s32 $0xA0, v29;
	v5 =	vld [tilespmem:s24+$0x2660]  }
0x36c: {  	v2 =	vld.idx.msk [tilespmem:v2+s21+$0x0], $0xffff  }
0x36d: {  	v26 =	vld [tilespmem:s14+$0x2670];
	[tilespmem:s17+$0xA660] =	vst v37  }
0x36e: {  	v13 =	vld.idx.msk [tilespmem:v38+s21+$0x0], $0xffff  }
0x36f: {  	[tilespmem:s2+$0xA660] =	vst v35;
	v4 =	vadd.s32 $0x140, v4;
	v39 =	vld.idx.msk [tilespmem:v6+s21+$0x0], $0xffff  }
0x370: {  	v8 =	vld.idx.msk [tilespmem:v36+s21+$0x0], $0xffff;
	v40 =	vadd.s32 $0xA0, v6  }
0x371: {  	v11 =	vadd.s32 $0x140, v29;
	v43 =	vld.idx.msk [tilespmem:v3+s21+$0x0], $0xffff  }
0x372: {  	v44 =	vadd.s32 $0xA0, v3;
	v41 =	vld.idx.msk [tilespmem:v9+s21+$0x0], $0xffff  }
0x373: {  	[tilespmem:s17+$0xC660] =	vst v13;
	v42 =	vadd.s32 $0xA0, v9;
	v20 =	vld.idx.msk [tilespmem:v5+s21+$0x0], $0xffff  }
0x374: {  	v4 =	vld.idx.msk [tilespmem:v4+s21+$0x0], $0xffff;
	[tilespmem:s7+$0xA660] =	vst v39;
	v45 =	vadd.s32 $0xA0, v5  }
0x375: {  	[tilespmem:s2+$0xC660] =	vst v8;
	v14 =	vld.idx.msk [tilespmem:v40+s21+$0x0], $0xffff  }
0x376: {  	v6 =	vadd.s32 $0x140, v6;
	v11 =	vld.idx.msk [tilespmem:v11+s21+$0x0], $0xffff;
	[tilespmem:s22+$0xA660] =	vst v43  }
0x377: {  	v10 =	vld.idx.msk [tilespmem:v44+s21+$0x0], $0xffff;
	[tilespmem:s30+$0xA660] =	vst v41  }
0x378: {  	v3 =	vadd.s32 $0x140, v3;
	v46 =	vld.idx.msk [tilespmem:v42+s21+$0x0], $0xffff;
	[tilespmem:s26+$0xA660] =	vst v20  }
0x379: {  	[tilespmem:s17+$0xE660] =	vst v4;
	v9 =	vadd.s32 $0x140, v9;
	v47 =	vld.idx.msk [tilespmem:v45+s21+$0x0], $0xffff  }
0x37a: {  	v4 =	vld [tilespmem:s9+$0x2670];
	[tilespmem:s7+$0xC660] =	vst v14;
	v5 =	vadd.s32 $0x140, v5  }
0x37b: {  	[tilespmem:s2+$0xE660] =	vst v11;
	v6 =	vld.idx.msk [tilespmem:v6+s21+$0x0], $0xffff  }
0x37c: {  	v48 =	vld [tilespmem:s15+$0x2670];
	[tilespmem:s22+$0xC660] =	vst v10  }
0x37d: {  	v3 =	vld.idx.msk [tilespmem:v3+s21+$0x0], $0xffff;
	[tilespmem:s30+$0xC660] =	vst v46  }
0x37e: {  	v9 =	vld.idx.msk [tilespmem:v9+s21+$0x0], $0xffff;
	[tilespmem:s26+$0xC660] =	vst v47  }
0x37f: {  	v5 =	vld.idx.msk [tilespmem:v5+s21+$0x0], $0xffff  }
0x380: {  	v33 =	vld.idx.msk [tilespmem:v26+s21+$0x0], $0xffff;
	[tilespmem:s7+$0xE660] =	vst v6  }
0x381: {  	v50 =	vld [tilespmem:s18+$0x2670]  }
0x382: {  	v54 =	vld.idx.msk [tilespmem:v4+s21+$0x0], $0xffff;
	[tilespmem:s22+$0xE660] =	vst v3  }
0x383: {  	v55 =	vadd.s32 $0xA0, v4;
	v3 =	vld [tilespmem:s23+$0x2670];
	[tilespmem:s30+$0xE660] =	vst v9  }
0x384: {  	v9 =	vld [tilespmem:s16+$0x2670];
	[tilespmem:s26+$0xE660] =	vst v5  }
0x385: {  	v34 =	vadd.s32 $0xA0, v26;
	v1 =	vld [tilespmem:s24+$0x2670];
	_ =	sdelay $0x1  }
0x386: {  	v52 =	vld.idx.msk [tilespmem:v48+s21+$0x0], $0xffff;
	[tilespmem:s17+$0xA670] =	vst v54  }
0x387: {  	v12 =	vld.idx.msk [tilespmem:v55+s21+$0x0], $0xffff  }
0x388: {  	[tilespmem:s3+$0xA670] =	vst v33;
	v4 =	vadd.s32 $0x140, v4;
	v56 =	vld.idx.msk [tilespmem:v50+s21+$0x0], $0xffff  }
0x389: {  	[tilespmem:s4+$0xE670] =	vst v2;
	v2 =	vadd.s32 $0xA0, v50;
	v7 =	vld.idx.msk [tilespmem:v34+s21+$0x0], $0xffff  }
0x38a: {  	v53 =	vadd.s32 $0xA0, v48;
	v59 =	vld.idx.msk [tilespmem:v3+s21+$0x0], $0xffff  }
0x38b: {  	[tilespmem:s2+$0xA670] =	vst v52;
	v60 =	vadd.s32 $0xA0, v3;
	v57 =	vld.idx.msk [tilespmem:v9+s21+$0x0], $0xffff  }
0x38c: {  	[tilespmem:s17+$0xC670] =	vst v12;
	v58 =	vadd.s32 $0xA0, v9;
	v61 =	vld.idx.msk [tilespmem:v1+s21+$0x0], $0xffff  }
0x38d: {  	v4 =	vld.idx.msk [tilespmem:v4+s21+$0x0], $0xffff;
	[tilespmem:s7+$0xA670] =	vst v56;
	v62 =	vadd.s32 $0xA0, v1  }
0x38e: {  	v49 =	vadd.s32 $0x140, v26;
	v2 =	vld.idx.msk [tilespmem:v2+s21+$0x0], $0xffff;
	[tilespmem:s3+$0xC670] =	vst v7  }
0x38f: {  	v7 =	vld.idx.msk [tilespmem:v53+s21+$0x0], $0xffff;
	v10 =	vadd.s32 $0x140, v50;
	[tilespmem:s22+$0xA670] =	vst v59  }
0x390: {  	v8 =	vadd.s32 $0x140, v48;
	v6 =	vld.idx.msk [tilespmem:v60+s21+$0x0], $0xffff;
	[tilespmem:s30+$0xA670] =	vst v57  }
0x391: {  	v3 =	vadd.s32 $0x140, v3;
	v5 =	vld.idx.msk [tilespmem:v58+s21+$0x0], $0xffff;
	[tilespmem:s26+$0xA670] =	vst v61  }
0x392: {  	[tilespmem:s17+$0xE670] =	vst v4;
	v9 =	vadd.s32 $0x140, v9;
	v63 =	vld.idx.msk [tilespmem:v62+s21+$0x0], $0xffff  }
0x393: {  	[tilespmem:s7+$0xC670] =	vst v2;
	v51 =	vld.idx.msk [tilespmem:v49+s21+$0x0], $0xffff;
	v1 =	vadd.s32 $0x140, v1  }
0x394: {  	[tilespmem:s2+$0xC670] =	vst v7;
	v2 =	vld.idx.msk [tilespmem:v10+s21+$0x0], $0xffff  }
0x395: {  	v8 =	vld.idx.msk [tilespmem:v8+s21+$0x0], $0xffff;
	[tilespmem:s22+$0xC670] =	vst v6  }
0x396: {  	v3 =	vld.idx.msk [tilespmem:v3+s21+$0x0], $0xffff;
	[tilespmem:s30+$0xC670] =	vst v5  }
0x397: {  	v5 =	vld.idx.msk [tilespmem:v9+s21+$0x0], $0xffff;
	[tilespmem:s26+$0xC670] =	vst v63  }
0x398: {  	[tilespmem:s3+$0xE670] =	vst v51;
	v1 =	vld.idx.msk [tilespmem:v1+s21+$0x0], $0xffff  }
0x399: {  	[tilespmem:s7+$0xE670] =	vst v2  }
0x39a: {  	s23 =	sor.u32 $0x2000, s0;
	[tilespmem:s2+$0xE670] =	vst v8  }
0x39b: {  	s24 =	sor.u32 s8, s23;
	[tilespmem:s22+$0xE670] =	vst v3  }
0x39c: {  	s2 =	sshrl.u32 s24, $0x3;
	[tilespmem:s30+$0xE670] =	vst v5  }
0x39d: {  	s28 =	sor.u32 s10, s23;
	s2 =	sadd.s32 s6, s2;
	[tilespmem:s26+$0xE670] =	vst v1;
	s26 =	simm.s32 $0xA600  }
0x39e: {  	[hbm4b:s2+s5] =	stream.linear.scatter [tilespmem:s26], [sflag:$0x4], $0x2000, $0x38;
	[tilespmem:$0x10600] =	vst v63  }
.Ltmp4:
0x39f: {  	s1 =	sor.u32 s11, s23;
	s2 =	sshrl.u32 s28, $0x3;
	(pc) =	sbr.rel @p0 .LBB2_8-.Ltmp4, $4  }
0x3a0: {  	s29 =	simm.s32 $0xC600;
	s1 =	sshrl.u32 s1, $0x3;
	s2 =	sadd.s32 s6, s2  }
0x3a1: {  	[hbm4b:s2+s5] =	stream.linear.scatter [tilespmem:s29], [sflag:$0x4], $0x2000, $0x38;
	[tilespmem:$0x10600] =	vst v63  }
0x3a2: {  	s1 =	sadd.s32 s6, s1;
	s30 =	simm.s32 $0xE600  }
0x3a3: {  	[hbm4b:s1+s5] =	stream.linear.scatter [tilespmem:s30], [sflag:$0x4], $0x2000, $0x38;
	[tilespmem:$0x10600] =	vst v63  }
.Ltmp5:
0x3a4: {  	s1 =	rddreg [dreg:$0x8];
	(pc) =	sbr.rel .LBB2_2-.Ltmp5, $4  }
0x3a5: {  	s0 =	sadd.s32 s0, s1  }
0x3a6: {  	s29 =	rddreg [dreg:$0x0];
	s0 =	sshrl.u32 s0, $0x3  }
0x3a7: {  	s30 =	simm.s32 $0x2600;
	s31 =	sadd.s32 $0x1, s31;
	s0 =	sadd.s32 s29, s0  }
0x3a8: {  	[tilespmem:s30], [sflag:$0x2] =	stream.linear.gather [hbm4b:s0+s5], $0x2000, $0x38;
	[tilespmem:$0x10600] =	vst v63  }
.LBB2_9:
0x3a9: {  	_ =	sfence.sel $0x180000  }
0x3aa: {  	[bflag:$0x0] =	sbarrier.arrive $0xFFFF  }
0x3ab: {  	_ =	strace $0x90000047  }
0x3ac: {  	s0 =	stileid.u32;
	[bflag:$0x2] =	sbarrier.arrive $0xFFFF  }
0x3ad: {  	p0 =	sne.s32 s0, $0x0;
	s0 =	rddreg [dreg:$0x4]  }
0x3ae: {  	s0 =	sadd.s32 @!p0 $0x100000, s0  }
0x3af: {  	[sflag:s0] =	ssyncadd.tile.s32 @!p0 $0x1;
	_ =	shalt  }
.Lfunc_end2:
_tile_overlayer_lowered:
.L_overlay_start_2:
0x3b0: {  	(tag) =	ssettag $0x2  }
0x3b1: {  	s0 =	rddreg [dreg:$0x0];
	s2 =	stileid.u32  }
0x3b2: {  	s1 =	rddreg [dreg:$0x1];
	p0 =	sne.s32 s2, $0x0  }
0x3b3: {  	s3 =	rddreg [dreg:$0x2];
	[bflag:$0x3] =	sbarrier.arrive $0xFFFF;
	s2 =	simm.s32 @!p0 $0x1C05  }
0x3b4: {  	[timem:s3], [sflag:s2] =	dma.local @!p0 [hbm:s0], s1  }
0x3b5: {  	s0 =	simm.s32 @!p0 $0x5  }
0x3b6: {  	_ =	swait.ge @!p0 [sflag:s0], s1  }
0x3b7: {  	s1 =	ssub.s32 @!p0 $0x0, s1;
	[sflag:s0] =	ssyncset.done @!p0 $0x0  }
0x3b8: {  	[sflag:s0] =	ssyncadd.s32 @!p0 s1  }
0x3b9: {  	[bflag:$0x3] =	sbarrier.arrive $0xFFFF  }
0x3ba: {  	_ =	shalt  }

</sc_bundles>
